<compile_context>
chip_gen: v7x
topology: tpu7x:2x2x1
jax: 0.10.2.dev20260603
libtpu: 0.0.44.dev20260713+nightly
codegen_flags: <defaults>
</compile_context>

<pallas_src>
import math
import functools

import jax
import jax.numpy as jnp
from jax import lax
from jax.experimental import pallas as pl
from jax.experimental.pallas import tpu as pltpu
from jax.experimental.pallas import tpu_sc as plsc

N_HEAD = 12
N_EXPERTS = 8
TOP_K = 2

BM = 256
BM2 = 256
NP = 8192 + N_EXPERTS * BM2
NB = NP // BM2


def _ln_matmul_body(x_ref, g_ref, b_ref, w_ref, wb_ref, o_ref):
    x = x_ref[...]
    mu = jnp.mean(x, axis=1, keepdims=True)
    d = x - mu
    var = jnp.mean(d * d, axis=1, keepdims=True)
    h = d * jax.lax.rsqrt(var + 1e-5) * g_ref[...] + b_ref[...]
    acc = jax.lax.dot(h, w_ref[...], preferred_element_type=jnp.float32)
    o_ref[...] = (acc + wb_ref[...]).astype(o_ref.dtype)


def _ln_matmul(x, g, b, w, wb, out_dtype):
    N, C = x.shape
    C2 = w.shape[1]
    return pl.pallas_call(
        _ln_matmul_body,
        grid=(N // BM,),
        in_specs=[
            pl.BlockSpec((BM, C), lambda i: (i, 0)),
            pl.BlockSpec((1, C), lambda i: (0, 0)),
            pl.BlockSpec((1, C), lambda i: (0, 0)),
            pl.BlockSpec((C, C2), lambda i: (0, 0)),
            pl.BlockSpec((1, C2), lambda i: (0, 0)),
        ],
        out_specs=pl.BlockSpec((BM, C2), lambda i: (i, 0)),
        out_shape=jax.ShapeDtypeStruct((N, C2), out_dtype),
    )(x, g.reshape(1, C), b.reshape(1, C), w, wb.reshape(1, C2))


def _attn_body(q_ref, k_ref, v_ref, o_ref, *, scale, T):
    i = pl.program_id(2)
    q = q_ref[0]
    k = k_ref[0]
    v = v_ref[0]
    s = jax.lax.dot_general(q, k, (((1,), (1,)), ((), ())),
                            preferred_element_type=jnp.float32) * scale
    qidx = i * BM + jax.lax.broadcasted_iota(jnp.int32, (BM, T), 0)
    kidx = jax.lax.broadcasted_iota(jnp.int32, (BM, T), 1)
    s = jnp.where(kidx <= qidx, s, -1e30)
    m = jnp.max(s, axis=1, keepdims=True)
    p = jnp.exp(s - m)
    p = p / jnp.sum(p, axis=1, keepdims=True)
    o_ref[0] = jax.lax.dot(p, v,
                           preferred_element_type=jnp.float32).astype(o_ref.dtype)


def _attention(qkv, B, T, C):
    hd = C // N_HEAD
    N = B * T
    scale = 1.0 / math.sqrt(hd)
    nq = T // BM
    y = pl.pallas_call(
        functools.partial(_attn_body, scale=scale, T=T),
        grid=(B, N_HEAD, nq),
        in_specs=[
            pl.BlockSpec((1, BM, hd), lambda b, h, i: (h, b * nq + i, 0)),
            pl.BlockSpec((1, T, hd), lambda b, h, i: (N_HEAD + h, b, 0)),
            pl.BlockSpec((1, T, hd), lambda b, h, i: (2 * N_HEAD + h, b, 0)),
        ],
        out_specs=pl.BlockSpec((1, BM, hd), lambda b, h, i: (h, b * nq + i, 0)),
        out_shape=jax.ShapeDtypeStruct((N_HEAD, N, hd), jnp.float32),
    )(qkv, qkv, qkv)
    return y.transpose(1, 0, 2).reshape(N, C)


def _proj_res_body(y_ref, w_ref, b_ref, x_ref, o_ref):
    acc = jax.lax.dot(y_ref[...], w_ref[...],
                      preferred_element_type=jnp.float32)
    o_ref[...] = acc + b_ref[...] + x_ref[...]


def _proj_residual(y, w, b, x):
    N, C = x.shape
    return pl.pallas_call(
        _proj_res_body,
        grid=(N // BM,),
        in_specs=[
            pl.BlockSpec((BM, C), lambda i: (i, 0)),
            pl.BlockSpec((C, C), lambda i: (0, 0)),
            pl.BlockSpec((1, C), lambda i: (0, 0)),
            pl.BlockSpec((BM, C), lambda i: (i, 0)),
        ],
        out_specs=pl.BlockSpec((BM, C), lambda i: (i, 0)),
        out_shape=jax.ShapeDtypeStruct((N, C), jnp.float32),
    )(y, w, b.reshape(1, C), x)


def _router_body(x_ref, g_ref, b_ref, rw_ref, h_ref, sel_ref):
    x = x_ref[...]
    mu = jnp.mean(x, axis=1, keepdims=True)
    d = x - mu
    var = jnp.mean(d * d, axis=1, keepdims=True)
    h = d * jax.lax.rsqrt(var + 1e-5) * g_ref[...] + b_ref[...]
    h_ref[...] = h.astype(jnp.bfloat16)
    logits = jax.lax.dot(h, rw_ref[...], preferred_element_type=jnp.float32)
    lane = jax.lax.broadcasted_iota(jnp.int32, logits.shape, 1)
    logits = jnp.where(lane < N_EXPERTS, logits, -1e30)
    v0 = jnp.max(logits, axis=1, keepdims=True)
    i0 = jnp.min(jnp.where(logits == v0, lane, 127), axis=1, keepdims=True)
    l2 = jnp.where(lane == i0, -1e30, logits)
    v1 = jnp.max(l2, axis=1, keepdims=True)
    i1 = jnp.min(jnp.where(l2 == v1, lane, 127), axis=1, keepdims=True)
    e1 = jnp.exp(v1 - v0)
    p0 = 1.0 / (1.0 + e1)
    p1 = e1 * p0
    sel = jnp.where(lane == 0, i0.astype(jnp.float32), 0.0)
    sel = sel + jnp.where(lane == 1, i1.astype(jnp.float32), 0.0)
    sel = sel + jnp.where(lane == 2, p0, 0.0)
    sel = sel + jnp.where(lane == 3, p1, 0.0)
    sel_ref[...] = sel


def _ln2_router(x, g, b, rw_pad):
    N, C = x.shape
    return pl.pallas_call(
        _router_body,
        grid=(N // BM,),
        in_specs=[
            pl.BlockSpec((BM, C), lambda i: (i, 0)),
            pl.BlockSpec((1, C), lambda i: (0, 0)),
            pl.BlockSpec((1, C), lambda i: (0, 0)),
            pl.BlockSpec((C, 128), lambda i: (0, 0)),
        ],
        out_specs=[
            pl.BlockSpec((BM, C), lambda i: (i, 0)),
            pl.BlockSpec((BM, 128), lambda i: (i, 0)),
        ],
        out_shape=[
            jax.ShapeDtypeStruct((N, C), jnp.bfloat16),
            jax.ShapeDtypeStruct((N, 128), jnp.float32),
        ],
    )(x, g.reshape(1, C), b.reshape(1, C), rw_pad)


def _route_body(i0_ref, i1_ref, d0_ref, d1_ref, meta_ref):
    i0 = i0_ref[...]
    i1 = i1_ref[...]
    R, L = i0.shape
    U = (jax.lax.broadcasted_iota(jnp.int32, (L, L), 0)
         < jax.lax.broadcasted_iota(jnp.int32, (L, L), 1)).astype(jnp.float32)
    Lt = (jax.lax.broadcasted_iota(jnp.int32, (R, R), 0)
          > jax.lax.broadcasted_iota(jnp.int32, (R, R), 1)).astype(jnp.float32)
    bidx = jax.lax.broadcasted_iota(jnp.int32, (1, 128), 1) * BM2
    d0 = jnp.zeros((R, L), jnp.int32)
    d1 = jnp.zeros((R, L), jnp.int32)
    blk = jnp.zeros((1, 128), jnp.int32)
    off = jnp.int32(0)
    for ee in range(N_EXPERTS):
        m0 = (i0 == ee)
        m1 = (i1 == ee)
        f0 = m0.astype(jnp.float32)
        f1 = m1.astype(jnp.float32)
        lp0 = jax.lax.dot(f0, U, preferred_element_type=jnp.float32)
        lp1 = jax.lax.dot(f1, U, preferred_element_type=jnp.float32)
        rs0 = jnp.sum(f0, axis=1, keepdims=True)
        rs1 = jnp.sum(f1, axis=1, keepdims=True)
        rp0 = jax.lax.dot(Lt, jnp.broadcast_to(rs0, (R, L)),
                          preferred_element_type=jnp.float32)
        rp1 = jax.lax.dot(Lt, jnp.broadcast_to(rs1, (R, L)),
                          preferred_element_type=jnp.float32)
        tot0 = jnp.sum(f0)
        cnt = (tot0 + jnp.sum(f1)).astype(jnp.int32)
        r0 = (rp0 + lp0).astype(jnp.int32)
        r1 = (tot0 + rp1 + lp1).astype(jnp.int32)
        d0 = jnp.where(m0, off + r0, d0)
        d1 = jnp.where(m1, off + r1, d1)
        blk = blk + jnp.where(bidx >= off, 1, 0)
        off = off + ((cnt + BM2 - 1) // BM2) * BM2
    d0_ref[...] = d0
    d1_ref[...] = d1
    meta_ref[...] = jnp.clip(blk - 1, 0, N_EXPERTS - 1)


def _route(i0, i1):
    R, L = i0.shape
    return pl.pallas_call(
        _route_body,
        grid=(1,),
        in_specs=[
            pl.BlockSpec((R, L), lambda i: (0, 0)),
            pl.BlockSpec((R, L), lambda i: (0, 0)),
        ],
        out_specs=[
            pl.BlockSpec((R, L), lambda i: (0, 0)),
            pl.BlockSpec((R, L), lambda i: (0, 0)),
            pl.BlockSpec((1, 128), lambda i: (0, 0)),
        ],
        out_shape=[
            jax.ShapeDtypeStruct((R, L), jnp.int32),
            jax.ShapeDtypeStruct((R, L), jnp.int32),
            jax.ShapeDtypeStruct((1, 128), jnp.int32),
        ],
    )(i0, i1)


def _sc_scatter(d0, d1, p0, p1):
    N = d0.shape[0]
    mesh = plsc.VectorSubcoreMesh(core_axis_name="c", subcore_axis_name="s")

    @functools.partial(
        pl.kernel, mesh=mesh,
        out_type=[
            jax.ShapeDtypeStruct((NP,), jnp.int32),
            jax.ShapeDtypeStruct((NP,), jnp.float32),
        ],
        scratch_types=[
            pltpu.VMEM((N,), jnp.int32),
            pltpu.VMEM((N,), jnp.int32),
            pltpu.VMEM((N,), jnp.float32),
            pltpu.VMEM((N,), jnp.float32),
            pltpu.VMEM((NP,), jnp.int32),
            pltpu.VMEM((NP,), jnp.float32),
        ],
        compiler_params=pltpu.CompilerParams(needs_layout_passes=False),
    )
    def k(d0_hbm, d1_hbm, p0_hbm, p1_hbm, st_hbm, sp_hbm,
          d0_v, d1_v, p0_v, p1_v, st_v, sp_v):
        wid = lax.axis_index("s") * 2 + lax.axis_index("c")

        @pl.when(wid == 0)
        def _():
            pltpu.sync_copy(d0_hbm, d0_v)
            pltpu.sync_copy(d1_hbm, d1_v)
            pltpu.sync_copy(p0_hbm, p0_v)
            pltpu.sync_copy(p1_hbm, p1_v)

            def init(i, carry):
                sl = pl.ds(i * 16, 16)
                st_v[sl] = jnp.zeros((16,), jnp.int32)
                sp_v[sl] = jnp.zeros((16,), jnp.float32)
                return carry

            lax.fori_loop(0, NP // 16, init, 0)

            def body(i, carry):
                sl = pl.ds(i * 16, 16)
                tok = lax.iota(jnp.int32, 16) + i * 16
                plsc.store_scatter(st_v, [d0_v[sl]], tok)
                plsc.store_scatter(sp_v, [d0_v[sl]], p0_v[sl])
                plsc.store_scatter(st_v, [d1_v[sl]], tok)
                plsc.store_scatter(sp_v, [d1_v[sl]], p1_v[sl])
                return carry

            lax.fori_loop(0, N // 16, body, 0)
            pltpu.sync_copy(st_v, st_hbm)
            pltpu.sync_copy(sp_v, sp_hbm)

    return k(d0, d1, p0, p1)


def _sc_gather(table, idx):
    NR = idx.shape[0]
    D = table.shape[1]
    NW = 32
    per_w = NR // NW
    CH = 80
    nch = per_w // CH
    mesh = plsc.VectorSubcoreMesh(core_axis_name="c", subcore_axis_name="s")

    @functools.partial(
        pl.kernel, mesh=mesh,
        out_type=jax.ShapeDtypeStruct((NR, D), jnp.int32),
        scratch_types=[
            pltpu.VMEM((per_w,), jnp.int32),
            pltpu.VMEM((CH, D), jnp.int32),
            pltpu.VMEM((CH, D), jnp.int32),
            pltpu.SemaphoreType.DMA,
            pltpu.SemaphoreType.DMA,
            pltpu.SemaphoreType.DMA,
            pltpu.SemaphoreType.DMA,
        ],
    )
    def k(table_hbm, idx_hbm, out_hbm, idx_v, buf0, buf1, sg0, sg1, sw0, sw1):
        wid = lax.axis_index("s") * 2 + lax.axis_index("c")
        base = wid * per_w
        pltpu.sync_copy(idx_hbm.at[pl.ds(base, per_w)], idx_v)
        bufs = (buf0, buf1)
        sg = (sg0, sg1)
        sw = (sw0, sw1)
        gd = [None, None]
        wd = [None, None]
        for c in range(nch):
            b = c & 1
            if wd[b] is not None:
                wd[b].wait()
            gd[b] = pltpu.make_async_copy(
                table_hbm.at[idx_v.at[pl.ds(c * CH, CH)]], bufs[b], sg[b])
            gd[b].start()
            if c >= 1:
                pb = (c - 1) & 1
                gd[pb].wait()
                wd[pb] = pltpu.make_async_copy(
                    bufs[pb], out_hbm.at[pl.ds(base + (c - 1) * CH, CH)], sw[pb])
                wd[pb].start()
        lb = (nch - 1) & 1
        gd[lb].wait()
        wd[lb] = pltpu.make_async_copy(
            bufs[lb], out_hbm.at[pl.ds(base + (nch - 1) * CH, CH)], sw[lb])
        wd[lb].start()
        if nch >= 2:
            wd[(nch - 2) & 1].wait()
        wd[lb].wait()

    return k(table, idx)


def _gelu(x):
    c = math.sqrt(2.0 / math.pi)
    return 0.5 * x * (1.0 + jnp.tanh(c * (x + 0.044715 * x * x * x)))


def _ffn_body(blk_ref, xg_ref, w1_ref, b1_ref, w2_ref, b2_ref, sp_ref, o_ref):
    xb = xg_ref[...]
    hid = jax.lax.dot(xb, w1_ref[0], preferred_element_type=jnp.float32)
    hid = _gelu(hid + b1_ref[0])
    out = jax.lax.dot(hid.astype(jnp.bfloat16), w2_ref[0],
                      preferred_element_type=jnp.float32)
    o_ref[...] = (sp_ref[...] * (out + b2_ref[0])).astype(jnp.bfloat16)


def _ffn_grouped(xg, w1, b1, w2, b2, sp, blk):
    E, C, H = w1.shape
    grid_spec = pltpu.PrefetchScalarGridSpec(
        num_scalar_prefetch=1,
        grid=(NB,),
        in_specs=[
            pl.BlockSpec((BM2, C), lambda b, blk: (b, 0)),
            pl.BlockSpec((1, C, H), lambda b, blk: (blk[b], 0, 0)),
            pl.BlockSpec((1, 1, H), lambda b, blk: (blk[b], 0, 0)),
            pl.BlockSpec((1, H, C), lambda b, blk: (blk[b], 0, 0)),
            pl.BlockSpec((1, 1, C), lambda b, blk: (blk[b], 0, 0)),
            pl.BlockSpec((BM2, 1), lambda b, blk: (b, 0)),
        ],
        out_specs=pl.BlockSpec((BM2, C), lambda b, blk: (b, 0)),
    )
    return pl.pallas_call(
        _ffn_body,
        grid_spec=grid_spec,
        out_shape=jax.ShapeDtypeStruct((NP, C), jnp.bfloat16),
    )(blk, xg, w1.astype(jnp.bfloat16), b1.reshape(E, 1, H),
      w2.astype(jnp.bfloat16), b2.reshape(E, 1, C), sp)


def _sc_gather2(pair, d0, d1):
    N = d0.shape[0]
    D = pair.shape[1]
    NW = 32
    per_w = N // NW
    mesh = plsc.VectorSubcoreMesh(core_axis_name="c", subcore_axis_name="s")

    @functools.partial(
        pl.kernel, mesh=mesh,
        out_type=[
            jax.ShapeDtypeStruct((N, D), jnp.int32),
            jax.ShapeDtypeStruct((N, D), jnp.int32),
        ],
        scratch_types=[
            pltpu.VMEM((per_w,), jnp.int32),
            pltpu.VMEM((per_w,), jnp.int32),
            pltpu.VMEM((per_w, D), jnp.int32),
            pltpu.VMEM((per_w, D), jnp.int32),
            pltpu.SemaphoreType.DMA,
            pltpu.SemaphoreType.DMA,
            pltpu.SemaphoreType.DMA,
            pltpu.SemaphoreType.DMA,
        ],
    )
    def k(pair_hbm, d0_hbm, d1_hbm, g0_hbm, g1_hbm,
          i0_v, i1_v, buf0, buf1, sg0, sg1, sw0, sw1):
        wid = lax.axis_index("s") * 2 + lax.axis_index("c")
        base = wid * per_w
        pltpu.sync_copy(d0_hbm.at[pl.ds(base, per_w)], i0_v)
        pltpu.sync_copy(d1_hbm.at[pl.ds(base, per_w)], i1_v)
        gd0 = pltpu.make_async_copy(pair_hbm.at[i0_v], buf0, sg0)
        gd0.start()
        gd1 = pltpu.make_async_copy(pair_hbm.at[i1_v], buf1, sg1)
        gd1.start()
        gd0.wait()
        wd0 = pltpu.make_async_copy(buf0, g0_hbm.at[pl.ds(base, per_w)], sw0)
        wd0.start()
        gd1.wait()
        wd1 = pltpu.make_async_copy(buf1, g1_hbm.at[pl.ds(base, per_w)], sw1)
        wd1.start()
        wd0.wait()
        wd1.wait()

    return k(pair, d0, d1)


def _combine_body(x_ref, g0_ref, g1_ref, o_ref):
    g0 = g0_ref[...].astype(jnp.float32)
    g1 = g1_ref[...].astype(jnp.float32)
    o_ref[...] = x_ref[...] + g0 + g1


def _combine(x1, g0, g1):
    N, C = x1.shape
    return pl.pallas_call(
        _combine_body,
        grid=(N // BM,),
        in_specs=[
            pl.BlockSpec((BM, C), lambda i: (i, 0)),
            pl.BlockSpec((BM, C), lambda i: (i, 0)),
            pl.BlockSpec((BM, C), lambda i: (i, 0)),
        ],
        out_specs=pl.BlockSpec((BM, C), lambda i: (i, 0)),
        out_shape=jax.ShapeDtypeStruct((N, C), jnp.float32),
    )(x1, g0, g1)


def kernel(x, ln1_g, ln1_b, c_attn_w, c_attn_b, c_proj_w, c_proj_b,
           ln2_g, ln2_b, router_w, w1, b1, w2, b2):
    B, T, C = x.shape
    N = B * T
    xf = x.reshape(N, C)
    qkv = _ln_matmul(xf, ln1_g, ln1_b, c_attn_w, c_attn_b, jnp.float32)
    hd = C // N_HEAD
    qkv_h = qkv.reshape(N, 3 * N_HEAD, hd).transpose(1, 0, 2)
    y = _attention(qkv_h, B, T, C)
    x1 = _proj_residual(y, c_proj_w, c_proj_b, xf)
    rw_pad = jnp.pad(router_w, ((0, 0), (0, 128 - N_EXPERTS)))
    h2b, sel = _ln2_router(x1, ln2_g, ln2_b, rw_pad)
    h2p = jax.lax.bitcast_convert_type(h2b.reshape(N, C // 2, 2), jnp.int32)
    i0 = sel[:, 0].astype(jnp.int32).reshape(N // 128, 128)
    i1 = sel[:, 1].astype(jnp.int32).reshape(N // 128, 128)
    p0 = sel[:, 2]
    p1 = sel[:, 3]
    d0, d1, meta = _route(i0, i1)
    d0f = d0.reshape(N)
    d1f = d1.reshape(N)
    st, sp = _sc_scatter(d0f, d1f, p0, p1)
    xgi = _sc_gather(h2p, st)
    xgb = jax.lax.bitcast_convert_type(xgi, jnp.bfloat16).reshape(NP, C)
    blk = meta.reshape(128)[:NB]
    pairb = _ffn_grouped(xgb, w1, b1, w2, b2, sp.reshape(NP, 1), blk)
    pairi = jax.lax.bitcast_convert_type(
        pairb.reshape(NP, C // 2, 2), jnp.int32)
    g0i, g1i = _sc_gather2(pairi, d0f, d1f)
    g0b = jax.lax.bitcast_convert_type(g0i, jnp.bfloat16).reshape(N, C)
    g1b = jax.lax.bitcast_convert_type(g1i, jnp.bfloat16).reshape(N, C)
    out = _combine(x1, g0b, g1b)
    return out.reshape(B, T, C)

# --- scband reference (transcript-rebuilt; emitter-appended) ---
"""Pipeline reference for scband-block-76596446757253 (READ-ONLY COPY).

The authoritative reference and input builder live on the scoring server;
editing this copy changes nothing except your own understanding.
"""

import jax, jax.numpy as jnp
import numpy as np
import math

N_HEAD = 12
N_EXPERTS = 8
TOP_K = 2


def _layernorm(x, g, b, eps=1e-5):
    mu = jnp.mean(x, axis=-1, keepdims=True)
    var = jnp.var(x, axis=-1, keepdims=True)
    return (x - mu) / jnp.sqrt(var + eps) * g + b


def _new_gelu(x):
    return 0.5 * x * (1.0 + jnp.tanh(math.sqrt(2.0 / math.pi) * (x + 0.044715 * jnp.power(x, 3.0))))


def setup_inputs(seed: int = 0) -> dict:
    key = jax.random.key(seed)
    ks = jax.random.split(key, 12)
    B, T, C = 2, 2048, 768
    E, H = N_EXPERTS, 4 * C
    x = jax.random.normal(ks[0], (B, T, C), dtype=jnp.float32)
    ln1_g = jnp.ones((C,), jnp.float32)
    ln1_b = jnp.zeros((C,), jnp.float32)
    c_attn_w = jax.random.normal(ks[1], (C, 3 * C), dtype=jnp.float32) * 0.02
    c_attn_b = jnp.zeros((3 * C,), jnp.float32)
    c_proj_w = jax.random.normal(ks[2], (C, C), dtype=jnp.float32) * 0.02
    c_proj_b = jnp.zeros((C,), jnp.float32)
    ln2_g = jnp.ones((C,), jnp.float32)
    ln2_b = jnp.zeros((C,), jnp.float32)
    router_w = jax.random.normal(ks[3], (C, E), dtype=jnp.float32) * 0.02
    w1 = jax.random.normal(ks[4], (E, C, H), dtype=jnp.float32) * 0.02
    b1 = jnp.zeros((E, H), jnp.float32)
    w2 = jax.random.normal(ks[5], (E, H, C), dtype=jnp.float32) * 0.02
    b2 = jnp.zeros((E, C), jnp.float32)
    return {"x": x, "ln1_g": ln1_g, "ln1_b": ln1_b, "c_attn_w": c_attn_w, "c_attn_b": c_attn_b,
            "c_proj_w": c_proj_w, "c_proj_b": c_proj_b, "ln2_g": ln2_g, "ln2_b": ln2_b,
            "router_w": router_w, "w1": w1, "b1": b1, "w2": w2, "b2": b2}


def reference(x, ln1_g, ln1_b, c_attn_w, c_attn_b, c_proj_w, c_proj_b, ln2_g, ln2_b, router_w, w1, b1, w2, b2):
    B, T, C = x.shape
    hd = C // N_HEAD
    # ---- causal self attention on ln_1(x) ----
    h = _layernorm(x, ln1_g, ln1_b)
    qkv = h @ c_attn_w + c_attn_b
    q, k, v = jnp.split(qkv, 3, axis=2)
    q = q.reshape(B, T, N_HEAD, hd).transpose(0, 2, 1, 3)
    k = k.reshape(B, T, N_HEAD, hd).transpose(0, 2, 1, 3)
    v = v.reshape(B, T, N_HEAD, hd).transpose(0, 2, 1, 3)
    att = (q @ k.transpose(0, 1, 3, 2)) * (1.0 / math.sqrt(hd))
    mask = jnp.tril(jnp.ones((T, T), dtype=jnp.float32))[None, None, :, :]
    att = jnp.where(mask == 0, -jnp.inf, att)
    att = jax.nn.softmax(att, axis=-1)
    y = att @ v
    y = y.transpose(0, 2, 1, 3).reshape(B, T, C)
    y = y @ c_proj_w + c_proj_b
    x = x + y
    # ---- MoE feed-forward on ln_2(x) ----
    h2 = _layernorm(x, ln2_g, ln2_b)
    flat = h2.reshape(B * T, C)
    N = B * T
    router_logits = flat @ router_w
    router_probs = jax.nn.softmax(router_logits, axis=-1)
    topk_probs, topk_idx = jax.lax.top_k(router_probs, TOP_K)
    topk_probs = topk_probs / jnp.sum(topk_probs, axis=-1, keepdims=True)
    # combine weights per (token, expert) via scatter-add (SparseCore-friendly)
    combine = jnp.zeros((N, N_EXPERTS), jnp.float32).at[jnp.arange(N)[:, None], topk_idx].add(topk_probs)
    y_flat = jnp.zeros_like(flat)
    for e in range(N_EXPERTS):
        hid = _new_gelu(flat @ w1[e] + b1[e])
        out_e = hid @ w2[e] + b2[e]
        y_flat = y_flat + combine[:, e:e + 1] * out_e
    return x + y_flat.reshape(B, T, C)

if __name__ == "__main__":
    import jax
    _d = setup_inputs()
    print(jax.jit(kernel)(*tuple(_d.values())))

</pallas_src>

<mosaic_0001>
#map = affine_map<(d0, d1) -> (0, 0)>
#map1 = affine_map<(d0, d1) -> (0)>
module attributes {stable_mosaic.version = 14 : i64} {
  func.func @k(%arg0: i32, %arg1: i32, %arg2: memref<4096x384xi32, #tpu.memory_space<hbm>>, %arg3: memref<10240xi32, #tpu.memory_space<hbm>>, %arg4: memref<10240x384xi32, #tpu.memory_space<hbm>>, %arg5: memref<320xi32, #tpu.memory_space<vmem>>, %arg6: memref<80x384xi32, #tpu.memory_space<vmem>>, %arg7: memref<80x384xi32, #tpu.memory_space<vmem>>, %arg8: memref<!tpu.dma_semaphore, #tpu.memory_space<semaphore_mem>>, %arg9: memref<!tpu.dma_semaphore, #tpu.memory_space<semaphore_mem>>, %arg10: memref<!tpu.dma_semaphore, #tpu.memory_space<semaphore_mem>>, %arg11: memref<!tpu.dma_semaphore, #tpu.memory_space<semaphore_mem>>) attributes {dimension_semantics = [#tpu.dimension_semantics<core_parallel>, #tpu.dimension_semantics<subcore_parallel>], iteration_bounds = array<i64: 2, 16>, scalar_prefetch = 0 : i64, scratch_operands = 7 : i64, tpu.core_type = #tpu.core_type<sc_vector_subcore>, window_params = [{transform_indices = #map}, {transform_indices = #map1}, {transform_indices = #map}]} {
    %mul3A = arith.constant 2 : i32
    %mul3A_0 = arith.muli %arg1, %mul3A : i32
    %add3A = arith.addi %mul3A_0, %arg0 : i32
    %mul3A_1 = arith.constant 320 : i32
    %mul3A_2 = arith.muli %add3A, %mul3A_1 : i32
    "tpu.region"() ({
      %run_scoped3A = tpu.sem_alloc : memref<!tpu.dma_semaphore, #tpu.memory_space<semaphore_mem>>
      %dma_start3A_81 = tpu.memref_slice %arg3[%mul3A_2] : memref<10240xi32, #tpu.memory_space<hbm>> -> memref<320xi32, #tpu.memory_space<hbm>>
      %dma_start3A_82 = tpu.memref_slice %arg3[%mul3A_2] : memref<10240xi32, #tpu.memory_space<hbm>> -> memref<320xi32, #tpu.memory_space<hbm>>
      tpu.enqueue_dma source(%dma_start3A_82 : memref<320xi32, #tpu.memory_space<hbm>>) target(%arg5 : memref<320xi32, #tpu.memory_space<vmem>>) target_semaphore(%run_scoped3A : memref<!tpu.dma_semaphore, #tpu.memory_space<semaphore_mem>>)
      %dma_wait3A_83 = tpu.memref_slice %arg3[%mul3A_2] : memref<10240xi32, #tpu.memory_space<hbm>> -> memref<320xi32, #tpu.memory_space<hbm>>
      %dma_wait3A_84 = tpu.memref_slice %arg3[%mul3A_2] : memref<10240xi32, #tpu.memory_space<hbm>> -> memref<320xi32, #tpu.memory_space<hbm>>
      tpu.wait_dma2 semaphore(%run_scoped3A : memref<!tpu.dma_semaphore, #tpu.memory_space<semaphore_mem>>) src(%dma_wait3A_84 : memref<320xi32, #tpu.memory_space<hbm>>) dst(%arg5 : memref<320xi32, #tpu.memory_space<vmem>>)
      tpu.yield
    }) : () -> ()
    %dma_start3A = arith.constant 0 : i32
    %dma_start3A_3 = tpu.memref_slice %arg5[%dma_start3A] : memref<320xi32, #tpu.memory_space<vmem>> -> memref<80xi32, #tpu.memory_space<vmem>>
    %dma_start3A_4 = arith.constant 0 : i32
    %dma_start3A_5 = arith.constant 0 : i32
    %dma_start3A_6 = tpu.memref_slice %arg2[%dma_start3A_4, %dma_start3A_5] : memref<4096x384xi32, #tpu.memory_space<hbm>> -> memref<4096x384xi32, #tpu.memory_space<hbm>>
    tpu.enqueue_indirect_dma source(%dma_start3A_6 : memref<4096x384xi32, #tpu.memory_space<hbm>>) target(%arg6 : memref<80x384xi32, #tpu.memory_space<vmem>>) offsets(%dma_start3A_3 : memref<80xi32, #tpu.memory_space<vmem>>) semaphore(%arg8 : memref<!tpu.dma_semaphore, #tpu.memory_space<semaphore_mem>>)
    %dma_start3A_7 = arith.constant 80 : i32
    %dma_start3A_8 = tpu.memref_slice %arg5[%dma_start3A_7] : memref<320xi32, #tpu.memory_space<vmem>> -> memref<80xi32, #tpu.memory_space<vmem>>
    %dma_start3A_9 = arith.constant 0 : i32
    %dma_start3A_10 = arith.constant 0 : i32
    %dma_start3A_11 = tpu.memref_slice %arg2[%dma_start3A_9, %dma_start3A_10] : memref<4096x384xi32, #tpu.memory_space<hbm>> -> memref<4096x384xi32, #tpu.memory_space<hbm>>
    tpu.enqueue_indirect_dma source(%dma_start3A_11 : memref<4096x384xi32, #tpu.memory_space<hbm>>) target(%arg7 : memref<80x384xi32, #tpu.memory_space<vmem>>) offsets(%dma_start3A_8 : memref<80xi32, #tpu.memory_space<vmem>>) semaphore(%arg9 : memref<!tpu.dma_semaphore, #tpu.memory_space<semaphore_mem>>)
    %dma_wait3A = arith.constant 0 : i32
    %dma_wait3A_12 = tpu.memref_slice %arg5[%dma_wait3A] : memref<320xi32, #tpu.memory_space<vmem>> -> memref<80xi32, #tpu.memory_space<vmem>>
    %dma_wait3A_13 = arith.constant 0 : i32
    %dma_wait3A_14 = arith.constant 0 : i32
    %dma_wait3A_15 = tpu.memref_slice %arg2[%dma_wait3A_13, %dma_wait3A_14] : memref<4096x384xi32, #tpu.memory_space<hbm>> -> memref<4096x384xi32, #tpu.memory_space<hbm>>
    tpu.wait_indirect_dma semaphore(%arg8 : memref<!tpu.dma_semaphore, #tpu.memory_space<semaphore_mem>>) src(%dma_wait3A_15 : memref<4096x384xi32, #tpu.memory_space<hbm>>) dst(%arg6 : memref<80x384xi32, #tpu.memory_space<vmem>>)
    %add3A_16 = arith.constant 0 : i32
    %add3A_17 = arith.addi %mul3A_2, %add3A_16 : i32
    %dma_start3A_18 = arith.constant 0 : i32
    %dma_start3A_19 = tpu.memref_slice %arg4[%add3A_17, %dma_start3A_18] : memref<10240x384xi32, #tpu.memory_space<hbm>> -> memref<80x384xi32, #tpu.memory_space<hbm>>
    %dma_start3A_20 = arith.constant 0 : i32
    %dma_start3A_21 = tpu.memref_slice %arg4[%add3A_17, %dma_start3A_20] : memref<10240x384xi32, #tpu.memory_space<hbm>> -> memref<80x384xi32, #tpu.memory_space<hbm>>
    tpu.enqueue_dma source(%arg6 : memref<80x384xi32, #tpu.memory_space<vmem>>) target(%dma_start3A_21 : memref<80x384xi32, #tpu.memory_space<hbm>>) target_semaphore(%arg10 : memref<!tpu.dma_semaphore, #tpu.memory_space<semaphore_mem>>)
    %dma_wait3A_22 = arith.constant 0 : i32
    %dma_wait3A_23 = tpu.memref_slice %arg4[%add3A_17, %dma_wait3A_22] : memref<10240x384xi32, #tpu.memory_space<hbm>> -> memref<80x384xi32, #tpu.memory_space<hbm>>
    %dma_wait3A_24 = arith.constant 0 : i32
    %dma_wait3A_25 = tpu.memref_slice %arg4[%add3A_17, %dma_wait3A_24] : memref<10240x384xi32, #tpu.memory_space<hbm>> -> memref<80x384xi32, #tpu.memory_space<hbm>>
    tpu.wait_dma2 semaphore(%arg10 : memref<!tpu.dma_semaphore, #tpu.memory_space<semaphore_mem>>) src(%arg6 : memref<80x384xi32, #tpu.memory_space<vmem>>) dst(%dma_wait3A_25 : memref<80x384xi32, #tpu.memory_space<hbm>>)
    %dma_start3A_26 = arith.constant 160 : i32
    %dma_start3A_27 = tpu.memref_slice %arg5[%dma_start3A_26] : memref<320xi32, #tpu.memory_space<vmem>> -> memref<80xi32, #tpu.memory_space<vmem>>
    %dma_start3A_28 = arith.constant 0 : i32
    %dma_start3A_29 = arith.constant 0 : i32
    %dma_start3A_30 = tpu.memref_slice %arg2[%dma_start3A_28, %dma_start3A_29] : memref<4096x384xi32, #tpu.memory_space<hbm>> -> memref<4096x384xi32, #tpu.memory_space<hbm>>
    tpu.enqueue_indirect_dma source(%dma_start3A_30 : memref<4096x384xi32, #tpu.memory_space<hbm>>) target(%arg6 : memref<80x384xi32, #tpu.memory_space<vmem>>) offsets(%dma_start3A_27 : memref<80xi32, #tpu.memory_space<vmem>>) semaphore(%arg8 : memref<!tpu.dma_semaphore, #tpu.memory_space<semaphore_mem>>)
    %dma_wait3A_31 = arith.constant 80 : i32
    %dma_wait3A_32 = tpu.memref_slice %arg5[%dma_wait3A_31] : memref<320xi32, #tpu.memory_space<vmem>> -> memref<80xi32, #tpu.memory_space<vmem>>
    %dma_wait3A_33 = arith.constant 0 : i32
    %dma_wait3A_34 = arith.constant 0 : i32
    %dma_wait3A_35 = tpu.memref_slice %arg2[%dma_wait3A_33, %dma_wait3A_34] : memref<4096x384xi32, #tpu.memory_space<hbm>> -> memref<4096x384xi32, #tpu.memory_space<hbm>>
    tpu.wait_indirect_dma semaphore(%arg9 : memref<!tpu.dma_semaphore, #tpu.memory_space<semaphore_mem>>) src(%dma_wait3A_35 : memref<4096x384xi32, #tpu.memory_space<hbm>>) dst(%arg7 : memref<80x384xi32, #tpu.memory_space<vmem>>)
    %add3A_36 = arith.constant 80 : i32
    %add3A_37 = arith.addi %mul3A_2, %add3A_36 : i32
    %dma_start3A_38 = arith.constant 0 : i32
    %dma_start3A_39 = tpu.memref_slice %arg4[%add3A_37, %dma_start3A_38] : memref<10240x384xi32, #tpu.memory_space<hbm>> -> memref<80x384xi32, #tpu.memory_space<hbm>>
    %dma_start3A_40 = arith.constant 0 : i32
    %dma_start3A_41 = tpu.memref_slice %arg4[%add3A_37, %dma_start3A_40] : memref<10240x384xi32, #tpu.memory_space<hbm>> -> memref<80x384xi32, #tpu.memory_space<hbm>>
    tpu.enqueue_dma source(%arg7 : memref<80x384xi32, #tpu.memory_space<vmem>>) target(%dma_start3A_41 : memref<80x384xi32, #tpu.memory_space<hbm>>) target_semaphore(%arg11 : memref<!tpu.dma_semaphore, #tpu.memory_space<semaphore_mem>>)
    %dma_wait3A_42 = arith.constant 0 : i32
    %dma_wait3A_43 = tpu.memref_slice %arg4[%add3A_37, %dma_wait3A_42] : memref<10240x384xi32, #tpu.memory_space<hbm>> -> memref<80x384xi32, #tpu.memory_space<hbm>>
    %dma_wait3A_44 = arith.constant 0 : i32
    %dma_wait3A_45 = tpu.memref_slice %arg4[%add3A_37, %dma_wait3A_44] : memref<10240x384xi32, #tpu.memory_space<hbm>> -> memref<80x384xi32, #tpu.memory_space<hbm>>
    tpu.wait_dma2 semaphore(%arg11 : memref<!tpu.dma_semaphore, #tpu.memory_space<semaphore_mem>>) src(%arg7 : memref<80x384xi32, #tpu.memory_space<vmem>>) dst(%dma_wait3A_45 : memref<80x384xi32, #tpu.memory_space<hbm>>)
    %dma_start3A_46 = arith.constant 240 : i32
    %dma_start3A_47 = tpu.memref_slice %arg5[%dma_start3A_46] : memref<320xi32, #tpu.memory_space<vmem>> -> memref<80xi32, #tpu.memory_space<vmem>>
    %dma_start3A_48 = arith.constant 0 : i32
    %dma_start3A_49 = arith.constant 0 : i32
    %dma_start3A_50 = tpu.memref_slice %arg2[%dma_start3A_48, %dma_start3A_49] : memref<4096x384xi32, #tpu.memory_space<hbm>> -> memref<4096x384xi32, #tpu.memory_space<hbm>>
    tpu.enqueue_indirect_dma source(%dma_start3A_50 : memref<4096x384xi32, #tpu.memory_space<hbm>>) target(%arg7 : memref<80x384xi32, #tpu.memory_space<vmem>>) offsets(%dma_start3A_47 : memref<80xi32, #tpu.memory_space<vmem>>) semaphore(%arg9 : memref<!tpu.dma_semaphore, #tpu.memory_space<semaphore_mem>>)
    %dma_wait3A_51 = arith.constant 160 : i32
    %dma_wait3A_52 = tpu.memref_slice %arg5[%dma_wait3A_51] : memref<320xi32, #tpu.memory_space<vmem>> -> memref<80xi32, #tpu.memory_space<vmem>>
    %dma_wait3A_53 = arith.constant 0 : i32
    %dma_wait3A_54 = arith.constant 0 : i32
    %dma_wait3A_55 = tpu.memref_slice %arg2[%dma_wait3A_53, %dma_wait3A_54] : memref<4096x384xi32, #tpu.memory_space<hbm>> -> memref<4096x384xi32, #tpu.memory_space<hbm>>
    tpu.wait_indirect_dma semaphore(%arg8 : memref<!tpu.dma_semaphore, #tpu.memory_space<semaphore_mem>>) src(%dma_wait3A_55 : memref<4096x384xi32, #tpu.memory_space<hbm>>) dst(%arg6 : memref<80x384xi32, #tpu.memory_space<vmem>>)
    %add3A_56 = arith.constant 160 : i32
    %add3A_57 = arith.addi %mul3A_2, %add3A_56 : i32
    %dma_start3A_58 = arith.constant 0 : i32
    %dma_start3A_59 = tpu.memref_slice %arg4[%add3A_57, %dma_start3A_58] : memref<10240x384xi32, #tpu.memory_space<hbm>> -> memref<80x384xi32, #tpu.memory_space<hbm>>
    %dma_start3A_60 = arith.constant 0 : i32
    %dma_start3A_61 = tpu.memref_slice %arg4[%add3A_57, %dma_start3A_60] : memref<10240x384xi32, #tpu.memory_space<hbm>> -> memref<80x384xi32, #tpu.memory_space<hbm>>
    tpu.enqueue_dma source(%arg6 : memref<80x384xi32, #tpu.memory_space<vmem>>) target(%dma_start3A_61 : memref<80x384xi32, #tpu.memory_space<hbm>>) target_semaphore(%arg10 : memref<!tpu.dma_semaphore, #tpu.memory_space<semaphore_mem>>)
    %dma_wait3A_62 = arith.constant 240 : i32
    %dma_wait3A_63 = tpu.memref_slice %arg5[%dma_wait3A_62] : memref<320xi32, #tpu.memory_space<vmem>> -> memref<80xi32, #tpu.memory_space<vmem>>
    %dma_wait3A_64 = arith.constant 0 : i32
    %dma_wait3A_65 = arith.constant 0 : i32
    %dma_wait3A_66 = tpu.memref_slice %arg2[%dma_wait3A_64, %dma_wait3A_65] : memref<4096x384xi32, #tpu.memory_space<hbm>> -> memref<4096x384xi32, #tpu.memory_space<hbm>>
    tpu.wait_indirect_dma semaphore(%arg9 : memref<!tpu.dma_semaphore, #tpu.memory_space<semaphore_mem>>) src(%dma_wait3A_66 : memref<4096x384xi32, #tpu.memory_space<hbm>>) dst(%arg7 : memref<80x384xi32, #tpu.memory_space<vmem>>)
    %add3A_67 = arith.constant 240 : i32
    %add3A_68 = arith.addi %mul3A_2, %add3A_67 : i32
    %dma_start3A_69 = arith.constant 0 : i32
    %dma_start3A_70 = tpu.memref_slice %arg4[%add3A_68, %dma_start3A_69] : memref<10240x384xi32, #tpu.memory_space<hbm>> -> memref<80x384xi32, #tpu.memory_space<hbm>>
    %dma_start3A_71 = arith.constant 0 : i32
    %dma_start3A_72 = tpu.memref_slice %arg4[%add3A_68, %dma_start3A_71] : memref<10240x384xi32, #tpu.memory_space<hbm>> -> memref<80x384xi32, #tpu.memory_space<hbm>>
    tpu.enqueue_dma source(%arg7 : memref<80x384xi32, #tpu.memory_space<vmem>>) target(%dma_start3A_72 : memref<80x384xi32, #tpu.memory_space<hbm>>) target_semaphore(%arg11 : memref<!tpu.dma_semaphore, #tpu.memory_space<semaphore_mem>>)
    %dma_wait3A_73 = arith.constant 0 : i32
    %dma_wait3A_74 = tpu.memref_slice %arg4[%add3A_57, %dma_wait3A_73] : memref<10240x384xi32, #tpu.memory_space<hbm>> -> memref<80x384xi32, #tpu.memory_space<hbm>>
    %dma_wait3A_75 = arith.constant 0 : i32
    %dma_wait3A_76 = tpu.memref_slice %arg4[%add3A_57, %dma_wait3A_75] : memref<10240x384xi32, #tpu.memory_space<hbm>> -> memref<80x384xi32, #tpu.memory_space<hbm>>
    tpu.wait_dma2 semaphore(%arg10 : memref<!tpu.dma_semaphore, #tpu.memory_space<semaphore_mem>>) src(%arg6 : memref<80x384xi32, #tpu.memory_space<vmem>>) dst(%dma_wait3A_76 : memref<80x384xi32, #tpu.memory_space<hbm>>)
    %dma_wait3A_77 = arith.constant 0 : i32
    %dma_wait3A_78 = tpu.memref_slice %arg4[%add3A_68, %dma_wait3A_77] : memref<10240x384xi32, #tpu.memory_space<hbm>> -> memref<80x384xi32, #tpu.memory_space<hbm>>
    %dma_wait3A_79 = arith.constant 0 : i32
    %dma_wait3A_80 = tpu.memref_slice %arg4[%add3A_68, %dma_wait3A_79] : memref<10240x384xi32, #tpu.memory_space<hbm>> -> memref<80x384xi32, #tpu.memory_space<hbm>>
    tpu.wait_dma2 semaphore(%arg11 : memref<!tpu.dma_semaphore, #tpu.memory_space<semaphore_mem>>) src(%arg7 : memref<80x384xi32, #tpu.memory_space<vmem>>) dst(%dma_wait3A_80 : memref<80x384xi32, #tpu.memory_space<hbm>>)
    return
  }
}

#map = affine_map<(d0, d1) -> (0, 0)>
#map1 = affine_map<(d0, d1) -> (0)>
module attributes {stable_mosaic.version = 14 : i64} {
  func.func @k(%arg0: i32, %arg1: i32, %arg2: memref<10240x384xi32, #tpu.memory_space<hbm>>, %arg3: memref<4096xi32, #tpu.memory_space<hbm>>, %arg4: memref<4096xi32, #tpu.memory_space<hbm>>, %arg5: memref<4096x384xi32, #tpu.memory_space<hbm>>, %arg6: memref<4096x384xi32, #tpu.memory_space<hbm>>, %arg7: memref<128xi32, #tpu.memory_space<vmem>>, %arg8: memref<128xi32, #tpu.memory_space<vmem>>, %arg9: memref<128x384xi32, #tpu.memory_space<vmem>>, %arg10: memref<128x384xi32, #tpu.memory_space<vmem>>, %arg11: memref<!tpu.dma_semaphore, #tpu.memory_space<semaphore_mem>>, %arg12: memref<!tpu.dma_semaphore, #tpu.memory_space<semaphore_mem>>, %arg13: memref<!tpu.dma_semaphore, #tpu.memory_space<semaphore_mem>>, %arg14: memref<!tpu.dma_semaphore, #tpu.memory_space<semaphore_mem>>) attributes {dimension_semantics = [#tpu.dimension_semantics<core_parallel>, #tpu.dimension_semantics<subcore_parallel>], iteration_bounds = array<i64: 2, 16>, scalar_prefetch = 0 : i64, scratch_operands = 8 : i64, tpu.core_type = #tpu.core_type<sc_vector_subcore>, window_params = [{transform_indices = #map}, {transform_indices = #map1}, {transform_indices = #map1}, {transform_indices = #map}, {transform_indices = #map}]} {
    %mul3A = arith.constant 2 : i32
    %mul3A_0 = arith.muli %arg1, %mul3A : i32
    %add3A = arith.addi %mul3A_0, %arg0 : i32
    %mul3A_1 = arith.constant 128 : i32
    %mul3A_2 = arith.muli %add3A, %mul3A_1 : i32
    "tpu.region"() ({
      %run_scoped3A = tpu.sem_alloc : memref<!tpu.dma_semaphore, #tpu.memory_space<semaphore_mem>>
      %dma_start3A_29 = tpu.memref_slice %arg3[%mul3A_2] : memref<4096xi32, #tpu.memory_space<hbm>> -> memref<128xi32, #tpu.memory_space<hbm>>
      %dma_start3A_30 = tpu.memref_slice %arg3[%mul3A_2] : memref<4096xi32, #tpu.memory_space<hbm>> -> memref<128xi32, #tpu.memory_space<hbm>>
      tpu.enqueue_dma source(%dma_start3A_30 : memref<128xi32, #tpu.memory_space<hbm>>) target(%arg7 : memref<128xi32, #tpu.memory_space<vmem>>) target_semaphore(%run_scoped3A : memref<!tpu.dma_semaphore, #tpu.memory_space<semaphore_mem>>)
      %dma_wait3A_31 = tpu.memref_slice %arg3[%mul3A_2] : memref<4096xi32, #tpu.memory_space<hbm>> -> memref<128xi32, #tpu.memory_space<hbm>>
      %dma_wait3A_32 = tpu.memref_slice %arg3[%mul3A_2] : memref<4096xi32, #tpu.memory_space<hbm>> -> memref<128xi32, #tpu.memory_space<hbm>>
      tpu.wait_dma2 semaphore(%run_scoped3A : memref<!tpu.dma_semaphore, #tpu.memory_space<semaphore_mem>>) src(%dma_wait3A_32 : memref<128xi32, #tpu.memory_space<hbm>>) dst(%arg7 : memref<128xi32, #tpu.memory_space<vmem>>)
      tpu.yield
    }) : () -> ()
    "tpu.region"() ({
      %run_scoped3A = tpu.sem_alloc : memref<!tpu.dma_semaphore, #tpu.memory_space<semaphore_mem>>
      %dma_start3A_29 = tpu.memref_slice %arg4[%mul3A_2] : memref<4096xi32, #tpu.memory_space<hbm>> -> memref<128xi32, #tpu.memory_space<hbm>>
      %dma_start3A_30 = tpu.memref_slice %arg4[%mul3A_2] : memref<4096xi32, #tpu.memory_space<hbm>> -> memref<128xi32, #tpu.memory_space<hbm>>
      tpu.enqueue_dma source(%dma_start3A_30 : memref<128xi32, #tpu.memory_space<hbm>>) target(%arg8 : memref<128xi32, #tpu.memory_space<vmem>>) target_semaphore(%run_scoped3A : memref<!tpu.dma_semaphore, #tpu.memory_space<semaphore_mem>>)
      %dma_wait3A_31 = tpu.memref_slice %arg4[%mul3A_2] : memref<4096xi32, #tpu.memory_space<hbm>> -> memref<128xi32, #tpu.memory_space<hbm>>
      %dma_wait3A_32 = tpu.memref_slice %arg4[%mul3A_2] : memref<4096xi32, #tpu.memory_space<hbm>> -> memref<128xi32, #tpu.memory_space<hbm>>
      tpu.wait_dma2 semaphore(%run_scoped3A : memref<!tpu.dma_semaphore, #tpu.memory_space<semaphore_mem>>) src(%dma_wait3A_32 : memref<128xi32, #tpu.memory_space<hbm>>) dst(%arg8 : memref<128xi32, #tpu.memory_space<vmem>>)
      tpu.yield
    }) : () -> ()
    %dma_start3A = arith.constant 0 : i32
    %dma_start3A_3 = arith.constant 0 : i32
    %dma_start3A_4 = tpu.memref_slice %arg2[%dma_start3A, %dma_start3A_3] : memref<10240x384xi32, #tpu.memory_space<hbm>> -> memref<10240x384xi32, #tpu.memory_space<hbm>>
    tpu.enqueue_indirect_dma source(%dma_start3A_4 : memref<10240x384xi32, #tpu.memory_space<hbm>>) target(%arg9 : memref<128x384xi32, #tpu.memory_space<vmem>>) offsets(%arg7 : memref<128xi32, #tpu.memory_space<vmem>>) semaphore(%arg11 : memref<!tpu.dma_semaphore, #tpu.memory_space<semaphore_mem>>)
    %dma_start3A_5 = arith.constant 0 : i32
    %dma_start3A_6 = arith.constant 0 : i32
    %dma_start3A_7 = tpu.memref_slice %arg2[%dma_start3A_5, %dma_start3A_6] : memref<10240x384xi32, #tpu.memory_space<hbm>> -> memref<10240x384xi32, #tpu.memory_space<hbm>>
    tpu.enqueue_indirect_dma source(%dma_start3A_7 : memref<10240x384xi32, #tpu.memory_space<hbm>>) target(%arg10 : memref<128x384xi32, #tpu.memory_space<vmem>>) offsets(%arg8 : memref<128xi32, #tpu.memory_space<vmem>>) semaphore(%arg12 : memref<!tpu.dma_semaphore, #tpu.memory_space<semaphore_mem>>)
    %dma_wait3A = arith.constant 0 : i32
    %dma_wait3A_8 = arith.constant 0 : i32
    %dma_wait3A_9 = tpu.memref_slice %arg2[%dma_wait3A, %dma_wait3A_8] : memref<10240x384xi32, #tpu.memory_space<hbm>> -> memref<10240x384xi32, #tpu.memory_space<hbm>>
    tpu.wait_indirect_dma semaphore(%arg11 : memref<!tpu.dma_semaphore, #tpu.memory_space<semaphore_mem>>) src(%dma_wait3A_9 : memref<10240x384xi32, #tpu.memory_space<hbm>>) dst(%arg9 : memref<128x384xi32, #tpu.memory_space<vmem>>)
    %dma_start3A_10 = arith.constant 0 : i32
    %dma_start3A_11 = tpu.memref_slice %arg5[%mul3A_2, %dma_start3A_10] : memref<4096x384xi32, #tpu.memory_space<hbm>> -> memref<128x384xi32, #tpu.memory_space<hbm>>
    %dma_start3A_12 = arith.constant 0 : i32
    %dma_start3A_13 = tpu.memref_slice %arg5[%mul3A_2, %dma_start3A_12] : memref<4096x384xi32, #tpu.memory_space<hbm>> -> memref<128x384xi32, #tpu.memory_space<hbm>>
    tpu.enqueue_dma source(%arg9 : memref<128x384xi32, #tpu.memory_space<vmem>>) target(%dma_start3A_13 : memref<128x384xi32, #tpu.memory_space<hbm>>) target_semaphore(%arg13 : memref<!tpu.dma_semaphore, #tpu.memory_space<semaphore_mem>>)
    %dma_wait3A_14 = arith.constant 0 : i32
    %dma_wait3A_15 = arith.constant 0 : i32
    %dma_wait3A_16 = tpu.memref_slice %arg2[%dma_wait3A_14, %dma_wait3A_15] : memref<10240x384xi32, #tpu.memory_space<hbm>> -> memref<10240x384xi32, #tpu.memory_space<hbm>>
    tpu.wait_indirect_dma semaphore(%arg12 : memref<!tpu.dma_semaphore, #tpu.memory_space<semaphore_mem>>) src(%dma_wait3A_16 : memref<10240x384xi32, #tpu.memory_space<hbm>>) dst(%arg10 : memref<128x384xi32, #tpu.memory_space<vmem>>)
    %dma_start3A_17 = arith.constant 0 : i32
    %dma_start3A_18 = tpu.memref_slice %arg6[%mul3A_2, %dma_start3A_17] : memref<4096x384xi32, #tpu.memory_space<hbm>> -> memref<128x384xi32, #tpu.memory_space<hbm>>
    %dma_start3A_19 = arith.constant 0 : i32
    %dma_start3A_20 = tpu.memref_slice %arg6[%mul3A_2, %dma_start3A_19] : memref<4096x384xi32, #tpu.memory_space<hbm>> -> memref<128x384xi32, #tpu.memory_space<hbm>>
    tpu.enqueue_dma source(%arg10 : memref<128x384xi32, #tpu.memory_space<vmem>>) target(%dma_start3A_20 : memref<128x384xi32, #tpu.memory_space<hbm>>) target_semaphore(%arg14 : memref<!tpu.dma_semaphore, #tpu.memory_space<semaphore_mem>>)
    %dma_wait3A_21 = arith.constant 0 : i32
    %dma_wait3A_22 = tpu.memref_slice %arg5[%mul3A_2, %dma_wait3A_21] : memref<4096x384xi32, #tpu.memory_space<hbm>> -> memref<128x384xi32, #tpu.memory_space<hbm>>
    %dma_wait3A_23 = arith.constant 0 : i32
    %dma_wait3A_24 = tpu.memref_slice %arg5[%mul3A_2, %dma_wait3A_23] : memref<4096x384xi32, #tpu.memory_space<hbm>> -> memref<128x384xi32, #tpu.memory_space<hbm>>
    tpu.wait_dma2 semaphore(%arg13 : memref<!tpu.dma_semaphore, #tpu.memory_space<semaphore_mem>>) src(%arg9 : memref<128x384xi32, #tpu.memory_space<vmem>>) dst(%dma_wait3A_24 : memref<128x384xi32, #tpu.memory_space<hbm>>)
    %dma_wait3A_25 = arith.constant 0 : i32
    %dma_wait3A_26 = tpu.memref_slice %arg6[%mul3A_2, %dma_wait3A_25] : memref<4096x384xi32, #tpu.memory_space<hbm>> -> memref<128x384xi32, #tpu.memory_space<hbm>>
    %dma_wait3A_27 = arith.constant 0 : i32
    %dma_wait3A_28 = tpu.memref_slice %arg6[%mul3A_2, %dma_wait3A_27] : memref<4096x384xi32, #tpu.memory_space<hbm>> -> memref<128x384xi32, #tpu.memory_space<hbm>>
    tpu.wait_dma2 semaphore(%arg14 : memref<!tpu.dma_semaphore, #tpu.memory_space<semaphore_mem>>) src(%arg10 : memref<128x384xi32, #tpu.memory_space<vmem>>) dst(%dma_wait3A_28 : memref<128x384xi32, #tpu.memory_space<hbm>>)
    return
  }
}

#map = affine_map<(d0, d1) -> (0)>
module attributes {stable_mosaic.version = 14 : i64} {
  func.func @k(%arg0: i32, %arg1: i32, %arg2: memref<4096xi32, #tpu.memory_space<hbm>>, %arg3: memref<4096xi32, #tpu.memory_space<hbm>>, %arg4: memref<4096xf32, #tpu.memory_space<hbm>>, %arg5: memref<4096xf32, #tpu.memory_space<hbm>>, %arg6: memref<10240xi32, #tpu.memory_space<hbm>>, %arg7: memref<10240xf32, #tpu.memory_space<hbm>>, %arg8: memref<4096xi32, #tpu.memory_space<vmem>>, %arg9: memref<4096xi32, #tpu.memory_space<vmem>>, %arg10: memref<4096xf32, #tpu.memory_space<vmem>>, %arg11: memref<4096xf32, #tpu.memory_space<vmem>>, %arg12: memref<10240xi32, #tpu.memory_space<vmem>>, %arg13: memref<10240xf32, #tpu.memory_space<vmem>>) attributes {dimension_semantics = [#tpu.dimension_semantics<core_parallel>, #tpu.dimension_semantics<subcore_parallel>], iteration_bounds = array<i64: 2, 16>, scalar_prefetch = 0 : i64, scratch_operands = 6 : i64, tpu.core_type = #tpu.core_type<sc_vector_subcore>, window_params = [{transform_indices = #map}, {transform_indices = #map}, {transform_indices = #map}, {transform_indices = #map}, {transform_indices = #map}, {transform_indices = #map}]} {
    %mul3A = arith.constant 2 : i32
    %mul3A_0 = arith.muli %arg1, %mul3A : i32
    %add3A = arith.addi %mul3A_0, %arg0 : i32
    %eq3A = arith.constant 0 : i32
    %eq3A_1 = arith.cmpi eq, %add3A, %eq3A : i32
    %convert_element_type3A = arith.extui %eq3A_1 : i1 to i32
    %cond3A = arith.constant 0 : i32
    %cond3A_2 = arith.cmpi ne, %convert_element_type3A, %cond3A : i32
    scf.if %cond3A_2 {
      "tpu.region"() ({
        %run_scoped3A = tpu.sem_alloc : memref<!tpu.dma_semaphore, #tpu.memory_space<semaphore_mem>>
        tpu.enqueue_dma source(%arg2 : memref<4096xi32, #tpu.memory_space<hbm>>) target(%arg8 : memref<4096xi32, #tpu.memory_space<vmem>>) target_semaphore(%run_scoped3A : memref<!tpu.dma_semaphore, #tpu.memory_space<semaphore_mem>>)
        tpu.wait_dma2 semaphore(%run_scoped3A : memref<!tpu.dma_semaphore, #tpu.memory_space<semaphore_mem>>) src(%arg2 : memref<4096xi32, #tpu.memory_space<hbm>>) dst(%arg8 : memref<4096xi32, #tpu.memory_space<vmem>>)
        tpu.yield
      }) : () -> ()
      "tpu.region"() ({
        %run_scoped3A = tpu.sem_alloc : memref<!tpu.dma_semaphore, #tpu.memory_space<semaphore_mem>>
        tpu.enqueue_dma source(%arg3 : memref<4096xi32, #tpu.memory_space<hbm>>) target(%arg9 : memref<4096xi32, #tpu.memory_space<vmem>>) target_semaphore(%run_scoped3A : memref<!tpu.dma_semaphore, #tpu.memory_space<semaphore_mem>>)
        tpu.wait_dma2 semaphore(%run_scoped3A : memref<!tpu.dma_semaphore, #tpu.memory_space<semaphore_mem>>) src(%arg3 : memref<4096xi32, #tpu.memory_space<hbm>>) dst(%arg9 : memref<4096xi32, #tpu.memory_space<vmem>>)
        tpu.yield
      }) : () -> ()
      "tpu.region"() ({
        %run_scoped3A = tpu.sem_alloc : memref<!tpu.dma_semaphore, #tpu.memory_space<semaphore_mem>>
        tpu.enqueue_dma source(%arg4 : memref<4096xf32, #tpu.memory_space<hbm>>) target(%arg10 : memref<4096xf32, #tpu.memory_space<vmem>>) target_semaphore(%run_scoped3A : memref<!tpu.dma_semaphore, #tpu.memory_space<semaphore_mem>>)
        tpu.wait_dma2 semaphore(%run_scoped3A : memref<!tpu.dma_semaphore, #tpu.memory_space<semaphore_mem>>) src(%arg4 : memref<4096xf32, #tpu.memory_space<hbm>>) dst(%arg10 : memref<4096xf32, #tpu.memory_space<vmem>>)
        tpu.yield
      }) : () -> ()
      "tpu.region"() ({
        %run_scoped3A = tpu.sem_alloc : memref<!tpu.dma_semaphore, #tpu.memory_space<semaphore_mem>>
        tpu.enqueue_dma source(%arg5 : memref<4096xf32, #tpu.memory_space<hbm>>) target(%arg11 : memref<4096xf32, #tpu.memory_space<vmem>>) target_semaphore(%run_scoped3A : memref<!tpu.dma_semaphore, #tpu.memory_space<semaphore_mem>>)
        tpu.wait_dma2 semaphore(%run_scoped3A : memref<!tpu.dma_semaphore, #tpu.memory_space<semaphore_mem>>) src(%arg5 : memref<4096xf32, #tpu.memory_space<hbm>>) dst(%arg11 : memref<4096xf32, #tpu.memory_space<vmem>>)
        tpu.yield
      }) : () -> ()
      %scan3A = arith.constant 0 : i32
      %scan3A_3 = arith.constant 0 : i32
      %scan3A_4 = arith.constant 640 : i32
      %scan3A_5 = arith.addi %scan3A_3, %scan3A_4 : i32
      %scan3A_6 = arith.constant 1 : i32
      scf.for %scan3A_14 = %scan3A_3 to %scan3A_5 step %scan3A_6  : i32 {
        %mul3A_15 = arith.constant 16 : i32
        %mul3A_16 = arith.muli %scan3A_14, %mul3A_15 : i32
        %broadcast_in_dim3A = arith.constant 0 : i32
        %broadcast_in_dim3A_17 = vector.broadcast %broadcast_in_dim3A : i32 to vector<16xi32>
        %swap3A = arith.index_cast %mul3A_16 : i32 to index
        %swap3A_18 = tpu.vector_load %arg12[%swap3A] {strides = array<i32>} : memref<10240xi32, #tpu.memory_space<vmem>>, vector<16xi32>,
        tpu.vector_store %arg12[%swap3A], %broadcast_in_dim3A_17 {strides = array<i32>} : memref<10240xi32, #tpu.memory_space<vmem>>, vector<16xi32>,
        %broadcast_in_dim3A_19 = arith.constant 0.000000e+00 : f32
        %broadcast_in_dim3A_20 = vector.broadcast %broadcast_in_dim3A_19 : f32 to vector<16xf32>
        %swap3A_21 = arith.index_cast %mul3A_16 : i32 to index
        %swap3A_22 = tpu.vector_load %arg13[%swap3A_21] {strides = array<i32>} : memref<10240xf32, #tpu.memory_space<vmem>>, vector<16xf32>,
        tpu.vector_store %arg13[%swap3A_21], %broadcast_in_dim3A_20 {strides = array<i32>} : memref<10240xf32, #tpu.memory_space<vmem>>, vector<16xf32>,
      }
      %scan3A_7 = arith.constant 640 : i32
      %scan3A_8 = arith.constant 0 : i32
      %scan3A_9 = arith.constant 0 : i32
      %scan3A_10 = arith.constant 256 : i32
      %scan3A_11 = arith.addi %scan3A_9, %scan3A_10 : i32
      %scan3A_12 = arith.constant 1 : i32
      scf.for %scan3A_14 = %scan3A_9 to %scan3A_11 step %scan3A_12  : i32 {
        %mul3A_15 = arith.constant 16 : i32
        %mul3A_16 = arith.muli %scan3A_14, %mul3A_15 : i32
        %iota3A = tpu.iota {dimensions = array<i32: 0>} : vector<16xi32>
        %mul3A_17 = arith.constant 16 : i32
        %mul3A_18 = arith.muli %scan3A_14, %mul3A_17 : i32
        %add3A_19 = vector.broadcast %mul3A_18 : i32 to vector<16xi32>
        %add3A_20 = arith.addi %iota3A, %add3A_19 : vector<16xi32>
        %get3A = arith.index_cast %mul3A_16 : i32 to index
        %get3A_21 = tpu.vector_load %arg8[%get3A] {strides = array<i32>} : memref<4096xi32, #tpu.memory_space<vmem>>, vector<16xi32>,
        tpu.vector_store_idx %arg12[%get3A_21], %add3A_20 : memref<10240xi32, #tpu.memory_space<vmem>>[vector<16xi32>], vector<16xi32>,
        %get3A_22 = arith.index_cast %mul3A_16 : i32 to index
        %get3A_23 = tpu.vector_load %arg8[%get3A_22] {strides = array<i32>} : memref<4096xi32, #tpu.memory_space<vmem>>, vector<16xi32>,
        %get3A_24 = arith.index_cast %mul3A_16 : i32 to index
        %get3A_25 = tpu.vector_load %arg10[%get3A_24] {strides = array<i32>} : memref<4096xf32, #tpu.memory_space<vmem>>, vector<16xf32>,
        tpu.vector_store_idx %arg13[%get3A_23], %get3A_25 : memref<10240xf32, #tpu.memory_space<vmem>>[vector<16xi32>], vector<16xf32>,
        %get3A_26 = arith.index_cast %mul3A_16 : i32 to index
        %get3A_27 = tpu.vector_load %arg9[%get3A_26] {strides = array<i32>} : memref<4096xi32, #tpu.memory_space<vmem>>, vector<16xi32>,
        tpu.vector_store_idx %arg12[%get3A_27], %add3A_20 : memref<10240xi32, #tpu.memory_space<vmem>>[vector<16xi32>], vector<16xi32>,
        %get3A_28 = arith.index_cast %mul3A_16 : i32 to index
        %get3A_29 = tpu.vector_load %arg9[%get3A_28] {strides = array<i32>} : memref<4096xi32, #tpu.memory_space<vmem>>, vector<16xi32>,
        %get3A_30 = arith.index_cast %mul3A_16 : i32 to index
        %get3A_31 = tpu.vector_load %arg11[%get3A_30] {strides = array<i32>} : memref<4096xf32, #tpu.memory_space<vmem>>, vector<16xf32>,
        tpu.vector_store_idx %arg13[%get3A_29], %get3A_31 : memref<10240xf32, #tpu.memory_space<vmem>>[vector<16xi32>], vector<16xf32>,
      }
      %scan3A_13 = arith.constant 256 : i32
      "tpu.region"() ({
        %run_scoped3A = tpu.sem_alloc : memref<!tpu.dma_semaphore, #tpu.memory_space<semaphore_mem>>
        tpu.enqueue_dma source(%arg12 : memref<10240xi32, #tpu.memory_space<vmem>>) target(%arg6 : memref<10240xi32, #tpu.memory_space<hbm>>) target_semaphore(%run_scoped3A : memref<!tpu.dma_semaphore, #tpu.memory_space<semaphore_mem>>)
        tpu.wait_dma2 semaphore(%run_scoped3A : memref<!tpu.dma_semaphore, #tpu.memory_space<semaphore_mem>>) src(%arg12 : memref<10240xi32, #tpu.memory_space<vmem>>) dst(%arg6 : memref<10240xi32, #tpu.memory_space<hbm>>)
        tpu.yield
      }) : () -> ()
      "tpu.region"() ({
        %run_scoped3A = tpu.sem_alloc : memref<!tpu.dma_semaphore, #tpu.memory_space<semaphore_mem>>
        tpu.enqueue_dma source(%arg13 : memref<10240xf32, #tpu.memory_space<vmem>>) target(%arg7 : memref<10240xf32, #tpu.memory_space<hbm>>) target_semaphore(%run_scoped3A : memref<!tpu.dma_semaphore, #tpu.memory_space<semaphore_mem>>)
        tpu.wait_dma2 semaphore(%run_scoped3A : memref<!tpu.dma_semaphore, #tpu.memory_space<semaphore_mem>>) src(%arg13 : memref<10240xf32, #tpu.memory_space<vmem>>) dst(%arg7 : memref<10240xf32, #tpu.memory_space<hbm>>)
        tpu.yield
      }) : () -> ()
    } else {
    }
    return
  }
}

module attributes {stable_mosaic.version = 14 : i64} {
  func.func @_ln_matmul_body(%arg0: i32, %arg1: memref<256x768xf32, #tpu.memory_space<vmem>>, %arg2: memref<1x768xf32, #tpu.memory_space<vmem>>, %arg3: memref<1x768xf32, #tpu.memory_space<vmem>>, %arg4: memref<768x2304xf32, #tpu.memory_space<vmem>>, %arg5: memref<1x2304xf32, #tpu.memory_space<vmem>>, %arg6: memref<256x2304xf32, #tpu.memory_space<vmem>>) attributes {dimension_semantics = [#tpu.dimension_semantics<arbitrary>], iteration_bounds = array<i64: 16>, scalar_prefetch = 0 : i64, scratch_operands = 0 : i64, tpu.core_type = #tpu.core_type<tc>, window_params = [{transform_indices = @transform_0, window_bounds = array<i64: 256, 768>}, {pipeline_mode = #tpu.pipeline_mode<synchronous>, transform_indices = @transform_1, window_bounds = array<i64: 1, 768>}, {pipeline_mode = #tpu.pipeline_mode<synchronous>, transform_indices = @transform_2, window_bounds = array<i64: 1, 768>}, {pipeline_mode = #tpu.pipeline_mode<synchronous>, transform_indices = @transform_3, window_bounds = array<i64: 768, 2304>}, {pipeline_mode = #tpu.pipeline_mode<synchronous>, transform_indices = @transform_4, window_bounds = array<i64: 1, 2304>}, {transform_indices = @transform_5, window_bounds = array<i64: 256, 2304>}]} {
    %get3A = arith.constant 0 : index
    %get3A_0 = arith.constant 0 : index
    %get3A_1 = vector.load %arg1[%get3A, %get3A_0] : memref<256x768xf32, #tpu.memory_space<vmem>>, vector<256x768xf32>
    %reduce_sum3A = arith.constant dense<0.000000e+00> : vector<256xf32>
    %reduce_sum3A_2 = vector.multi_reduction <add>, %get3A_1, %reduce_sum3A [1] : vector<256x768xf32> to vector<256xf32>
    %broadcast_in_dim3A = vector.shape_cast %reduce_sum3A_2 : vector<256xf32> to vector<256x1xf32>
    %div3A = arith.constant 7.680000e+02 : f32
    %div3A_3 = vector.broadcast %div3A : f32 to vector<256x1xf32>
    %div3A_4 = arith.divf %broadcast_in_dim3A, %div3A_3 : vector<256x1xf32>
    %sub3A = vector.broadcast %div3A_4 : vector<256x1xf32> to vector<256x768xf32>
    %sub3A_5 = arith.subf %get3A_1, %sub3A : vector<256x768xf32>
    %mul3A = arith.mulf %sub3A_5, %sub3A_5 : vector<256x768xf32>
    %reduce_sum3A_6 = arith.constant dense<0.000000e+00> : vector<256xf32>
    %reduce_sum3A_7 = vector.multi_reduction <add>, %mul3A, %reduce_sum3A_6 [1] : vector<256x768xf32> to vector<256xf32>
    %broadcast_in_dim3A_8 = vector.shape_cast %reduce_sum3A_7 : vector<256xf32> to vector<256x1xf32>
    %div3A_9 = arith.constant 7.680000e+02 : f32
    %div3A_10 = vector.broadcast %div3A_9 : f32 to vector<256x1xf32>
    %div3A_11 = arith.divf %broadcast_in_dim3A_8, %div3A_10 : vector<256x1xf32>
    %add3A = arith.constant 9.99999974E-6 : f32
    %add3A_12 = vector.broadcast %add3A : f32 to vector<256x1xf32>
    %add3A_13 = arith.addf %div3A_11, %add3A_12 : vector<256x1xf32>
    %rsqrt3A = math.rsqrt %add3A_13 : vector<256x1xf32>
    %mul3A_14 = vector.broadcast %rsqrt3A : vector<256x1xf32> to vector<256x768xf32>
    %mul3A_15 = arith.mulf %sub3A_5, %mul3A_14 : vector<256x768xf32>
    %get3A_16 = arith.constant 0 : index
    %get3A_17 = arith.constant 0 : index
    %get3A_18 = vector.load %arg2[%get3A_16, %get3A_17] : memref<1x768xf32, #tpu.memory_space<vmem>>, vector<1x768xf32>
    %mul3A_19 = vector.broadcast %get3A_18 : vector<1x768xf32> to vector<256x768xf32>
    %mul3A_20 = arith.mulf %mul3A_15, %mul3A_19 : vector<256x768xf32>
    %get3A_21 = arith.constant 0 : index
    %get3A_22 = arith.constant 0 : index
    %get3A_23 = vector.load %arg3[%get3A_21, %get3A_22] : memref<1x768xf32, #tpu.memory_space<vmem>>, vector<1x768xf32>
    %add3A_24 = vector.broadcast %get3A_23 : vector<1x768xf32> to vector<256x768xf32>
    %add3A_25 = arith.addf %mul3A_20, %add3A_24 : vector<256x768xf32>
    %get3A_26 = arith.constant 0 : index
    %get3A_27 = arith.constant 0 : index
    %get3A_28 = vector.load %arg4[%get3A_26, %get3A_27] : memref<768x2304xf32, #tpu.memory_space<vmem>>, vector<768x2304xf32>
    %dot_general3A = arith.constant dense<0.000000e+00> : vector<256x2304xf32>
    %dot_general3A_29 = tpu.matmul %add3A_25, %get3A_28, %dot_general3A {dimension_numbers = #tpu.dot_dimension_numbers<[1], [0], [0], [1], [0, 0, 1, 1], [], []>, transpose_lhs_hint = false} : vector<256x768xf32>, vector<768x2304xf32>, vector<256x2304xf32> -> vector<256x2304xf32>
    %get3A_30 = arith.constant 0 : index
    %get3A_31 = arith.constant 0 : index
    %get3A_32 = vector.load %arg5[%get3A_30, %get3A_31] : memref<1x2304xf32, #tpu.memory_space<vmem>>, vector<1x2304xf32>
    %add3A_33 = vector.broadcast %get3A_32 : vector<1x2304xf32> to vector<256x2304xf32>
    %add3A_34 = arith.addf %dot_general3A_29, %add3A_33 : vector<256x2304xf32>
    %swap3A = arith.constant 0 : index
    %swap3A_35 = arith.constant 0 : index
    %swap3A_36 = vector.load %arg6[%swap3A, %swap3A_35] : memref<256x2304xf32, #tpu.memory_space<vmem>>, vector<256x2304xf32>
    tpu.vector_store %arg6[%swap3A, %swap3A_35], %add3A_34 {strides = array<i32>} : memref<256x2304xf32, #tpu.memory_space<vmem>>, vector<256x2304xf32>,
    return
  }
  func.func @transform_0(%arg0: i32) -> (i32, i32) {
    %c0_i32 = arith.constant 0 : i32
    %c0_i32_0 = arith.constant 0 : i32
    return %arg0, %c0_i32 : i32, i32
  }
  func.func @transform_1(%arg0: i32) -> (i32, i32) {
    %c0_i32 = arith.constant 0 : i32
    %c0_i32_0 = arith.constant 0 : i32
    %c0_i32_1 = arith.constant 0 : i32
    return %c0_i32, %c0_i32_0 : i32, i32
  }
  func.func @transform_2(%arg0: i32) -> (i32, i32) {
    %c0_i32 = arith.constant 0 : i32
    %c0_i32_0 = arith.constant 0 : i32
    %c0_i32_1 = arith.constant 0 : i32
    return %c0_i32, %c0_i32_0 : i32, i32
  }
  func.func @transform_3(%arg0: i32) -> (i32, i32) {
    %c0_i32 = arith.constant 0 : i32
    %c0_i32_0 = arith.constant 0 : i32
    %c0_i32_1 = arith.constant 0 : i32
    return %c0_i32, %c0_i32_0 : i32, i32
  }
  func.func @transform_4(%arg0: i32) -> (i32, i32) {
    %c0_i32 = arith.constant 0 : i32
    %c0_i32_0 = arith.constant 0 : i32
    %c0_i32_1 = arith.constant 0 : i32
    return %c0_i32, %c0_i32_0 : i32, i32
  }
  func.func @transform_5(%arg0: i32) -> (i32, i32) {
    %c0_i32 = arith.constant 0 : i32
    %c0_i32_0 = arith.constant 0 : i32
    return %arg0, %c0_i32 : i32, i32
  }
}

module attributes {stable_mosaic.version = 14 : i64} {
  func.func @_attn_body(%arg0: i32, %arg1: i32, %arg2: i32, %arg3: memref<1x256x64xf32, #tpu.memory_space<vmem>>, %arg4: memref<1x2048x64xf32, #tpu.memory_space<vmem>>, %arg5: memref<1x2048x64xf32, #tpu.memory_space<vmem>>, %arg6: memref<1x256x64xf32, #tpu.memory_space<vmem>>) attributes {dimension_semantics = [#tpu.dimension_semantics<arbitrary>, #tpu.dimension_semantics<arbitrary>, #tpu.dimension_semantics<arbitrary>], iteration_bounds = array<i64: 2, 12, 8>, scalar_prefetch = 0 : i64, scratch_operands = 0 : i64, tpu.core_type = #tpu.core_type<tc>, window_params = [{transform_indices = @transform_0, window_bounds = array<i64: 1, 256, 64>}, {transform_indices = @transform_1, window_bounds = array<i64: 1, 2048, 64>}, {transform_indices = @transform_2, window_bounds = array<i64: 1, 2048, 64>}, {transform_indices = @transform_3, window_bounds = array<i64: 1, 256, 64>}]} {
    %get3A = arith.constant 0 : index
    %get3A_0 = arith.constant 0 : index
    %get3A_1 = arith.constant 0 : index
    %get3A_2 = vector.load %arg3[%get3A, %get3A_0, %get3A_1] : memref<1x256x64xf32, #tpu.memory_space<vmem>>, vector<1x256x64xf32>
    %get3A_3 = vector.shape_cast %get3A_2 : vector<1x256x64xf32> to vector<256x64xf32>
    %get3A_4 = arith.constant 0 : index
    %get3A_5 = arith.constant 0 : index
    %get3A_6 = arith.constant 0 : index
    %get3A_7 = vector.load %arg4[%get3A_4, %get3A_5, %get3A_6] : memref<1x2048x64xf32, #tpu.memory_space<vmem>>, vector<1x2048x64xf32>
    %get3A_8 = vector.shape_cast %get3A_7 : vector<1x2048x64xf32> to vector<2048x64xf32>
    %get3A_9 = arith.constant 0 : index
    %get3A_10 = arith.constant 0 : index
    %get3A_11 = arith.constant 0 : index
    %get3A_12 = vector.load %arg5[%get3A_9, %get3A_10, %get3A_11] : memref<1x2048x64xf32, #tpu.memory_space<vmem>>, vector<1x2048x64xf32>
    %get3A_13 = vector.shape_cast %get3A_12 : vector<1x2048x64xf32> to vector<2048x64xf32>
    %dot_general3A = arith.constant dense<0.000000e+00> : vector<256x2048xf32>
    %dot_general3A_14 = tpu.matmul %get3A_3, %get3A_8, %dot_general3A {dimension_numbers = #tpu.dot_dimension_numbers<[1], [1], [0], [0], [0, 0, 1, 0], [], []>, transpose_lhs_hint = false} : vector<256x64xf32>, vector<2048x64xf32>, vector<256x2048xf32> -> vector<256x2048xf32>
    %mul3A = arith.constant 1.250000e-01 : f32
    %mul3A_15 = vector.broadcast %mul3A : f32 to vector<256x2048xf32>
    %mul3A_16 = arith.mulf %dot_general3A_14, %mul3A_15 : vector<256x2048xf32>
    %mul3A_17 = arith.constant 256 : i32
    %mul3A_18 = arith.muli %arg2, %mul3A_17 : i32
    %iota3A = tpu.iota {dimensions = array<i32: 0>} : vector<256x2048xi32>
    %add3A = vector.broadcast %mul3A_18 : i32 to vector<256x2048xi32>
    %add3A_19 = arith.addi %add3A, %iota3A : vector<256x2048xi32>
    %iota3A_20 = tpu.iota {dimensions = array<i32: 1>} : vector<256x2048xi32>
    %le3A = arith.cmpi sle, %iota3A_20, %add3A_19 : vector<256x2048xi32>
    %jit3A = arith.constant -1.000000e+30 : f32
    %broadcast_in_dim3A = vector.broadcast %jit3A : f32 to vector<256x2048xf32>
    %select_n3A = arith.select %le3A, %mul3A_16, %broadcast_in_dim3A : vector<256x2048xi1>, vector<256x2048xf32>
    %reduce_max3A = arith.constant dense<0xFF800000> : vector<256xf32>
    %reduce_max3A_21 = vector.multi_reduction <maximumf>, %select_n3A, %reduce_max3A [1] : vector<256x2048xf32> to vector<256xf32>
    %broadcast_in_dim3A_22 = vector.shape_cast %reduce_max3A_21 : vector<256xf32> to vector<256x1xf32>
    %sub3A = vector.broadcast %broadcast_in_dim3A_22 : vector<256x1xf32> to vector<256x2048xf32>
    %sub3A_23 = arith.subf %select_n3A, %sub3A : vector<256x2048xf32>
    %exp3A = math.exp %sub3A_23 : vector<256x2048xf32>
    %reduce_sum3A = arith.constant dense<0.000000e+00> : vector<256xf32>
    %reduce_sum3A_24 = vector.multi_reduction <add>, %exp3A, %reduce_sum3A [1] : vector<256x2048xf32> to vector<256xf32>
    %broadcast_in_dim3A_25 = vector.shape_cast %reduce_sum3A_24 : vector<256xf32> to vector<256x1xf32>
    %div3A = vector.broadcast %broadcast_in_dim3A_25 : vector<256x1xf32> to vector<256x2048xf32>
    %div3A_26 = arith.divf %exp3A, %div3A : vector<256x2048xf32>
    %dot_general3A_27 = arith.constant dense<0.000000e+00> : vector<256x64xf32>
    %dot_general3A_28 = tpu.matmul %div3A_26, %get3A_13, %dot_general3A_27 {dimension_numbers = #tpu.dot_dimension_numbers<[1], [0], [0], [1], [0, 0, 1, 1], [], []>, transpose_lhs_hint = false} : vector<256x2048xf32>, vector<2048x64xf32>, vector<256x64xf32> -> vector<256x64xf32>
    %swap3A = arith.constant 0 : index
    %swap3A_29 = arith.constant 0 : index
    %swap3A_30 = arith.constant 0 : index
    %swap3A_31 = vector.load %arg6[%swap3A, %swap3A_29, %swap3A_30] : memref<1x256x64xf32, #tpu.memory_space<vmem>>, vector<1x256x64xf32>
    %swap3A_32 = vector.shape_cast %swap3A_31 : vector<1x256x64xf32> to vector<256x64xf32>
    %swap3A_33 = vector.shape_cast %dot_general3A_28 : vector<256x64xf32> to vector<1x256x64xf32>
    tpu.vector_store %arg6[%swap3A, %swap3A_29, %swap3A_30], %swap3A_33 {strides = array<i32>} : memref<1x256x64xf32, #tpu.memory_space<vmem>>, vector<1x256x64xf32>,
    return
  }
  func.func @transform_0(%arg0: i32, %arg1: i32, %arg2: i32) -> (i32, i32, i32) {
    %mul3A = arith.constant 8 : i32
    %mul3A_0 = arith.muli %arg0, %mul3A : i32
    %add3A = arith.addi %mul3A_0, %arg2 : i32
    %c0_i32 = arith.constant 0 : i32
    %c0_i32_1 = arith.constant 0 : i32
    return %arg1, %add3A, %c0_i32 : i32, i32, i32
  }
  func.func @transform_1(%arg0: i32, %arg1: i32, %arg2: i32) -> (i32, i32, i32) {
    %add3A = arith.constant 12 : i32
    %add3A_0 = arith.addi %add3A, %arg1 : i32
    %c0_i32 = arith.constant 0 : i32
    %c0_i32_1 = arith.constant 0 : i32
    return %add3A_0, %arg0, %c0_i32 : i32, i32, i32
  }
  func.func @transform_2(%arg0: i32, %arg1: i32, %arg2: i32) -> (i32, i32, i32) {
    %add3A = arith.constant 24 : i32
    %add3A_0 = arith.addi %add3A, %arg1 : i32
    %c0_i32 = arith.constant 0 : i32
    %c0_i32_1 = arith.constant 0 : i32
    return %add3A_0, %arg0, %c0_i32 : i32, i32, i32
  }
  func.func @transform_3(%arg0: i32, %arg1: i32, %arg2: i32) -> (i32, i32, i32) {
    %mul3A = arith.constant 8 : i32
    %mul3A_0 = arith.muli %arg0, %mul3A : i32
    %add3A = arith.addi %mul3A_0, %arg2 : i32
    %c0_i32 = arith.constant 0 : i32
    %c0_i32_1 = arith.constant 0 : i32
    return %arg1, %add3A, %c0_i32 : i32, i32, i32
  }
}

module attributes {stable_mosaic.version = 14 : i64} {
  func.func @_proj_res_body(%arg0: i32, %arg1: memref<256x768xf32, #tpu.memory_space<vmem>>, %arg2: memref<768x768xf32, #tpu.memory_space<vmem>>, %arg3: memref<1x768xf32, #tpu.memory_space<vmem>>, %arg4: memref<256x768xf32, #tpu.memory_space<vmem>>, %arg5: memref<256x768xf32, #tpu.memory_space<vmem>>) attributes {dimension_semantics = [#tpu.dimension_semantics<arbitrary>], iteration_bounds = array<i64: 16>, scalar_prefetch = 0 : i64, scratch_operands = 0 : i64, tpu.core_type = #tpu.core_type<tc>, window_params = [{transform_indices = @transform_0, window_bounds = array<i64: 256, 768>}, {pipeline_mode = #tpu.pipeline_mode<synchronous>, transform_indices = @transform_1, window_bounds = array<i64: 768, 768>}, {pipeline_mode = #tpu.pipeline_mode<synchronous>, transform_indices = @transform_2, window_bounds = array<i64: 1, 768>}, {transform_indices = @transform_3, window_bounds = array<i64: 256, 768>}, {transform_indices = @transform_4, window_bounds = array<i64: 256, 768>}]} {
    %get3A = arith.constant 0 : index
    %get3A_0 = arith.constant 0 : index
    %get3A_1 = vector.load %arg1[%get3A, %get3A_0] : memref<256x768xf32, #tpu.memory_space<vmem>>, vector<256x768xf32>
    %get3A_2 = arith.constant 0 : index
    %get3A_3 = arith.constant 0 : index
    %get3A_4 = vector.load %arg2[%get3A_2, %get3A_3] : memref<768x768xf32, #tpu.memory_space<vmem>>, vector<768x768xf32>
    %dot_general3A = arith.constant dense<0.000000e+00> : vector<256x768xf32>
    %dot_general3A_5 = tpu.matmul %get3A_1, %get3A_4, %dot_general3A {dimension_numbers = #tpu.dot_dimension_numbers<[1], [0], [0], [1], [0, 0, 1, 1], [], []>, transpose_lhs_hint = false} : vector<256x768xf32>, vector<768x768xf32>, vector<256x768xf32> -> vector<256x768xf32>
    %get3A_6 = arith.constant 0 : index
    %get3A_7 = arith.constant 0 : index
    %get3A_8 = vector.load %arg3[%get3A_6, %get3A_7] : memref<1x768xf32, #tpu.memory_space<vmem>>, vector<1x768xf32>
    %add3A = vector.broadcast %get3A_8 : vector<1x768xf32> to vector<256x768xf32>
    %add3A_9 = arith.addf %dot_general3A_5, %add3A : vector<256x768xf32>
    %get3A_10 = arith.constant 0 : index
    %get3A_11 = arith.constant 0 : index
    %get3A_12 = vector.load %arg4[%get3A_10, %get3A_11] : memref<256x768xf32, #tpu.memory_space<vmem>>, vector<256x768xf32>
    %add3A_13 = arith.addf %add3A_9, %get3A_12 : vector<256x768xf32>
    %swap3A = arith.constant 0 : index
    %swap3A_14 = arith.constant 0 : index
    %swap3A_15 = vector.load %arg5[%swap3A, %swap3A_14] : memref<256x768xf32, #tpu.memory_space<vmem>>, vector<256x768xf32>
    tpu.vector_store %arg5[%swap3A, %swap3A_14], %add3A_13 {strides = array<i32>} : memref<256x768xf32, #tpu.memory_space<vmem>>, vector<256x768xf32>,
    return
  }
  func.func @transform_0(%arg0: i32) -> (i32, i32) {
    %c0_i32 = arith.constant 0 : i32
    %c0_i32_0 = arith.constant 0 : i32
    return %arg0, %c0_i32 : i32, i32
  }
  func.func @transform_1(%arg0: i32) -> (i32, i32) {
    %c0_i32 = arith.constant 0 : i32
    %c0_i32_0 = arith.constant 0 : i32
    %c0_i32_1 = arith.constant 0 : i32
    return %c0_i32, %c0_i32_0 : i32, i32
  }
  func.func @transform_2(%arg0: i32) -> (i32, i32) {
    %c0_i32 = arith.constant 0 : i32
    %c0_i32_0 = arith.constant 0 : i32
    %c0_i32_1 = arith.constant 0 : i32
    return %c0_i32, %c0_i32_0 : i32, i32
  }
  func.func @transform_3(%arg0: i32) -> (i32, i32) {
    %c0_i32 = arith.constant 0 : i32
    %c0_i32_0 = arith.constant 0 : i32
    return %arg0, %c0_i32 : i32, i32
  }
  func.func @transform_4(%arg0: i32) -> (i32, i32) {
    %c0_i32 = arith.constant 0 : i32
    %c0_i32_0 = arith.constant 0 : i32
    return %arg0, %c0_i32 : i32, i32
  }
}

module attributes {stable_mosaic.version = 14 : i64} {
  func.func @_router_body(%arg0: i32, %arg1: memref<256x768xf32, #tpu.memory_space<vmem>>, %arg2: memref<1x768xf32, #tpu.memory_space<vmem>>, %arg3: memref<1x768xf32, #tpu.memory_space<vmem>>, %arg4: memref<768x128xf32, #tpu.memory_space<vmem>>, %arg5: memref<256x768xbf16, #tpu.memory_space<vmem>>, %arg6: memref<256x128xf32, #tpu.memory_space<vmem>>) attributes {dimension_semantics = [#tpu.dimension_semantics<arbitrary>], iteration_bounds = array<i64: 16>, scalar_prefetch = 0 : i64, scratch_operands = 0 : i64, tpu.core_type = #tpu.core_type<tc>, window_params = [{transform_indices = @transform_0, window_bounds = array<i64: 256, 768>}, {pipeline_mode = #tpu.pipeline_mode<synchronous>, transform_indices = @transform_1, window_bounds = array<i64: 1, 768>}, {pipeline_mode = #tpu.pipeline_mode<synchronous>, transform_indices = @transform_2, window_bounds = array<i64: 1, 768>}, {pipeline_mode = #tpu.pipeline_mode<synchronous>, transform_indices = @transform_3, window_bounds = array<i64: 768, 128>}, {transform_indices = @transform_4, window_bounds = array<i64: 256, 768>}, {transform_indices = @transform_5, window_bounds = array<i64: 256, 128>}]} {
    %get3A = arith.constant 0 : index
    %get3A_0 = arith.constant 0 : index
    %get3A_1 = vector.load %arg1[%get3A, %get3A_0] : memref<256x768xf32, #tpu.memory_space<vmem>>, vector<256x768xf32>
    %reduce_sum3A = arith.constant dense<0.000000e+00> : vector<256xf32>
    %reduce_sum3A_2 = vector.multi_reduction <add>, %get3A_1, %reduce_sum3A [1] : vector<256x768xf32> to vector<256xf32>
    %broadcast_in_dim3A = vector.shape_cast %reduce_sum3A_2 : vector<256xf32> to vector<256x1xf32>
    %div3A = arith.constant 7.680000e+02 : f32
    %div3A_3 = vector.broadcast %div3A : f32 to vector<256x1xf32>
    %div3A_4 = arith.divf %broadcast_in_dim3A, %div3A_3 : vector<256x1xf32>
    %sub3A = vector.broadcast %div3A_4 : vector<256x1xf32> to vector<256x768xf32>
    %sub3A_5 = arith.subf %get3A_1, %sub3A : vector<256x768xf32>
    %mul3A = arith.mulf %sub3A_5, %sub3A_5 : vector<256x768xf32>
    %reduce_sum3A_6 = arith.constant dense<0.000000e+00> : vector<256xf32>
    %reduce_sum3A_7 = vector.multi_reduction <add>, %mul3A, %reduce_sum3A_6 [1] : vector<256x768xf32> to vector<256xf32>
    %broadcast_in_dim3A_8 = vector.shape_cast %reduce_sum3A_7 : vector<256xf32> to vector<256x1xf32>
    %div3A_9 = arith.constant 7.680000e+02 : f32
    %div3A_10 = vector.broadcast %div3A_9 : f32 to vector<256x1xf32>
    %div3A_11 = arith.divf %broadcast_in_dim3A_8, %div3A_10 : vector<256x1xf32>
    %add3A = arith.constant 9.99999974E-6 : f32
    %add3A_12 = vector.broadcast %add3A : f32 to vector<256x1xf32>
    %add3A_13 = arith.addf %div3A_11, %add3A_12 : vector<256x1xf32>
    %rsqrt3A = math.rsqrt %add3A_13 : vector<256x1xf32>
    %mul3A_14 = vector.broadcast %rsqrt3A : vector<256x1xf32> to vector<256x768xf32>
    %mul3A_15 = arith.mulf %sub3A_5, %mul3A_14 : vector<256x768xf32>
    %get3A_16 = arith.constant 0 : index
    %get3A_17 = arith.constant 0 : index
    %get3A_18 = vector.load %arg2[%get3A_16, %get3A_17] : memref<1x768xf32, #tpu.memory_space<vmem>>, vector<1x768xf32>
    %mul3A_19 = vector.broadcast %get3A_18 : vector<1x768xf32> to vector<256x768xf32>
    %mul3A_20 = arith.mulf %mul3A_15, %mul3A_19 : vector<256x768xf32>
    %get3A_21 = arith.constant 0 : index
    %get3A_22 = arith.constant 0 : index
    %get3A_23 = vector.load %arg3[%get3A_21, %get3A_22] : memref<1x768xf32, #tpu.memory_space<vmem>>, vector<1x768xf32>
    %add3A_24 = vector.broadcast %get3A_23 : vector<1x768xf32> to vector<256x768xf32>
    %add3A_25 = arith.addf %mul3A_20, %add3A_24 : vector<256x768xf32>
    %convert_element_type3A = arith.truncf %add3A_25 : vector<256x768xf32> to vector<256x768xbf16>
    %swap3A = arith.constant 0 : index
    %swap3A_26 = arith.constant 0 : index
    %swap3A_27 = vector.load %arg5[%swap3A, %swap3A_26] : memref<256x768xbf16, #tpu.memory_space<vmem>>, vector<256x768xbf16>
    tpu.vector_store %arg5[%swap3A, %swap3A_26], %convert_element_type3A {strides = array<i32>} : memref<256x768xbf16, #tpu.memory_space<vmem>>, vector<256x768xbf16>,
    %get3A_28 = arith.constant 0 : index
    %get3A_29 = arith.constant 0 : index
    %get3A_30 = vector.load %arg4[%get3A_28, %get3A_29] : memref<768x128xf32, #tpu.memory_space<vmem>>, vector<768x128xf32>
    %dot_general3A = arith.constant dense<0.000000e+00> : vector<256x128xf32>
    %dot_general3A_31 = tpu.matmul %add3A_25, %get3A_30, %dot_general3A {dimension_numbers = #tpu.dot_dimension_numbers<[1], [0], [0], [1], [0, 0, 1, 1], [], []>, transpose_lhs_hint = false} : vector<256x768xf32>, vector<768x128xf32>, vector<256x128xf32> -> vector<256x128xf32>
    %iota3A = tpu.iota {dimensions = array<i32: 1>} : vector<256x128xi32>
    %lt3A = arith.constant 8 : i32
    %lt3A_32 = vector.broadcast %lt3A : i32 to vector<256x128xi32>
    %lt3A_33 = arith.cmpi slt, %iota3A, %lt3A_32 : vector<256x128xi32>
    %jit3A = arith.constant -1.000000e+30 : f32
    %broadcast_in_dim3A_34 = vector.broadcast %jit3A : f32 to vector<256x128xf32>
    %select_n3A = arith.select %lt3A_33, %dot_general3A_31, %broadcast_in_dim3A_34 : vector<256x128xi1>, vector<256x128xf32>
    %reduce_max3A = arith.constant dense<0xFF800000> : vector<256xf32>
    %reduce_max3A_35 = vector.multi_reduction <maximumf>, %select_n3A, %reduce_max3A [1] : vector<256x128xf32> to vector<256xf32>
    %broadcast_in_dim3A_36 = vector.shape_cast %reduce_max3A_35 : vector<256xf32> to vector<256x1xf32>
    %eq3A = vector.broadcast %broadcast_in_dim3A_36 : vector<256x1xf32> to vector<256x128xf32>
    %eq3A_37 = arith.cmpf oeq, %select_n3A, %eq3A : vector<256x128xf32>
    %jit3A_38 = arith.constant 127 : i32
    %broadcast_in_dim3A_39 = vector.broadcast %jit3A_38 : i32 to vector<256x128xi32>
    %select_n3A_40 = arith.select %eq3A_37, %iota3A, %broadcast_in_dim3A_39 : vector<256x128xi1>, vector<256x128xi32>
    %reduce_min3A = arith.constant dense<2147483647> : vector<256xi32>
    %reduce_min3A_41 = vector.multi_reduction <minsi>, %select_n3A_40, %reduce_min3A [1] : vector<256x128xi32> to vector<256xi32>
    %broadcast_in_dim3A_42 = vector.shape_cast %reduce_min3A_41 : vector<256xi32> to vector<256x1xi32>
    %eq3A_43 = vector.broadcast %broadcast_in_dim3A_42 : vector<256x1xi32> to vector<256x128xi32>
    %eq3A_44 = arith.cmpi eq, %iota3A, %eq3A_43 : vector<256x128xi32>
    %jit3A_45 = arith.constant -1.000000e+30 : f32
    %broadcast_in_dim3A_46 = vector.broadcast %jit3A_45 : f32 to vector<256x128xf32>
    %select_n3A_47 = arith.select %eq3A_44, %broadcast_in_dim3A_46, %select_n3A : vector<256x128xi1>, vector<256x128xf32>
    %reduce_max3A_48 = arith.constant dense<0xFF800000> : vector<256xf32>
    %reduce_max3A_49 = vector.multi_reduction <maximumf>, %select_n3A_47, %reduce_max3A_48 [1] : vector<256x128xf32> to vector<256xf32>
    %broadcast_in_dim3A_50 = vector.shape_cast %reduce_max3A_49 : vector<256xf32> to vector<256x1xf32>
    %eq3A_51 = vector.broadcast %broadcast_in_dim3A_50 : vector<256x1xf32> to vector<256x128xf32>
    %eq3A_52 = arith.cmpf oeq, %select_n3A_47, %eq3A_51 : vector<256x128xf32>
    %jit3A_53 = arith.constant 127 : i32
    %broadcast_in_dim3A_54 = vector.broadcast %jit3A_53 : i32 to vector<256x128xi32>
    %select_n3A_55 = arith.select %eq3A_52, %iota3A, %broadcast_in_dim3A_54 : vector<256x128xi1>, vector<256x128xi32>
    %reduce_min3A_56 = arith.constant dense<2147483647> : vector<256xi32>
    %reduce_min3A_57 = vector.multi_reduction <minsi>, %select_n3A_55, %reduce_min3A_56 [1] : vector<256x128xi32> to vector<256xi32>
    %broadcast_in_dim3A_58 = vector.shape_cast %reduce_min3A_57 : vector<256xi32> to vector<256x1xi32>
    %sub3A_59 = arith.subf %broadcast_in_dim3A_50, %broadcast_in_dim3A_36 : vector<256x1xf32>
    %exp3A = math.exp %sub3A_59 : vector<256x1xf32>
    %add3A_60 = arith.constant 1.000000e+00 : f32
    %add3A_61 = vector.broadcast %add3A_60 : f32 to vector<256x1xf32>
    %add3A_62 = arith.addf %add3A_61, %exp3A : vector<256x1xf32>
    %div3A_63 = arith.constant 1.000000e+00 : f32
    %div3A_64 = vector.broadcast %div3A_63 : f32 to vector<256x1xf32>
    %div3A_65 = arith.divf %div3A_64, %add3A_62 : vector<256x1xf32>
    %mul3A_66 = arith.mulf %exp3A, %div3A_65 : vector<256x1xf32>
    %eq3A_67 = arith.constant 0 : i32
    %eq3A_68 = vector.broadcast %eq3A_67 : i32 to vector<256x128xi32>
    %eq3A_69 = arith.cmpi eq, %iota3A, %eq3A_68 : vector<256x128xi32>
    %convert_element_type3A_70 = arith.sitofp %broadcast_in_dim3A_42 : vector<256x1xi32> to vector<256x1xf32>
    %jit3A_71 = arith.constant 0.000000e+00 : f32
    %broadcast_in_dim3A_72 = vector.shape_cast %convert_element_type3A_70 : vector<256x1xf32> to vector<256x1xf32>
    %broadcast_in_dim3A_73 = vector.broadcast %broadcast_in_dim3A_72 : vector<256x1xf32> to vector<256x128xf32>
    %broadcast_in_dim3A_74 = vector.broadcast %jit3A_71 : f32 to vector<256x128xf32>
    %select_n3A_75 = arith.select %eq3A_69, %broadcast_in_dim3A_73, %broadcast_in_dim3A_74 : vector<256x128xi1>, vector<256x128xf32>
    %eq3A_76 = arith.constant 1 : i32
    %eq3A_77 = vector.broadcast %eq3A_76 : i32 to vector<256x128xi32>
    %eq3A_78 = arith.cmpi eq, %iota3A, %eq3A_77 : vector<256x128xi32>
    %convert_element_type3A_79 = arith.sitofp %broadcast_in_dim3A_58 : vector<256x1xi32> to vector<256x1xf32>
    %jit3A_80 = arith.constant 0.000000e+00 : f32
    %broadcast_in_dim3A_81 = vector.shape_cast %convert_element_type3A_79 : vector<256x1xf32> to vector<256x1xf32>
    %broadcast_in_dim3A_82 = vector.broadcast %broadcast_in_dim3A_81 : vector<256x1xf32> to vector<256x128xf32>
    %broadcast_in_dim3A_83 = vector.broadcast %jit3A_80 : f32 to vector<256x128xf32>
    %select_n3A_84 = arith.select %eq3A_78, %broadcast_in_dim3A_82, %broadcast_in_dim3A_83 : vector<256x128xi1>, vector<256x128xf32>
    %add3A_85 = arith.addf %select_n3A_75, %select_n3A_84 : vector<256x128xf32>
    %eq3A_86 = arith.constant 2 : i32
    %eq3A_87 = vector.broadcast %eq3A_86 : i32 to vector<256x128xi32>
    %eq3A_88 = arith.cmpi eq, %iota3A, %eq3A_87 : vector<256x128xi32>
    %jit3A_89 = arith.constant 0.000000e+00 : f32
    %broadcast_in_dim3A_90 = vector.shape_cast %div3A_65 : vector<256x1xf32> to vector<256x1xf32>
    %broadcast_in_dim3A_91 = vector.broadcast %broadcast_in_dim3A_90 : vector<256x1xf32> to vector<256x128xf32>
    %broadcast_in_dim3A_92 = vector.broadcast %jit3A_89 : f32 to vector<256x128xf32>
    %select_n3A_93 = arith.select %eq3A_88, %broadcast_in_dim3A_91, %broadcast_in_dim3A_92 : vector<256x128xi1>, vector<256x128xf32>
    %add3A_94 = arith.addf %add3A_85, %select_n3A_93 : vector<256x128xf32>
    %eq3A_95 = arith.constant 3 : i32
    %eq3A_96 = vector.broadcast %eq3A_95 : i32 to vector<256x128xi32>
    %eq3A_97 = arith.cmpi eq, %iota3A, %eq3A_96 : vector<256x128xi32>
    %jit3A_98 = arith.constant 0.000000e+00 : f32
    %broadcast_in_dim3A_99 = vector.shape_cast %mul3A_66 : vector<256x1xf32> to vector<256x1xf32>
    %broadcast_in_dim3A_100 = vector.broadcast %broadcast_in_dim3A_99 : vector<256x1xf32> to vector<256x128xf32>
    %broadcast_in_dim3A_101 = vector.broadcast %jit3A_98 : f32 to vector<256x128xf32>
    %select_n3A_102 = arith.select %eq3A_97, %broadcast_in_dim3A_100, %broadcast_in_dim3A_101 : vector<256x128xi1>, vector<256x128xf32>
    %add3A_103 = arith.addf %add3A_94, %select_n3A_102 : vector<256x128xf32>
    %swap3A_104 = arith.constant 0 : index
    %swap3A_105 = arith.constant 0 : index
    %swap3A_106 = vector.load %arg6[%swap3A_104, %swap3A_105] : memref<256x128xf32, #tpu.memory_space<vmem>>, vector<256x128xf32>
    tpu.vector_store %arg6[%swap3A_104, %swap3A_105], %add3A_103 {strides = array<i32>} : memref<256x128xf32, #tpu.memory_space<vmem>>, vector<256x128xf32>,
    return
  }
  func.func @transform_0(%arg0: i32) -> (i32, i32) {
    %c0_i32 = arith.constant 0 : i32
    %c0_i32_0 = arith.constant 0 : i32
    return %arg0, %c0_i32 : i32, i32
  }
  func.func @transform_1(%arg0: i32) -> (i32, i32) {
    %c0_i32 = arith.constant 0 : i32
    %c0_i32_0 = arith.constant 0 : i32
    %c0_i32_1 = arith.constant 0 : i32
    return %c0_i32, %c0_i32_0 : i32, i32
  }
  func.func @transform_2(%arg0: i32) -> (i32, i32) {
    %c0_i32 = arith.constant 0 : i32
    %c0_i32_0 = arith.constant 0 : i32
    %c0_i32_1 = arith.constant 0 : i32
    return %c0_i32, %c0_i32_0 : i32, i32
  }
  func.func @transform_3(%arg0: i32) -> (i32, i32) {
    %c0_i32 = arith.constant 0 : i32
    %c0_i32_0 = arith.constant 0 : i32
    %c0_i32_1 = arith.constant 0 : i32
    return %c0_i32, %c0_i32_0 : i32, i32
  }
  func.func @transform_4(%arg0: i32) -> (i32, i32) {
    %c0_i32 = arith.constant 0 : i32
    %c0_i32_0 = arith.constant 0 : i32
    return %arg0, %c0_i32 : i32, i32
  }
  func.func @transform_5(%arg0: i32) -> (i32, i32) {
    %c0_i32 = arith.constant 0 : i32
    %c0_i32_0 = arith.constant 0 : i32
    return %arg0, %c0_i32 : i32, i32
  }
}

module attributes {stable_mosaic.version = 14 : i64} {
  func.func @_route_body(%arg0: i32, %arg1: memref<32x128xi32, #tpu.memory_space<vmem>>, %arg2: memref<32x128xi32, #tpu.memory_space<vmem>>, %arg3: memref<32x128xi32, #tpu.memory_space<vmem>>, %arg4: memref<32x128xi32, #tpu.memory_space<vmem>>, %arg5: memref<1x128xi32, #tpu.memory_space<vmem>>) attributes {dimension_semantics = [#tpu.dimension_semantics<arbitrary>], iteration_bounds = array<i64: 1>, scalar_prefetch = 0 : i64, scratch_operands = 0 : i64, tpu.core_type = #tpu.core_type<tc>, window_params = [{pipeline_mode = #tpu.pipeline_mode<synchronous>, transform_indices = @transform_0, window_bounds = array<i64: 32, 128>}, {pipeline_mode = #tpu.pipeline_mode<synchronous>, transform_indices = @transform_1, window_bounds = array<i64: 32, 128>}, {pipeline_mode = #tpu.pipeline_mode<synchronous>, transform_indices = @transform_2, window_bounds = array<i64: 32, 128>}, {pipeline_mode = #tpu.pipeline_mode<synchronous>, transform_indices = @transform_3, window_bounds = array<i64: 32, 128>}, {pipeline_mode = #tpu.pipeline_mode<synchronous>, transform_indices = @transform_4, window_bounds = array<i64: 1, 128>}]} {
    %get3A = arith.constant 0 : index
    %get3A_0 = arith.constant 0 : index
    %get3A_1 = vector.load %arg1[%get3A, %get3A_0] : memref<32x128xi32, #tpu.memory_space<vmem>>, vector<32x128xi32>
    %get3A_2 = arith.constant 0 : index
    %get3A_3 = arith.constant 0 : index
    %get3A_4 = vector.load %arg2[%get3A_2, %get3A_3] : memref<32x128xi32, #tpu.memory_space<vmem>>, vector<32x128xi32>
    %iota3A = tpu.iota {dimensions = array<i32: 0>} : vector<128x128xi32>
    %iota3A_5 = tpu.iota {dimensions = array<i32: 1>} : vector<128x128xi32>
    %lt3A = arith.cmpi slt, %iota3A, %iota3A_5 : vector<128x128xi32>
    %convert_element_type3A = arith.extui %lt3A : vector<128x128xi1> to vector<128x128xi32>
    %convert_element_type3A_6 = arith.sitofp %convert_element_type3A : vector<128x128xi32> to vector<128x128xf32>
    %iota3A_7 = tpu.iota {dimensions = array<i32: 0>} : vector<32x32xi32>
    %iota3A_8 = tpu.iota {dimensions = array<i32: 1>} : vector<32x32xi32>
    %gt3A = arith.cmpi sgt, %iota3A_7, %iota3A_8 : vector<32x32xi32>
    %convert_element_type3A_9 = arith.extui %gt3A : vector<32x32xi1> to vector<32x32xi32>
    %convert_element_type3A_10 = arith.sitofp %convert_element_type3A_9 : vector<32x32xi32> to vector<32x32xf32>
    %iota3A_11 = tpu.iota {dimensions = array<i32: 1>} : vector<1x128xi32>
    %mul3A = arith.constant 256 : i32
    %mul3A_12 = vector.broadcast %mul3A : i32 to vector<1x128xi32>
    %mul3A_13 = arith.muli %iota3A_11, %mul3A_12 : vector<1x128xi32>
    %broadcast_in_dim3A = arith.constant 0 : i32
    %broadcast_in_dim3A_14 = vector.broadcast %broadcast_in_dim3A : i32 to vector<32x128xi32>
    %broadcast_in_dim3A_15 = arith.constant 0 : i32
    %broadcast_in_dim3A_16 = vector.broadcast %broadcast_in_dim3A_15 : i32 to vector<32x128xi32>
    %broadcast_in_dim3A_17 = arith.constant 0 : i32
    %broadcast_in_dim3A_18 = vector.broadcast %broadcast_in_dim3A_17 : i32 to vector<1x128xi32>
    %eq3A = arith.constant 0 : i32
    %eq3A_19 = vector.broadcast %eq3A : i32 to vector<32x128xi32>
    %eq3A_20 = arith.cmpi eq, %get3A_1, %eq3A_19 : vector<32x128xi32>
    %eq3A_21 = arith.constant 0 : i32
    %eq3A_22 = vector.broadcast %eq3A_21 : i32 to vector<32x128xi32>
    %eq3A_23 = arith.cmpi eq, %get3A_4, %eq3A_22 : vector<32x128xi32>
    %convert_element_type3A_24 = arith.extui %eq3A_20 : vector<32x128xi1> to vector<32x128xi32>
    %convert_element_type3A_25 = arith.sitofp %convert_element_type3A_24 : vector<32x128xi32> to vector<32x128xf32>
    %convert_element_type3A_26 = arith.extui %eq3A_23 : vector<32x128xi1> to vector<32x128xi32>
    %convert_element_type3A_27 = arith.sitofp %convert_element_type3A_26 : vector<32x128xi32> to vector<32x128xf32>
    %dot_general3A = arith.constant dense<0.000000e+00> : vector<32x128xf32>
    %dot_general3A_28 = tpu.matmul %convert_element_type3A_25, %convert_element_type3A_6, %dot_general3A {dimension_numbers = #tpu.dot_dimension_numbers<[1], [0], [0], [1], [0, 0, 1, 1], [], []>, transpose_lhs_hint = false} : vector<32x128xf32>, vector<128x128xf32>, vector<32x128xf32> -> vector<32x128xf32>
    %dot_general3A_29 = arith.constant dense<0.000000e+00> : vector<32x128xf32>
    %dot_general3A_30 = tpu.matmul %convert_element_type3A_27, %convert_element_type3A_6, %dot_general3A_29 {dimension_numbers = #tpu.dot_dimension_numbers<[1], [0], [0], [1], [0, 0, 1, 1], [], []>, transpose_lhs_hint = false} : vector<32x128xf32>, vector<128x128xf32>, vector<32x128xf32> -> vector<32x128xf32>
    %reduce_sum3A = arith.constant dense<0.000000e+00> : vector<32xf32>
    %reduce_sum3A_31 = vector.multi_reduction <add>, %convert_element_type3A_25, %reduce_sum3A [1] : vector<32x128xf32> to vector<32xf32>
    %broadcast_in_dim3A_32 = vector.shape_cast %reduce_sum3A_31 : vector<32xf32> to vector<32x1xf32>
    %reduce_sum3A_33 = arith.constant dense<0.000000e+00> : vector<32xf32>
    %reduce_sum3A_34 = vector.multi_reduction <add>, %convert_element_type3A_27, %reduce_sum3A_33 [1] : vector<32x128xf32> to vector<32xf32>
    %broadcast_in_dim3A_35 = vector.shape_cast %reduce_sum3A_34 : vector<32xf32> to vector<32x1xf32>
    %broadcast_in_dim3A_36 = vector.shape_cast %broadcast_in_dim3A_32 : vector<32x1xf32> to vector<32x1xf32>
    %broadcast_in_dim3A_37 = vector.broadcast %broadcast_in_dim3A_36 : vector<32x1xf32> to vector<32x128xf32>
    %dot_general3A_38 = arith.constant dense<0.000000e+00> : vector<32x128xf32>
    %dot_general3A_39 = tpu.matmul %convert_element_type3A_10, %broadcast_in_dim3A_37, %dot_general3A_38 {dimension_numbers = #tpu.dot_dimension_numbers<[1], [0], [0], [1], [0, 0, 1, 1], [], []>, transpose_lhs_hint = false} : vector<32x32xf32>, vector<32x128xf32>, vector<32x128xf32> -> vector<32x128xf32>
    %broadcast_in_dim3A_40 = vector.shape_cast %broadcast_in_dim3A_35 : vector<32x1xf32> to vector<32x1xf32>
    %broadcast_in_dim3A_41 = vector.broadcast %broadcast_in_dim3A_40 : vector<32x1xf32> to vector<32x128xf32>
    %dot_general3A_42 = arith.constant dense<0.000000e+00> : vector<32x128xf32>
    %dot_general3A_43 = tpu.matmul %convert_element_type3A_10, %broadcast_in_dim3A_41, %dot_general3A_42 {dimension_numbers = #tpu.dot_dimension_numbers<[1], [0], [0], [1], [0, 0, 1, 1], [], []>, transpose_lhs_hint = false} : vector<32x32xf32>, vector<32x128xf32>, vector<32x128xf32> -> vector<32x128xf32>
    %reduce_sum3A_44 = vector.shape_cast %convert_element_type3A_25 : vector<32x128xf32> to vector<1x32x128xf32>
    %reduce_sum3A_45 = arith.constant dense<0.000000e+00> : vector<1xf32>
    %reduce_sum3A_46 = vector.multi_reduction <add>, %reduce_sum3A_44, %reduce_sum3A_45 [1, 2] : vector<1x32x128xf32> to vector<1xf32>
    %reduce_sum3A_47 = vector.shape_cast %reduce_sum3A_46 : vector<1xf32> to vector<1x1x1xf32>
    %reduce_sum3A_48 = vector.extract %reduce_sum3A_47[0, 0, 0] : f32 from vector<1x1x1xf32>
    %reduce_sum3A_49 = vector.shape_cast %convert_element_type3A_27 : vector<32x128xf32> to vector<1x32x128xf32>
    %reduce_sum3A_50 = arith.constant dense<0.000000e+00> : vector<1xf32>
    %reduce_sum3A_51 = vector.multi_reduction <add>, %reduce_sum3A_49, %reduce_sum3A_50 [1, 2] : vector<1x32x128xf32> to vector<1xf32>
    %reduce_sum3A_52 = vector.shape_cast %reduce_sum3A_51 : vector<1xf32> to vector<1x1x1xf32>
    %reduce_sum3A_53 = vector.extract %reduce_sum3A_52[0, 0, 0] : f32 from vector<1x1x1xf32>
    %add3A = arith.addf %reduce_sum3A_48, %reduce_sum3A_53 : f32
    %convert_element_type3A_54 = arith.fptosi %add3A : f32 to i32
    %add3A_55 = arith.addf %dot_general3A_39, %dot_general3A_28 : vector<32x128xf32>
    %convert_element_type3A_56 = arith.fptosi %add3A_55 : vector<32x128xf32> to vector<32x128xi32>
    %add3A_57 = vector.broadcast %reduce_sum3A_48 : f32 to vector<32x128xf32>
    %add3A_58 = arith.addf %add3A_57, %dot_general3A_43 : vector<32x128xf32>
    %add3A_59 = arith.addf %add3A_58, %dot_general3A_30 : vector<32x128xf32>
    %convert_element_type3A_60 = arith.fptosi %add3A_59 : vector<32x128xf32> to vector<32x128xi32>
    %add3A_61 = arith.constant 0 : i32
    %add3A_62 = vector.broadcast %add3A_61 : i32 to vector<32x128xi32>
    %add3A_63 = arith.addi %add3A_62, %convert_element_type3A_56 : vector<32x128xi32>
    %select_n3A = arith.select %eq3A_20, %add3A_63, %broadcast_in_dim3A_14 : vector<32x128xi1>, vector<32x128xi32>
    %add3A_64 = arith.constant 0 : i32
    %add3A_65 = vector.broadcast %add3A_64 : i32 to vector<32x128xi32>
    %add3A_66 = arith.addi %add3A_65, %convert_element_type3A_60 : vector<32x128xi32>
    %select_n3A_67 = arith.select %eq3A_23, %add3A_66, %broadcast_in_dim3A_16 : vector<32x128xi1>, vector<32x128xi32>
    %ge3A = arith.constant 0 : i32
    %ge3A_68 = vector.broadcast %ge3A : i32 to vector<1x128xi32>
    %ge3A_69 = arith.cmpi sge, %mul3A_13, %ge3A_68 : vector<1x128xi32>
    %jit3A = arith.constant 1 : i32
    %jit3A_70 = arith.constant 0 : i32
    %broadcast_in_dim3A_71 = vector.broadcast %jit3A : i32 to vector<1x128xi32>
    %broadcast_in_dim3A_72 = vector.broadcast %jit3A_70 : i32 to vector<1x128xi32>
    %select_n3A_73 = arith.select %ge3A_69, %broadcast_in_dim3A_71, %broadcast_in_dim3A_72 : vector<1x128xi1>, vector<1x128xi32>
    %add3A_74 = arith.addi %broadcast_in_dim3A_18, %select_n3A_73 : vector<1x128xi32>
    %add3A_75 = arith.constant 256 : i32
    %add3A_76 = arith.addi %convert_element_type3A_54, %add3A_75 : i32
    %sub3A = arith.constant 1 : i32
    %sub3A_77 = arith.subi %add3A_76, %sub3A : i32
    %jit3A_78 = arith.constant 256 : i32
    %div3A = arith.divsi %sub3A_77, %jit3A_78 : i32
    %sign3A = arith.constant 0 : i32
    %sign3A_79 = arith.cmpi sgt, %sub3A_77, %sign3A : i32
    %sign3A_80 = arith.extui %sign3A_79 : i1 to i32
    %sign3A_81 = arith.constant 0 : i32
    %sign3A_82 = arith.cmpi slt, %sub3A_77, %sign3A_81 : i32
    %sign3A_83 = arith.extui %sign3A_82 : i1 to i32
    %sign3A_84 = arith.subi %sign3A_80, %sign3A_83 : i32
    %sign3A_85 = arith.constant 0 : i32
    %sign3A_86 = arith.cmpi sgt, %jit3A_78, %sign3A_85 : i32
    %sign3A_87 = arith.extui %sign3A_86 : i1 to i32
    %sign3A_88 = arith.constant 0 : i32
    %sign3A_89 = arith.cmpi slt, %jit3A_78, %sign3A_88 : i32
    %sign3A_90 = arith.extui %sign3A_89 : i1 to i32
    %sign3A_91 = arith.subi %sign3A_87, %sign3A_90 : i32
    %ne3A = arith.cmpi ne, %sign3A_84, %sign3A_91 : i32
    %rem3A = arith.remsi %sub3A_77, %jit3A_78 : i32
    %ne3A_92 = arith.constant 0 : i32
    %ne3A_93 = arith.cmpi ne, %rem3A, %ne3A_92 : i32
    %and3A = arith.andi %ne3A, %ne3A_93 : i1
    %sub3A_94 = arith.constant 1 : i32
    %sub3A_95 = arith.subi %div3A, %sub3A_94 : i32
    %select_n3A_96 = arith.select %and3A, %sub3A_95, %div3A : i32
    %mul3A_97 = arith.constant 256 : i32
    %mul3A_98 = arith.muli %select_n3A_96, %mul3A_97 : i32
    %add3A_99 = arith.constant 0 : i32
    %add3A_100 = arith.addi %add3A_99, %mul3A_98 : i32
    %eq3A_101 = arith.constant 1 : i32
    %eq3A_102 = vector.broadcast %eq3A_101 : i32 to vector<32x128xi32>
    %eq3A_103 = arith.cmpi eq, %get3A_1, %eq3A_102 : vector<32x128xi32>
    %eq3A_104 = arith.constant 1 : i32
    %eq3A_105 = vector.broadcast %eq3A_104 : i32 to vector<32x128xi32>
    %eq3A_106 = arith.cmpi eq, %get3A_4, %eq3A_105 : vector<32x128xi32>
    %convert_element_type3A_107 = arith.extui %eq3A_103 : vector<32x128xi1> to vector<32x128xi32>
    %convert_element_type3A_108 = arith.sitofp %convert_element_type3A_107 : vector<32x128xi32> to vector<32x128xf32>
    %convert_element_type3A_109 = arith.extui %eq3A_106 : vector<32x128xi1> to vector<32x128xi32>
    %convert_element_type3A_110 = arith.sitofp %convert_element_type3A_109 : vector<32x128xi32> to vector<32x128xf32>
    %dot_general3A_111 = arith.constant dense<0.000000e+00> : vector<32x128xf32>
    %dot_general3A_112 = tpu.matmul %convert_element_type3A_108, %convert_element_type3A_6, %dot_general3A_111 {dimension_numbers = #tpu.dot_dimension_numbers<[1], [0], [0], [1], [0, 0, 1, 1], [], []>, transpose_lhs_hint = false} : vector<32x128xf32>, vector<128x128xf32>, vector<32x128xf32> -> vector<32x128xf32>
    %dot_general3A_113 = arith.constant dense<0.000000e+00> : vector<32x128xf32>
    %dot_general3A_114 = tpu.matmul %convert_element_type3A_110, %convert_element_type3A_6, %dot_general3A_113 {dimension_numbers = #tpu.dot_dimension_numbers<[1], [0], [0], [1], [0, 0, 1, 1], [], []>, transpose_lhs_hint = false} : vector<32x128xf32>, vector<128x128xf32>, vector<32x128xf32> -> vector<32x128xf32>
    %reduce_sum3A_115 = arith.constant dense<0.000000e+00> : vector<32xf32>
    %reduce_sum3A_116 = vector.multi_reduction <add>, %convert_element_type3A_108, %reduce_sum3A_115 [1] : vector<32x128xf32> to vector<32xf32>
    %broadcast_in_dim3A_117 = vector.shape_cast %reduce_sum3A_116 : vector<32xf32> to vector<32x1xf32>
    %reduce_sum3A_118 = arith.constant dense<0.000000e+00> : vector<32xf32>
    %reduce_sum3A_119 = vector.multi_reduction <add>, %convert_element_type3A_110, %reduce_sum3A_118 [1] : vector<32x128xf32> to vector<32xf32>
    %broadcast_in_dim3A_120 = vector.shape_cast %reduce_sum3A_119 : vector<32xf32> to vector<32x1xf32>
    %broadcast_in_dim3A_121 = vector.shape_cast %broadcast_in_dim3A_117 : vector<32x1xf32> to vector<32x1xf32>
    %broadcast_in_dim3A_122 = vector.broadcast %broadcast_in_dim3A_121 : vector<32x1xf32> to vector<32x128xf32>
    %dot_general3A_123 = arith.constant dense<0.000000e+00> : vector<32x128xf32>
    %dot_general3A_124 = tpu.matmul %convert_element_type3A_10, %broadcast_in_dim3A_122, %dot_general3A_123 {dimension_numbers = #tpu.dot_dimension_numbers<[1], [0], [0], [1], [0, 0, 1, 1], [], []>, transpose_lhs_hint = false} : vector<32x32xf32>, vector<32x128xf32>, vector<32x128xf32> -> vector<32x128xf32>
    %broadcast_in_dim3A_125 = vector.shape_cast %broadcast_in_dim3A_120 : vector<32x1xf32> to vector<32x1xf32>
    %broadcast_in_dim3A_126 = vector.broadcast %broadcast_in_dim3A_125 : vector<32x1xf32> to vector<32x128xf32>
    %dot_general3A_127 = arith.constant dense<0.000000e+00> : vector<32x128xf32>
    %dot_general3A_128 = tpu.matmul %convert_element_type3A_10, %broadcast_in_dim3A_126, %dot_general3A_127 {dimension_numbers = #tpu.dot_dimension_numbers<[1], [0], [0], [1], [0, 0, 1, 1], [], []>, transpose_lhs_hint = false} : vector<32x32xf32>, vector<32x128xf32>, vector<32x128xf32> -> vector<32x128xf32>
    %reduce_sum3A_129 = vector.shape_cast %convert_element_type3A_108 : vector<32x128xf32> to vector<1x32x128xf32>
    %reduce_sum3A_130 = arith.constant dense<0.000000e+00> : vector<1xf32>
    %reduce_sum3A_131 = vector.multi_reduction <add>, %reduce_sum3A_129, %reduce_sum3A_130 [1, 2] : vector<1x32x128xf32> to vector<1xf32>
    %reduce_sum3A_132 = vector.shape_cast %reduce_sum3A_131 : vector<1xf32> to vector<1x1x1xf32>
    %reduce_sum3A_133 = vector.extract %reduce_sum3A_132[0, 0, 0] : f32 from vector<1x1x1xf32>
    %reduce_sum3A_134 = vector.shape_cast %convert_element_type3A_110 : vector<32x128xf32> to vector<1x32x128xf32>
    %reduce_sum3A_135 = arith.constant dense<0.000000e+00> : vector<1xf32>
    %reduce_sum3A_136 = vector.multi_reduction <add>, %reduce_sum3A_134, %reduce_sum3A_135 [1, 2] : vector<1x32x128xf32> to vector<1xf32>
    %reduce_sum3A_137 = vector.shape_cast %reduce_sum3A_136 : vector<1xf32> to vector<1x1x1xf32>
    %reduce_sum3A_138 = vector.extract %reduce_sum3A_137[0, 0, 0] : f32 from vector<1x1x1xf32>
    %add3A_139 = arith.addf %reduce_sum3A_133, %reduce_sum3A_138 : f32
    %convert_element_type3A_140 = arith.fptosi %add3A_139 : f32 to i32
    %add3A_141 = arith.addf %dot_general3A_124, %dot_general3A_112 : vector<32x128xf32>
    %convert_element_type3A_142 = arith.fptosi %add3A_141 : vector<32x128xf32> to vector<32x128xi32>
    %add3A_143 = vector.broadcast %reduce_sum3A_133 : f32 to vector<32x128xf32>
    %add3A_144 = arith.addf %add3A_143, %dot_general3A_128 : vector<32x128xf32>
    %add3A_145 = arith.addf %add3A_144, %dot_general3A_114 : vector<32x128xf32>
    %convert_element_type3A_146 = arith.fptosi %add3A_145 : vector<32x128xf32> to vector<32x128xi32>
    %add3A_147 = vector.broadcast %add3A_100 : i32 to vector<32x128xi32>
    %add3A_148 = arith.addi %add3A_147, %convert_element_type3A_142 : vector<32x128xi32>
    %select_n3A_149 = arith.select %eq3A_103, %add3A_148, %select_n3A : vector<32x128xi1>, vector<32x128xi32>
    %add3A_150 = vector.broadcast %add3A_100 : i32 to vector<32x128xi32>
    %add3A_151 = arith.addi %add3A_150, %convert_element_type3A_146 : vector<32x128xi32>
    %select_n3A_152 = arith.select %eq3A_106, %add3A_151, %select_n3A_67 : vector<32x128xi1>, vector<32x128xi32>
    %ge3A_153 = vector.broadcast %add3A_100 : i32 to vector<1x128xi32>
    %ge3A_154 = arith.cmpi sge, %mul3A_13, %ge3A_153 : vector<1x128xi32>
    %jit3A_155 = arith.constant 1 : i32
    %jit3A_156 = arith.constant 0 : i32
    %broadcast_in_dim3A_157 = vector.broadcast %jit3A_155 : i32 to vector<1x128xi32>
    %broadcast_in_dim3A_158 = vector.broadcast %jit3A_156 : i32 to vector<1x128xi32>
    %select_n3A_159 = arith.select %ge3A_154, %broadcast_in_dim3A_157, %broadcast_in_dim3A_158 : vector<1x128xi1>, vector<1x128xi32>
    %add3A_160 = arith.addi %add3A_74, %select_n3A_159 : vector<1x128xi32>
    %add3A_161 = arith.constant 256 : i32
    %add3A_162 = arith.addi %convert_element_type3A_140, %add3A_161 : i32
    %sub3A_163 = arith.constant 1 : i32
    %sub3A_164 = arith.subi %add3A_162, %sub3A_163 : i32
    %jit3A_165 = arith.constant 256 : i32
    %div3A_166 = arith.divsi %sub3A_164, %jit3A_165 : i32
    %sign3A_167 = arith.constant 0 : i32
    %sign3A_168 = arith.cmpi sgt, %sub3A_164, %sign3A_167 : i32
    %sign3A_169 = arith.extui %sign3A_168 : i1 to i32
    %sign3A_170 = arith.constant 0 : i32
    %sign3A_171 = arith.cmpi slt, %sub3A_164, %sign3A_170 : i32
    %sign3A_172 = arith.extui %sign3A_171 : i1 to i32
    %sign3A_173 = arith.subi %sign3A_169, %sign3A_172 : i32
    %sign3A_174 = arith.constant 0 : i32
    %sign3A_175 = arith.cmpi sgt, %jit3A_165, %sign3A_174 : i32
    %sign3A_176 = arith.extui %sign3A_175 : i1 to i32
    %sign3A_177 = arith.constant 0 : i32
    %sign3A_178 = arith.cmpi slt, %jit3A_165, %sign3A_177 : i32
    %sign3A_179 = arith.extui %sign3A_178 : i1 to i32
    %sign3A_180 = arith.subi %sign3A_176, %sign3A_179 : i32
    %ne3A_181 = arith.cmpi ne, %sign3A_173, %sign3A_180 : i32
    %rem3A_182 = arith.remsi %sub3A_164, %jit3A_165 : i32
    %ne3A_183 = arith.constant 0 : i32
    %ne3A_184 = arith.cmpi ne, %rem3A_182, %ne3A_183 : i32
    %and3A_185 = arith.andi %ne3A_181, %ne3A_184 : i1
    %sub3A_186 = arith.constant 1 : i32
    %sub3A_187 = arith.subi %div3A_166, %sub3A_186 : i32
    %select_n3A_188 = arith.select %and3A_185, %sub3A_187, %div3A_166 : i32
    %mul3A_189 = arith.constant 256 : i32
    %mul3A_190 = arith.muli %select_n3A_188, %mul3A_189 : i32
    %add3A_191 = arith.addi %add3A_100, %mul3A_190 : i32
    %eq3A_192 = arith.constant 2 : i32
    %eq3A_193 = vector.broadcast %eq3A_192 : i32 to vector<32x128xi32>
    %eq3A_194 = arith.cmpi eq, %get3A_1, %eq3A_193 : vector<32x128xi32>
    %eq3A_195 = arith.constant 2 : i32
    %eq3A_196 = vector.broadcast %eq3A_195 : i32 to vector<32x128xi32>
    %eq3A_197 = arith.cmpi eq, %get3A_4, %eq3A_196 : vector<32x128xi32>
    %convert_element_type3A_198 = arith.extui %eq3A_194 : vector<32x128xi1> to vector<32x128xi32>
    %convert_element_type3A_199 = arith.sitofp %convert_element_type3A_198 : vector<32x128xi32> to vector<32x128xf32>
    %convert_element_type3A_200 = arith.extui %eq3A_197 : vector<32x128xi1> to vector<32x128xi32>
    %convert_element_type3A_201 = arith.sitofp %convert_element_type3A_200 : vector<32x128xi32> to vector<32x128xf32>
    %dot_general3A_202 = arith.constant dense<0.000000e+00> : vector<32x128xf32>
    %dot_general3A_203 = tpu.matmul %convert_element_type3A_199, %convert_element_type3A_6, %dot_general3A_202 {dimension_numbers = #tpu.dot_dimension_numbers<[1], [0], [0], [1], [0, 0, 1, 1], [], []>, transpose_lhs_hint = false} : vector<32x128xf32>, vector<128x128xf32>, vector<32x128xf32> -> vector<32x128xf32>
    %dot_general3A_204 = arith.constant dense<0.000000e+00> : vector<32x128xf32>
    %dot_general3A_205 = tpu.matmul %convert_element_type3A_201, %convert_element_type3A_6, %dot_general3A_204 {dimension_numbers = #tpu.dot_dimension_numbers<[1], [0], [0], [1], [0, 0, 1, 1], [], []>, transpose_lhs_hint = false} : vector<32x128xf32>, vector<128x128xf32>, vector<32x128xf32> -> vector<32x128xf32>
    %reduce_sum3A_206 = arith.constant dense<0.000000e+00> : vector<32xf32>
    %reduce_sum3A_207 = vector.multi_reduction <add>, %convert_element_type3A_199, %reduce_sum3A_206 [1] : vector<32x128xf32> to vector<32xf32>
    %broadcast_in_dim3A_208 = vector.shape_cast %reduce_sum3A_207 : vector<32xf32> to vector<32x1xf32>
    %reduce_sum3A_209 = arith.constant dense<0.000000e+00> : vector<32xf32>
    %reduce_sum3A_210 = vector.multi_reduction <add>, %convert_element_type3A_201, %reduce_sum3A_209 [1] : vector<32x128xf32> to vector<32xf32>
    %broadcast_in_dim3A_211 = vector.shape_cast %reduce_sum3A_210 : vector<32xf32> to vector<32x1xf32>
    %broadcast_in_dim3A_212 = vector.shape_cast %broadcast_in_dim3A_208 : vector<32x1xf32> to vector<32x1xf32>
    %broadcast_in_dim3A_213 = vector.broadcast %broadcast_in_dim3A_212 : vector<32x1xf32> to vector<32x128xf32>
    %dot_general3A_214 = arith.constant dense<0.000000e+00> : vector<32x128xf32>
    %dot_general3A_215 = tpu.matmul %convert_element_type3A_10, %broadcast_in_dim3A_213, %dot_general3A_214 {dimension_numbers = #tpu.dot_dimension_numbers<[1], [0], [0], [1], [0, 0, 1, 1], [], []>, transpose_lhs_hint = false} : vector<32x32xf32>, vector<32x128xf32>, vector<32x128xf32> -> vector<32x128xf32>
    %broadcast_in_dim3A_216 = vector.shape_cast %broadcast_in_dim3A_211 : vector<32x1xf32> to vector<32x1xf32>
    %broadcast_in_dim3A_217 = vector.broadcast %broadcast_in_dim3A_216 : vector<32x1xf32> to vector<32x128xf32>
    %dot_general3A_218 = arith.constant dense<0.000000e+00> : vector<32x128xf32>
    %dot_general3A_219 = tpu.matmul %convert_element_type3A_10, %broadcast_in_dim3A_217, %dot_general3A_218 {dimension_numbers = #tpu.dot_dimension_numbers<[1], [0], [0], [1], [0, 0, 1, 1], [], []>, transpose_lhs_hint = false} : vector<32x32xf32>, vector<32x128xf32>, vector<32x128xf32> -> vector<32x128xf32>
    %reduce_sum3A_220 = vector.shape_cast %convert_element_type3A_199 : vector<32x128xf32> to vector<1x32x128xf32>
    %reduce_sum3A_221 = arith.constant dense<0.000000e+00> : vector<1xf32>
    %reduce_sum3A_222 = vector.multi_reduction <add>, %reduce_sum3A_220, %reduce_sum3A_221 [1, 2] : vector<1x32x128xf32> to vector<1xf32>
    %reduce_sum3A_223 = vector.shape_cast %reduce_sum3A_222 : vector<1xf32> to vector<1x1x1xf32>
    %reduce_sum3A_224 = vector.extract %reduce_sum3A_223[0, 0, 0] : f32 from vector<1x1x1xf32>
    %reduce_sum3A_225 = vector.shape_cast %convert_element_type3A_201 : vector<32x128xf32> to vector<1x32x128xf32>
    %reduce_sum3A_226 = arith.constant dense<0.000000e+00> : vector<1xf32>
    %reduce_sum3A_227 = vector.multi_reduction <add>, %reduce_sum3A_225, %reduce_sum3A_226 [1, 2] : vector<1x32x128xf32> to vector<1xf32>
    %reduce_sum3A_228 = vector.shape_cast %reduce_sum3A_227 : vector<1xf32> to vector<1x1x1xf32>
    %reduce_sum3A_229 = vector.extract %reduce_sum3A_228[0, 0, 0] : f32 from vector<1x1x1xf32>
    %add3A_230 = arith.addf %reduce_sum3A_224, %reduce_sum3A_229 : f32
    %convert_element_type3A_231 = arith.fptosi %add3A_230 : f32 to i32
    %add3A_232 = arith.addf %dot_general3A_215, %dot_general3A_203 : vector<32x128xf32>
    %convert_element_type3A_233 = arith.fptosi %add3A_232 : vector<32x128xf32> to vector<32x128xi32>
    %add3A_234 = vector.broadcast %reduce_sum3A_224 : f32 to vector<32x128xf32>
    %add3A_235 = arith.addf %add3A_234, %dot_general3A_219 : vector<32x128xf32>
    %add3A_236 = arith.addf %add3A_235, %dot_general3A_205 : vector<32x128xf32>
    %convert_element_type3A_237 = arith.fptosi %add3A_236 : vector<32x128xf32> to vector<32x128xi32>
    %add3A_238 = vector.broadcast %add3A_191 : i32 to vector<32x128xi32>
    %add3A_239 = arith.addi %add3A_238, %convert_element_type3A_233 : vector<32x128xi32>
    %select_n3A_240 = arith.select %eq3A_194, %add3A_239, %select_n3A_149 : vector<32x128xi1>, vector<32x128xi32>
    %add3A_241 = vector.broadcast %add3A_191 : i32 to vector<32x128xi32>
    %add3A_242 = arith.addi %add3A_241, %convert_element_type3A_237 : vector<32x128xi32>
    %select_n3A_243 = arith.select %eq3A_197, %add3A_242, %select_n3A_152 : vector<32x128xi1>, vector<32x128xi32>
    %ge3A_244 = vector.broadcast %add3A_191 : i32 to vector<1x128xi32>
    %ge3A_245 = arith.cmpi sge, %mul3A_13, %ge3A_244 : vector<1x128xi32>
    %jit3A_246 = arith.constant 1 : i32
    %jit3A_247 = arith.constant 0 : i32
    %broadcast_in_dim3A_248 = vector.broadcast %jit3A_246 : i32 to vector<1x128xi32>
    %broadcast_in_dim3A_249 = vector.broadcast %jit3A_247 : i32 to vector<1x128xi32>
    %select_n3A_250 = arith.select %ge3A_245, %broadcast_in_dim3A_248, %broadcast_in_dim3A_249 : vector<1x128xi1>, vector<1x128xi32>
    %add3A_251 = arith.addi %add3A_160, %select_n3A_250 : vector<1x128xi32>
    %add3A_252 = arith.constant 256 : i32
    %add3A_253 = arith.addi %convert_element_type3A_231, %add3A_252 : i32
    %sub3A_254 = arith.constant 1 : i32
    %sub3A_255 = arith.subi %add3A_253, %sub3A_254 : i32
    %jit3A_256 = arith.constant 256 : i32
    %div3A_257 = arith.divsi %sub3A_255, %jit3A_256 : i32
    %sign3A_258 = arith.constant 0 : i32
    %sign3A_259 = arith.cmpi sgt, %sub3A_255, %sign3A_258 : i32
    %sign3A_260 = arith.extui %sign3A_259 : i1 to i32
    %sign3A_261 = arith.constant 0 : i32
    %sign3A_262 = arith.cmpi slt, %sub3A_255, %sign3A_261 : i32
    %sign3A_263 = arith.extui %sign3A_262 : i1 to i32
    %sign3A_264 = arith.subi %sign3A_260, %sign3A_263 : i32
    %sign3A_265 = arith.constant 0 : i32
    %sign3A_266 = arith.cmpi sgt, %jit3A_256, %sign3A_265 : i32
    %sign3A_267 = arith.extui %sign3A_266 : i1 to i32
    %sign3A_268 = arith.constant 0 : i32
    %sign3A_269 = arith.cmpi slt, %jit3A_256, %sign3A_268 : i32
    %sign3A_270 = arith.extui %sign3A_269 : i1 to i32
    %sign3A_271 = arith.subi %sign3A_267, %sign3A_270 : i32
    %ne3A_272 = arith.cmpi ne, %sign3A_264, %sign3A_271 : i32
    %rem3A_273 = arith.remsi %sub3A_255, %jit3A_256 : i32
    %ne3A_274 = arith.constant 0 : i32
    %ne3A_275 = arith.cmpi ne, %rem3A_273, %ne3A_274 : i32
    %and3A_276 = arith.andi %ne3A_272, %ne3A_275 : i1
    %sub3A_277 = arith.constant 1 : i32
    %sub3A_278 = arith.subi %div3A_257, %sub3A_277 : i32
    %select_n3A_279 = arith.select %and3A_276, %sub3A_278, %div3A_257 : i32
    %mul3A_280 = arith.constant 256 : i32
    %mul3A_281 = arith.muli %select_n3A_279, %mul3A_280 : i32
    %add3A_282 = arith.addi %add3A_191, %mul3A_281 : i32
    %eq3A_283 = arith.constant 3 : i32
    %eq3A_284 = vector.broadcast %eq3A_283 : i32 to vector<32x128xi32>
    %eq3A_285 = arith.cmpi eq, %get3A_1, %eq3A_284 : vector<32x128xi32>
    %eq3A_286 = arith.constant 3 : i32
    %eq3A_287 = vector.broadcast %eq3A_286 : i32 to vector<32x128xi32>
    %eq3A_288 = arith.cmpi eq, %get3A_4, %eq3A_287 : vector<32x128xi32>
    %convert_element_type3A_289 = arith.extui %eq3A_285 : vector<32x128xi1> to vector<32x128xi32>
    %convert_element_type3A_290 = arith.sitofp %convert_element_type3A_289 : vector<32x128xi32> to vector<32x128xf32>
    %convert_element_type3A_291 = arith.extui %eq3A_288 : vector<32x128xi1> to vector<32x128xi32>
    %convert_element_type3A_292 = arith.sitofp %convert_element_type3A_291 : vector<32x128xi32> to vector<32x128xf32>
    %dot_general3A_293 = arith.constant dense<0.000000e+00> : vector<32x128xf32>
    %dot_general3A_294 = tpu.matmul %convert_element_type3A_290, %convert_element_type3A_6, %dot_general3A_293 {dimension_numbers = #tpu.dot_dimension_numbers<[1], [0], [0], [1], [0, 0, 1, 1], [], []>, transpose_lhs_hint = false} : vector<32x128xf32>, vector<128x128xf32>, vector<32x128xf32> -> vector<32x128xf32>
    %dot_general3A_295 = arith.constant dense<0.000000e+00> : vector<32x128xf32>
    %dot_general3A_296 = tpu.matmul %convert_element_type3A_292, %convert_element_type3A_6, %dot_general3A_295 {dimension_numbers = #tpu.dot_dimension_numbers<[1], [0], [0], [1], [0, 0, 1, 1], [], []>, transpose_lhs_hint = false} : vector<32x128xf32>, vector<128x128xf32>, vector<32x128xf32> -> vector<32x128xf32>
    %reduce_sum3A_297 = arith.constant dense<0.000000e+00> : vector<32xf32>
    %reduce_sum3A_298 = vector.multi_reduction <add>, %convert_element_type3A_290, %reduce_sum3A_297 [1] : vector<32x128xf32> to vector<32xf32>
    %broadcast_in_dim3A_299 = vector.shape_cast %reduce_sum3A_298 : vector<32xf32> to vector<32x1xf32>
    %reduce_sum3A_300 = arith.constant dense<0.000000e+00> : vector<32xf32>
    %reduce_sum3A_301 = vector.multi_reduction <add>, %convert_element_type3A_292, %reduce_sum3A_300 [1] : vector<32x128xf32> to vector<32xf32>
    %broadcast_in_dim3A_302 = vector.shape_cast %reduce_sum3A_301 : vector<32xf32> to vector<32x1xf32>
    %broadcast_in_dim3A_303 = vector.shape_cast %broadcast_in_dim3A_299 : vector<32x1xf32> to vector<32x1xf32>
    %broadcast_in_dim3A_304 = vector.broadcast %broadcast_in_dim3A_303 : vector<32x1xf32> to vector<32x128xf32>
    %dot_general3A_305 = arith.constant dense<0.000000e+00> : vector<32x128xf32>
    %dot_general3A_306 = tpu.matmul %convert_element_type3A_10, %broadcast_in_dim3A_304, %dot_general3A_305 {dimension_numbers = #tpu.dot_dimension_numbers<[1], [0], [0], [1], [0, 0, 1, 1], [], []>, transpose_lhs_hint = false} : vector<32x32xf32>, vector<32x128xf32>, vector<32x128xf32> -> vector<32x128xf32>
    %broadcast_in_dim3A_307 = vector.shape_cast %broadcast_in_dim3A_302 : vector<32x1xf32> to vector<32x1xf32>
    %broadcast_in_dim3A_308 = vector.broadcast %broadcast_in_dim3A_307 : vector<32x1xf32> to vector<32x128xf32>
    %dot_general3A_309 = arith.constant dense<0.000000e+00> : vector<32x128xf32>
    %dot_general3A_310 = tpu.matmul %convert_element_type3A_10, %broadcast_in_dim3A_308, %dot_general3A_309 {dimension_numbers = #tpu.dot_dimension_numbers<[1], [0], [0], [1], [0, 0, 1, 1], [], []>, transpose_lhs_hint = false} : vector<32x32xf32>, vector<32x128xf32>, vector<32x128xf32> -> vector<32x128xf32>
    %reduce_sum3A_311 = vector.shape_cast %convert_element_type3A_290 : vector<32x128xf32> to vector<1x32x128xf32>
    %reduce_sum3A_312 = arith.constant dense<0.000000e+00> : vector<1xf32>
    %reduce_sum3A_313 = vector.multi_reduction <add>, %reduce_sum3A_311, %reduce_sum3A_312 [1, 2] : vector<1x32x128xf32> to vector<1xf32>
    %reduce_sum3A_314 = vector.shape_cast %reduce_sum3A_313 : vector<1xf32> to vector<1x1x1xf32>
    %reduce_sum3A_315 = vector.extract %reduce_sum3A_314[0, 0, 0] : f32 from vector<1x1x1xf32>
    %reduce_sum3A_316 = vector.shape_cast %convert_element_type3A_292 : vector<32x128xf32> to vector<1x32x128xf32>
    %reduce_sum3A_317 = arith.constant dense<0.000000e+00> : vector<1xf32>
    %reduce_sum3A_318 = vector.multi_reduction <add>, %reduce_sum3A_316, %reduce_sum3A_317 [1, 2] : vector<1x32x128xf32> to vector<1xf32>
    %reduce_sum3A_319 = vector.shape_cast %reduce_sum3A_318 : vector<1xf32> to vector<1x1x1xf32>
    %reduce_sum3A_320 = vector.extract %reduce_sum3A_319[0, 0, 0] : f32 from vector<1x1x1xf32>
    %add3A_321 = arith.addf %reduce_sum3A_315, %reduce_sum3A_320 : f32
    %convert_element_type3A_322 = arith.fptosi %add3A_321 : f32 to i32
    %add3A_323 = arith.addf %dot_general3A_306, %dot_general3A_294 : vector<32x128xf32>
    %convert_element_type3A_324 = arith.fptosi %add3A_323 : vector<32x128xf32> to vector<32x128xi32>
    %add3A_325 = vector.broadcast %reduce_sum3A_315 : f32 to vector<32x128xf32>
    %add3A_326 = arith.addf %add3A_325, %dot_general3A_310 : vector<32x128xf32>
    %add3A_327 = arith.addf %add3A_326, %dot_general3A_296 : vector<32x128xf32>
    %convert_element_type3A_328 = arith.fptosi %add3A_327 : vector<32x128xf32> to vector<32x128xi32>
    %add3A_329 = vector.broadcast %add3A_282 : i32 to vector<32x128xi32>
    %add3A_330 = arith.addi %add3A_329, %convert_element_type3A_324 : vector<32x128xi32>
    %select_n3A_331 = arith.select %eq3A_285, %add3A_330, %select_n3A_240 : vector<32x128xi1>, vector<32x128xi32>
    %add3A_332 = vector.broadcast %add3A_282 : i32 to vector<32x128xi32>
    %add3A_333 = arith.addi %add3A_332, %convert_element_type3A_328 : vector<32x128xi32>
    %select_n3A_334 = arith.select %eq3A_288, %add3A_333, %select_n3A_243 : vector<32x128xi1>, vector<32x128xi32>
    %ge3A_335 = vector.broadcast %add3A_282 : i32 to vector<1x128xi32>
    %ge3A_336 = arith.cmpi sge, %mul3A_13, %ge3A_335 : vector<1x128xi32>
    %jit3A_337 = arith.constant 1 : i32
    %jit3A_338 = arith.constant 0 : i32
    %broadcast_in_dim3A_339 = vector.broadcast %jit3A_337 : i32 to vector<1x128xi32>
    %broadcast_in_dim3A_340 = vector.broadcast %jit3A_338 : i32 to vector<1x128xi32>
    %select_n3A_341 = arith.select %ge3A_336, %broadcast_in_dim3A_339, %broadcast_in_dim3A_340 : vector<1x128xi1>, vector<1x128xi32>
    %add3A_342 = arith.addi %add3A_251, %select_n3A_341 : vector<1x128xi32>
    %add3A_343 = arith.constant 256 : i32
    %add3A_344 = arith.addi %convert_element_type3A_322, %add3A_343 : i32
    %sub3A_345 = arith.constant 1 : i32
    %sub3A_346 = arith.subi %add3A_344, %sub3A_345 : i32
    %jit3A_347 = arith.constant 256 : i32
    %div3A_348 = arith.divsi %sub3A_346, %jit3A_347 : i32
    %sign3A_349 = arith.constant 0 : i32
    %sign3A_350 = arith.cmpi sgt, %sub3A_346, %sign3A_349 : i32
    %sign3A_351 = arith.extui %sign3A_350 : i1 to i32
    %sign3A_352 = arith.constant 0 : i32
    %sign3A_353 = arith.cmpi slt, %sub3A_346, %sign3A_352 : i32
    %sign3A_354 = arith.extui %sign3A_353 : i1 to i32
    %sign3A_355 = arith.subi %sign3A_351, %sign3A_354 : i32
    %sign3A_356 = arith.constant 0 : i32
    %sign3A_357 = arith.cmpi sgt, %jit3A_347, %sign3A_356 : i32
    %sign3A_358 = arith.extui %sign3A_357 : i1 to i32
    %sign3A_359 = arith.constant 0 : i32
    %sign3A_360 = arith.cmpi slt, %jit3A_347, %sign3A_359 : i32
    %sign3A_361 = arith.extui %sign3A_360 : i1 to i32
    %sign3A_362 = arith.subi %sign3A_358, %sign3A_361 : i32
    %ne3A_363 = arith.cmpi ne, %sign3A_355, %sign3A_362 : i32
    %rem3A_364 = arith.remsi %sub3A_346, %jit3A_347 : i32
    %ne3A_365 = arith.constant 0 : i32
    %ne3A_366 = arith.cmpi ne, %rem3A_364, %ne3A_365 : i32
    %and3A_367 = arith.andi %ne3A_363, %ne3A_366 : i1
    %sub3A_368 = arith.constant 1 : i32
    %sub3A_369 = arith.subi %div3A_348, %sub3A_368 : i32
    %select_n3A_370 = arith.select %and3A_367, %sub3A_369, %div3A_348 : i32
    %mul3A_371 = arith.constant 256 : i32
    %mul3A_372 = arith.muli %select_n3A_370, %mul3A_371 : i32
    %add3A_373 = arith.addi %add3A_282, %mul3A_372 : i32
    %eq3A_374 = arith.constant 4 : i32
    %eq3A_375 = vector.broadcast %eq3A_374 : i32 to vector<32x128xi32>
    %eq3A_376 = arith.cmpi eq, %get3A_1, %eq3A_375 : vector<32x128xi32>
    %eq3A_377 = arith.constant 4 : i32
    %eq3A_378 = vector.broadcast %eq3A_377 : i32 to vector<32x128xi32>
    %eq3A_379 = arith.cmpi eq, %get3A_4, %eq3A_378 : vector<32x128xi32>
    %convert_element_type3A_380 = arith.extui %eq3A_376 : vector<32x128xi1> to vector<32x128xi32>
    %convert_element_type3A_381 = arith.sitofp %convert_element_type3A_380 : vector<32x128xi32> to vector<32x128xf32>
    %convert_element_type3A_382 = arith.extui %eq3A_379 : vector<32x128xi1> to vector<32x128xi32>
    %convert_element_type3A_383 = arith.sitofp %convert_element_type3A_382 : vector<32x128xi32> to vector<32x128xf32>
    %dot_general3A_384 = arith.constant dense<0.000000e+00> : vector<32x128xf32>
    %dot_general3A_385 = tpu.matmul %convert_element_type3A_381, %convert_element_type3A_6, %dot_general3A_384 {dimension_numbers = #tpu.dot_dimension_numbers<[1], [0], [0], [1], [0, 0, 1, 1], [], []>, transpose_lhs_hint = false} : vector<32x128xf32>, vector<128x128xf32>, vector<32x128xf32> -> vector<32x128xf32>
    %dot_general3A_386 = arith.constant dense<0.000000e+00> : vector<32x128xf32>
    %dot_general3A_387 = tpu.matmul %convert_element_type3A_383, %convert_element_type3A_6, %dot_general3A_386 {dimension_numbers = #tpu.dot_dimension_numbers<[1], [0], [0], [1], [0, 0, 1, 1], [], []>, transpose_lhs_hint = false} : vector<32x128xf32>, vector<128x128xf32>, vector<32x128xf32> -> vector<32x128xf32>
    %reduce_sum3A_388 = arith.constant dense<0.000000e+00> : vector<32xf32>
    %reduce_sum3A_389 = vector.multi_reduction <add>, %convert_element_type3A_381, %reduce_sum3A_388 [1] : vector<32x128xf32> to vector<32xf32>
    %broadcast_in_dim3A_390 = vector.shape_cast %reduce_sum3A_389 : vector<32xf32> to vector<32x1xf32>
    %reduce_sum3A_391 = arith.constant dense<0.000000e+00> : vector<32xf32>
    %reduce_sum3A_392 = vector.multi_reduction <add>, %convert_element_type3A_383, %reduce_sum3A_391 [1] : vector<32x128xf32> to vector<32xf32>
    %broadcast_in_dim3A_393 = vector.shape_cast %reduce_sum3A_392 : vector<32xf32> to vector<32x1xf32>
    %broadcast_in_dim3A_394 = vector.shape_cast %broadcast_in_dim3A_390 : vector<32x1xf32> to vector<32x1xf32>
    %broadcast_in_dim3A_395 = vector.broadcast %broadcast_in_dim3A_394 : vector<32x1xf32> to vector<32x128xf32>
    %dot_general3A_396 = arith.constant dense<0.000000e+00> : vector<32x128xf32>
    %dot_general3A_397 = tpu.matmul %convert_element_type3A_10, %broadcast_in_dim3A_395, %dot_general3A_396 {dimension_numbers = #tpu.dot_dimension_numbers<[1], [0], [0], [1], [0, 0, 1, 1], [], []>, transpose_lhs_hint = false} : vector<32x32xf32>, vector<32x128xf32>, vector<32x128xf32> -> vector<32x128xf32>
    %broadcast_in_dim3A_398 = vector.shape_cast %broadcast_in_dim3A_393 : vector<32x1xf32> to vector<32x1xf32>
    %broadcast_in_dim3A_399 = vector.broadcast %broadcast_in_dim3A_398 : vector<32x1xf32> to vector<32x128xf32>
    %dot_general3A_400 = arith.constant dense<0.000000e+00> : vector<32x128xf32>
    %dot_general3A_401 = tpu.matmul %convert_element_type3A_10, %broadcast_in_dim3A_399, %dot_general3A_400 {dimension_numbers = #tpu.dot_dimension_numbers<[1], [0], [0], [1], [0, 0, 1, 1], [], []>, transpose_lhs_hint = false} : vector<32x32xf32>, vector<32x128xf32>, vector<32x128xf32> -> vector<32x128xf32>
    %reduce_sum3A_402 = vector.shape_cast %convert_element_type3A_381 : vector<32x128xf32> to vector<1x32x128xf32>
    %reduce_sum3A_403 = arith.constant dense<0.000000e+00> : vector<1xf32>
    %reduce_sum3A_404 = vector.multi_reduction <add>, %reduce_sum3A_402, %reduce_sum3A_403 [1, 2] : vector<1x32x128xf32> to vector<1xf32>
    %reduce_sum3A_405 = vector.shape_cast %reduce_sum3A_404 : vector<1xf32> to vector<1x1x1xf32>
    %reduce_sum3A_406 = vector.extract %reduce_sum3A_405[0, 0, 0] : f32 from vector<1x1x1xf32>
    %reduce_sum3A_407 = vector.shape_cast %convert_element_type3A_383 : vector<32x128xf32> to vector<1x32x128xf32>
    %reduce_sum3A_408 = arith.constant dense<0.000000e+00> : vector<1xf32>
    %reduce_sum3A_409 = vector.multi_reduction <add>, %reduce_sum3A_407, %reduce_sum3A_408 [1, 2] : vector<1x32x128xf32> to vector<1xf32>
    %reduce_sum3A_410 = vector.shape_cast %reduce_sum3A_409 : vector<1xf32> to vector<1x1x1xf32>
    %reduce_sum3A_411 = vector.extract %reduce_sum3A_410[0, 0, 0] : f32 from vector<1x1x1xf32>
    %add3A_412 = arith.addf %reduce_sum3A_406, %reduce_sum3A_411 : f32
    %convert_element_type3A_413 = arith.fptosi %add3A_412 : f32 to i32
    %add3A_414 = arith.addf %dot_general3A_397, %dot_general3A_385 : vector<32x128xf32>
    %convert_element_type3A_415 = arith.fptosi %add3A_414 : vector<32x128xf32> to vector<32x128xi32>
    %add3A_416 = vector.broadcast %reduce_sum3A_406 : f32 to vector<32x128xf32>
    %add3A_417 = arith.addf %add3A_416, %dot_general3A_401 : vector<32x128xf32>
    %add3A_418 = arith.addf %add3A_417, %dot_general3A_387 : vector<32x128xf32>
    %convert_element_type3A_419 = arith.fptosi %add3A_418 : vector<32x128xf32> to vector<32x128xi32>
    %add3A_420 = vector.broadcast %add3A_373 : i32 to vector<32x128xi32>
    %add3A_421 = arith.addi %add3A_420, %convert_element_type3A_415 : vector<32x128xi32>
    %select_n3A_422 = arith.select %eq3A_376, %add3A_421, %select_n3A_331 : vector<32x128xi1>, vector<32x128xi32>
    %add3A_423 = vector.broadcast %add3A_373 : i32 to vector<32x128xi32>
    %add3A_424 = arith.addi %add3A_423, %convert_element_type3A_419 : vector<32x128xi32>
    %select_n3A_425 = arith.select %eq3A_379, %add3A_424, %select_n3A_334 : vector<32x128xi1>, vector<32x128xi32>
    %ge3A_426 = vector.broadcast %add3A_373 : i32 to vector<1x128xi32>
    %ge3A_427 = arith.cmpi sge, %mul3A_13, %ge3A_426 : vector<1x128xi32>
    %jit3A_428 = arith.constant 1 : i32
    %jit3A_429 = arith.constant 0 : i32
    %broadcast_in_dim3A_430 = vector.broadcast %jit3A_428 : i32 to vector<1x128xi32>
    %broadcast_in_dim3A_431 = vector.broadcast %jit3A_429 : i32 to vector<1x128xi32>
    %select_n3A_432 = arith.select %ge3A_427, %broadcast_in_dim3A_430, %broadcast_in_dim3A_431 : vector<1x128xi1>, vector<1x128xi32>
    %add3A_433 = arith.addi %add3A_342, %select_n3A_432 : vector<1x128xi32>
    %add3A_434 = arith.constant 256 : i32
    %add3A_435 = arith.addi %convert_element_type3A_413, %add3A_434 : i32
    %sub3A_436 = arith.constant 1 : i32
    %sub3A_437 = arith.subi %add3A_435, %sub3A_436 : i32
    %jit3A_438 = arith.constant 256 : i32
    %div3A_439 = arith.divsi %sub3A_437, %jit3A_438 : i32
    %sign3A_440 = arith.constant 0 : i32
    %sign3A_441 = arith.cmpi sgt, %sub3A_437, %sign3A_440 : i32
    %sign3A_442 = arith.extui %sign3A_441 : i1 to i32
    %sign3A_443 = arith.constant 0 : i32
    %sign3A_444 = arith.cmpi slt, %sub3A_437, %sign3A_443 : i32
    %sign3A_445 = arith.extui %sign3A_444 : i1 to i32
    %sign3A_446 = arith.subi %sign3A_442, %sign3A_445 : i32
    %sign3A_447 = arith.constant 0 : i32
    %sign3A_448 = arith.cmpi sgt, %jit3A_438, %sign3A_447 : i32
    %sign3A_449 = arith.extui %sign3A_448 : i1 to i32
    %sign3A_450 = arith.constant 0 : i32
    %sign3A_451 = arith.cmpi slt, %jit3A_438, %sign3A_450 : i32
    %sign3A_452 = arith.extui %sign3A_451 : i1 to i32
    %sign3A_453 = arith.subi %sign3A_449, %sign3A_452 : i32
    %ne3A_454 = arith.cmpi ne, %sign3A_446, %sign3A_453 : i32
    %rem3A_455 = arith.remsi %sub3A_437, %jit3A_438 : i32
    %ne3A_456 = arith.constant 0 : i32
    %ne3A_457 = arith.cmpi ne, %rem3A_455, %ne3A_456 : i32
    %and3A_458 = arith.andi %ne3A_454, %ne3A_457 : i1
    %sub3A_459 = arith.constant 1 : i32
    %sub3A_460 = arith.subi %div3A_439, %sub3A_459 : i32
    %select_n3A_461 = arith.select %and3A_458, %sub3A_460, %div3A_439 : i32
    %mul3A_462 = arith.constant 256 : i32
    %mul3A_463 = arith.muli %select_n3A_461, %mul3A_462 : i32
    %add3A_464 = arith.addi %add3A_373, %mul3A_463 : i32
    %eq3A_465 = arith.constant 5 : i32
    %eq3A_466 = vector.broadcast %eq3A_465 : i32 to vector<32x128xi32>
    %eq3A_467 = arith.cmpi eq, %get3A_1, %eq3A_466 : vector<32x128xi32>
    %eq3A_468 = arith.constant 5 : i32
    %eq3A_469 = vector.broadcast %eq3A_468 : i32 to vector<32x128xi32>
    %eq3A_470 = arith.cmpi eq, %get3A_4, %eq3A_469 : vector<32x128xi32>
    %convert_element_type3A_471 = arith.extui %eq3A_467 : vector<32x128xi1> to vector<32x128xi32>
    %convert_element_type3A_472 = arith.sitofp %convert_element_type3A_471 : vector<32x128xi32> to vector<32x128xf32>
    %convert_element_type3A_473 = arith.extui %eq3A_470 : vector<32x128xi1> to vector<32x128xi32>
    %convert_element_type3A_474 = arith.sitofp %convert_element_type3A_473 : vector<32x128xi32> to vector<32x128xf32>
    %dot_general3A_475 = arith.constant dense<0.000000e+00> : vector<32x128xf32>
    %dot_general3A_476 = tpu.matmul %convert_element_type3A_472, %convert_element_type3A_6, %dot_general3A_475 {dimension_numbers = #tpu.dot_dimension_numbers<[1], [0], [0], [1], [0, 0, 1, 1], [], []>, transpose_lhs_hint = false} : vector<32x128xf32>, vector<128x128xf32>, vector<32x128xf32> -> vector<32x128xf32>
    %dot_general3A_477 = arith.constant dense<0.000000e+00> : vector<32x128xf32>
    %dot_general3A_478 = tpu.matmul %convert_element_type3A_474, %convert_element_type3A_6, %dot_general3A_477 {dimension_numbers = #tpu.dot_dimension_numbers<[1], [0], [0], [1], [0, 0, 1, 1], [], []>, transpose_lhs_hint = false} : vector<32x128xf32>, vector<128x128xf32>, vector<32x128xf32> -> vector<32x128xf32>
    %reduce_sum3A_479 = arith.constant dense<0.000000e+00> : vector<32xf32>
    %reduce_sum3A_480 = vector.multi_reduction <add>, %convert_element_type3A_472, %reduce_sum3A_479 [1] : vector<32x128xf32> to vector<32xf32>
    %broadcast_in_dim3A_481 = vector.shape_cast %reduce_sum3A_480 : vector<32xf32> to vector<32x1xf32>
    %reduce_sum3A_482 = arith.constant dense<0.000000e+00> : vector<32xf32>
    %reduce_sum3A_483 = vector.multi_reduction <add>, %convert_element_type3A_474, %reduce_sum3A_482 [1] : vector<32x128xf32> to vector<32xf32>
    %broadcast_in_dim3A_484 = vector.shape_cast %reduce_sum3A_483 : vector<32xf32> to vector<32x1xf32>
    %broadcast_in_dim3A_485 = vector.shape_cast %broadcast_in_dim3A_481 : vector<32x1xf32> to vector<32x1xf32>
    %broadcast_in_dim3A_486 = vector.broadcast %broadcast_in_dim3A_485 : vector<32x1xf32> to vector<32x128xf32>
    %dot_general3A_487 = arith.constant dense<0.000000e+00> : vector<32x128xf32>
    %dot_general3A_488 = tpu.matmul %convert_element_type3A_10, %broadcast_in_dim3A_486, %dot_general3A_487 {dimension_numbers = #tpu.dot_dimension_numbers<[1], [0], [0], [1], [0, 0, 1, 1], [], []>, transpose_lhs_hint = false} : vector<32x32xf32>, vector<32x128xf32>, vector<32x128xf32> -> vector<32x128xf32>
    %broadcast_in_dim3A_489 = vector.shape_cast %broadcast_in_dim3A_484 : vector<32x1xf32> to vector<32x1xf32>
    %broadcast_in_dim3A_490 = vector.broadcast %broadcast_in_dim3A_489 : vector<32x1xf32> to vector<32x128xf32>
    %dot_general3A_491 = arith.constant dense<0.000000e+00> : vector<32x128xf32>
    %dot_general3A_492 = tpu.matmul %convert_element_type3A_10, %broadcast_in_dim3A_490, %dot_general3A_491 {dimension_numbers = #tpu.dot_dimension_numbers<[1], [0], [0], [1], [0, 0, 1, 1], [], []>, transpose_lhs_hint = false} : vector<32x32xf32>, vector<32x128xf32>, vector<32x128xf32> -> vector<32x128xf32>
    %reduce_sum3A_493 = vector.shape_cast %convert_element_type3A_472 : vector<32x128xf32> to vector<1x32x128xf32>
    %reduce_sum3A_494 = arith.constant dense<0.000000e+00> : vector<1xf32>
    %reduce_sum3A_495 = vector.multi_reduction <add>, %reduce_sum3A_493, %reduce_sum3A_494 [1, 2] : vector<1x32x128xf32> to vector<1xf32>
    %reduce_sum3A_496 = vector.shape_cast %reduce_sum3A_495 : vector<1xf32> to vector<1x1x1xf32>
    %reduce_sum3A_497 = vector.extract %reduce_sum3A_496[0, 0, 0] : f32 from vector<1x1x1xf32>
    %reduce_sum3A_498 = vector.shape_cast %convert_element_type3A_474 : vector<32x128xf32> to vector<1x32x128xf32>
    %reduce_sum3A_499 = arith.constant dense<0.000000e+00> : vector<1xf32>
    %reduce_sum3A_500 = vector.multi_reduction <add>, %reduce_sum3A_498, %reduce_sum3A_499 [1, 2] : vector<1x32x128xf32> to vector<1xf32>
    %reduce_sum3A_501 = vector.shape_cast %reduce_sum3A_500 : vector<1xf32> to vector<1x1x1xf32>
    %reduce_sum3A_502 = vector.extract %reduce_sum3A_501[0, 0, 0] : f32 from vector<1x1x1xf32>
    %add3A_503 = arith.addf %reduce_sum3A_497, %reduce_sum3A_502 : f32
    %convert_element_type3A_504 = arith.fptosi %add3A_503 : f32 to i32
    %add3A_505 = arith.addf %dot_general3A_488, %dot_general3A_476 : vector<32x128xf32>
    %convert_element_type3A_506 = arith.fptosi %add3A_505 : vector<32x128xf32> to vector<32x128xi32>
    %add3A_507 = vector.broadcast %reduce_sum3A_497 : f32 to vector<32x128xf32>
    %add3A_508 = arith.addf %add3A_507, %dot_general3A_492 : vector<32x128xf32>
    %add3A_509 = arith.addf %add3A_508, %dot_general3A_478 : vector<32x128xf32>
    %convert_element_type3A_510 = arith.fptosi %add3A_509 : vector<32x128xf32> to vector<32x128xi32>
    %add3A_511 = vector.broadcast %add3A_464 : i32 to vector<32x128xi32>
    %add3A_512 = arith.addi %add3A_511, %convert_element_type3A_506 : vector<32x128xi32>
    %select_n3A_513 = arith.select %eq3A_467, %add3A_512, %select_n3A_422 : vector<32x128xi1>, vector<32x128xi32>
    %add3A_514 = vector.broadcast %add3A_464 : i32 to vector<32x128xi32>
    %add3A_515 = arith.addi %add3A_514, %convert_element_type3A_510 : vector<32x128xi32>
    %select_n3A_516 = arith.select %eq3A_470, %add3A_515, %select_n3A_425 : vector<32x128xi1>, vector<32x128xi32>
    %ge3A_517 = vector.broadcast %add3A_464 : i32 to vector<1x128xi32>
    %ge3A_518 = arith.cmpi sge, %mul3A_13, %ge3A_517 : vector<1x128xi32>
    %jit3A_519 = arith.constant 1 : i32
    %jit3A_520 = arith.constant 0 : i32
    %broadcast_in_dim3A_521 = vector.broadcast %jit3A_519 : i32 to vector<1x128xi32>
    %broadcast_in_dim3A_522 = vector.broadcast %jit3A_520 : i32 to vector<1x128xi32>
    %select_n3A_523 = arith.select %ge3A_518, %broadcast_in_dim3A_521, %broadcast_in_dim3A_522 : vector<1x128xi1>, vector<1x128xi32>
    %add3A_524 = arith.addi %add3A_433, %select_n3A_523 : vector<1x128xi32>
    %add3A_525 = arith.constant 256 : i32
    %add3A_526 = arith.addi %convert_element_type3A_504, %add3A_525 : i32
    %sub3A_527 = arith.constant 1 : i32
    %sub3A_528 = arith.subi %add3A_526, %sub3A_527 : i32
    %jit3A_529 = arith.constant 256 : i32
    %div3A_530 = arith.divsi %sub3A_528, %jit3A_529 : i32
    %sign3A_531 = arith.constant 0 : i32
    %sign3A_532 = arith.cmpi sgt, %sub3A_528, %sign3A_531 : i32
    %sign3A_533 = arith.extui %sign3A_532 : i1 to i32
    %sign3A_534 = arith.constant 0 : i32
    %sign3A_535 = arith.cmpi slt, %sub3A_528, %sign3A_534 : i32
    %sign3A_536 = arith.extui %sign3A_535 : i1 to i32
    %sign3A_537 = arith.subi %sign3A_533, %sign3A_536 : i32
    %sign3A_538 = arith.constant 0 : i32
    %sign3A_539 = arith.cmpi sgt, %jit3A_529, %sign3A_538 : i32
    %sign3A_540 = arith.extui %sign3A_539 : i1 to i32
    %sign3A_541 = arith.constant 0 : i32
    %sign3A_542 = arith.cmpi slt, %jit3A_529, %sign3A_541 : i32
    %sign3A_543 = arith.extui %sign3A_542 : i1 to i32
    %sign3A_544 = arith.subi %sign3A_540, %sign3A_543 : i32
    %ne3A_545 = arith.cmpi ne, %sign3A_537, %sign3A_544 : i32
    %rem3A_546 = arith.remsi %sub3A_528, %jit3A_529 : i32
    %ne3A_547 = arith.constant 0 : i32
    %ne3A_548 = arith.cmpi ne, %rem3A_546, %ne3A_547 : i32
    %and3A_549 = arith.andi %ne3A_545, %ne3A_548 : i1
    %sub3A_550 = arith.constant 1 : i32
    %sub3A_551 = arith.subi %div3A_530, %sub3A_550 : i32
    %select_n3A_552 = arith.select %and3A_549, %sub3A_551, %div3A_530 : i32
    %mul3A_553 = arith.constant 256 : i32
    %mul3A_554 = arith.muli %select_n3A_552, %mul3A_553 : i32
    %add3A_555 = arith.addi %add3A_464, %mul3A_554 : i32
    %eq3A_556 = arith.constant 6 : i32
    %eq3A_557 = vector.broadcast %eq3A_556 : i32 to vector<32x128xi32>
    %eq3A_558 = arith.cmpi eq, %get3A_1, %eq3A_557 : vector<32x128xi32>
    %eq3A_559 = arith.constant 6 : i32
    %eq3A_560 = vector.broadcast %eq3A_559 : i32 to vector<32x128xi32>
    %eq3A_561 = arith.cmpi eq, %get3A_4, %eq3A_560 : vector<32x128xi32>
    %convert_element_type3A_562 = arith.extui %eq3A_558 : vector<32x128xi1> to vector<32x128xi32>
    %convert_element_type3A_563 = arith.sitofp %convert_element_type3A_562 : vector<32x128xi32> to vector<32x128xf32>
    %convert_element_type3A_564 = arith.extui %eq3A_561 : vector<32x128xi1> to vector<32x128xi32>
    %convert_element_type3A_565 = arith.sitofp %convert_element_type3A_564 : vector<32x128xi32> to vector<32x128xf32>
    %dot_general3A_566 = arith.constant dense<0.000000e+00> : vector<32x128xf32>
    %dot_general3A_567 = tpu.matmul %convert_element_type3A_563, %convert_element_type3A_6, %dot_general3A_566 {dimension_numbers = #tpu.dot_dimension_numbers<[1], [0], [0], [1], [0, 0, 1, 1], [], []>, transpose_lhs_hint = false} : vector<32x128xf32>, vector<128x128xf32>, vector<32x128xf32> -> vector<32x128xf32>
    %dot_general3A_568 = arith.constant dense<0.000000e+00> : vector<32x128xf32>
    %dot_general3A_569 = tpu.matmul %convert_element_type3A_565, %convert_element_type3A_6, %dot_general3A_568 {dimension_numbers = #tpu.dot_dimension_numbers<[1], [0], [0], [1], [0, 0, 1, 1], [], []>, transpose_lhs_hint = false} : vector<32x128xf32>, vector<128x128xf32>, vector<32x128xf32> -> vector<32x128xf32>
    %reduce_sum3A_570 = arith.constant dense<0.000000e+00> : vector<32xf32>
    %reduce_sum3A_571 = vector.multi_reduction <add>, %convert_element_type3A_563, %reduce_sum3A_570 [1] : vector<32x128xf32> to vector<32xf32>
    %broadcast_in_dim3A_572 = vector.shape_cast %reduce_sum3A_571 : vector<32xf32> to vector<32x1xf32>
    %reduce_sum3A_573 = arith.constant dense<0.000000e+00> : vector<32xf32>
    %reduce_sum3A_574 = vector.multi_reduction <add>, %convert_element_type3A_565, %reduce_sum3A_573 [1] : vector<32x128xf32> to vector<32xf32>
    %broadcast_in_dim3A_575 = vector.shape_cast %reduce_sum3A_574 : vector<32xf32> to vector<32x1xf32>
    %broadcast_in_dim3A_576 = vector.shape_cast %broadcast_in_dim3A_572 : vector<32x1xf32> to vector<32x1xf32>
    %broadcast_in_dim3A_577 = vector.broadcast %broadcast_in_dim3A_576 : vector<32x1xf32> to vector<32x128xf32>
    %dot_general3A_578 = arith.constant dense<0.000000e+00> : vector<32x128xf32>
    %dot_general3A_579 = tpu.matmul %convert_element_type3A_10, %broadcast_in_dim3A_577, %dot_general3A_578 {dimension_numbers = #tpu.dot_dimension_numbers<[1], [0], [0], [1], [0, 0, 1, 1], [], []>, transpose_lhs_hint = false} : vector<32x32xf32>, vector<32x128xf32>, vector<32x128xf32> -> vector<32x128xf32>
    %broadcast_in_dim3A_580 = vector.shape_cast %broadcast_in_dim3A_575 : vector<32x1xf32> to vector<32x1xf32>
    %broadcast_in_dim3A_581 = vector.broadcast %broadcast_in_dim3A_580 : vector<32x1xf32> to vector<32x128xf32>
    %dot_general3A_582 = arith.constant dense<0.000000e+00> : vector<32x128xf32>
    %dot_general3A_583 = tpu.matmul %convert_element_type3A_10, %broadcast_in_dim3A_581, %dot_general3A_582 {dimension_numbers = #tpu.dot_dimension_numbers<[1], [0], [0], [1], [0, 0, 1, 1], [], []>, transpose_lhs_hint = false} : vector<32x32xf32>, vector<32x128xf32>, vector<32x128xf32> -> vector<32x128xf32>
    %reduce_sum3A_584 = vector.shape_cast %convert_element_type3A_563 : vector<32x128xf32> to vector<1x32x128xf32>
    %reduce_sum3A_585 = arith.constant dense<0.000000e+00> : vector<1xf32>
    %reduce_sum3A_586 = vector.multi_reduction <add>, %reduce_sum3A_584, %reduce_sum3A_585 [1, 2] : vector<1x32x128xf32> to vector<1xf32>
    %reduce_sum3A_587 = vector.shape_cast %reduce_sum3A_586 : vector<1xf32> to vector<1x1x1xf32>
    %reduce_sum3A_588 = vector.extract %reduce_sum3A_587[0, 0, 0] : f32 from vector<1x1x1xf32>
    %reduce_sum3A_589 = vector.shape_cast %convert_element_type3A_565 : vector<32x128xf32> to vector<1x32x128xf32>
    %reduce_sum3A_590 = arith.constant dense<0.000000e+00> : vector<1xf32>
    %reduce_sum3A_591 = vector.multi_reduction <add>, %reduce_sum3A_589, %reduce_sum3A_590 [1, 2] : vector<1x32x128xf32> to vector<1xf32>
    %reduce_sum3A_592 = vector.shape_cast %reduce_sum3A_591 : vector<1xf32> to vector<1x1x1xf32>
    %reduce_sum3A_593 = vector.extract %reduce_sum3A_592[0, 0, 0] : f32 from vector<1x1x1xf32>
    %add3A_594 = arith.addf %reduce_sum3A_588, %reduce_sum3A_593 : f32
    %convert_element_type3A_595 = arith.fptosi %add3A_594 : f32 to i32
    %add3A_596 = arith.addf %dot_general3A_579, %dot_general3A_567 : vector<32x128xf32>
    %convert_element_type3A_597 = arith.fptosi %add3A_596 : vector<32x128xf32> to vector<32x128xi32>
    %add3A_598 = vector.broadcast %reduce_sum3A_588 : f32 to vector<32x128xf32>
    %add3A_599 = arith.addf %add3A_598, %dot_general3A_583 : vector<32x128xf32>
    %add3A_600 = arith.addf %add3A_599, %dot_general3A_569 : vector<32x128xf32>
    %convert_element_type3A_601 = arith.fptosi %add3A_600 : vector<32x128xf32> to vector<32x128xi32>
    %add3A_602 = vector.broadcast %add3A_555 : i32 to vector<32x128xi32>
    %add3A_603 = arith.addi %add3A_602, %convert_element_type3A_597 : vector<32x128xi32>
    %select_n3A_604 = arith.select %eq3A_558, %add3A_603, %select_n3A_513 : vector<32x128xi1>, vector<32x128xi32>
    %add3A_605 = vector.broadcast %add3A_555 : i32 to vector<32x128xi32>
    %add3A_606 = arith.addi %add3A_605, %convert_element_type3A_601 : vector<32x128xi32>
    %select_n3A_607 = arith.select %eq3A_561, %add3A_606, %select_n3A_516 : vector<32x128xi1>, vector<32x128xi32>
    %ge3A_608 = vector.broadcast %add3A_555 : i32 to vector<1x128xi32>
    %ge3A_609 = arith.cmpi sge, %mul3A_13, %ge3A_608 : vector<1x128xi32>
    %jit3A_610 = arith.constant 1 : i32
    %jit3A_611 = arith.constant 0 : i32
    %broadcast_in_dim3A_612 = vector.broadcast %jit3A_610 : i32 to vector<1x128xi32>
    %broadcast_in_dim3A_613 = vector.broadcast %jit3A_611 : i32 to vector<1x128xi32>
    %select_n3A_614 = arith.select %ge3A_609, %broadcast_in_dim3A_612, %broadcast_in_dim3A_613 : vector<1x128xi1>, vector<1x128xi32>
    %add3A_615 = arith.addi %add3A_524, %select_n3A_614 : vector<1x128xi32>
    %add3A_616 = arith.constant 256 : i32
    %add3A_617 = arith.addi %convert_element_type3A_595, %add3A_616 : i32
    %sub3A_618 = arith.constant 1 : i32
    %sub3A_619 = arith.subi %add3A_617, %sub3A_618 : i32
    %jit3A_620 = arith.constant 256 : i32
    %div3A_621 = arith.divsi %sub3A_619, %jit3A_620 : i32
    %sign3A_622 = arith.constant 0 : i32
    %sign3A_623 = arith.cmpi sgt, %sub3A_619, %sign3A_622 : i32
    %sign3A_624 = arith.extui %sign3A_623 : i1 to i32
    %sign3A_625 = arith.constant 0 : i32
    %sign3A_626 = arith.cmpi slt, %sub3A_619, %sign3A_625 : i32
    %sign3A_627 = arith.extui %sign3A_626 : i1 to i32
    %sign3A_628 = arith.subi %sign3A_624, %sign3A_627 : i32
    %sign3A_629 = arith.constant 0 : i32
    %sign3A_630 = arith.cmpi sgt, %jit3A_620, %sign3A_629 : i32
    %sign3A_631 = arith.extui %sign3A_630 : i1 to i32
    %sign3A_632 = arith.constant 0 : i32
    %sign3A_633 = arith.cmpi slt, %jit3A_620, %sign3A_632 : i32
    %sign3A_634 = arith.extui %sign3A_633 : i1 to i32
    %sign3A_635 = arith.subi %sign3A_631, %sign3A_634 : i32
    %ne3A_636 = arith.cmpi ne, %sign3A_628, %sign3A_635 : i32
    %rem3A_637 = arith.remsi %sub3A_619, %jit3A_620 : i32
    %ne3A_638 = arith.constant 0 : i32
    %ne3A_639 = arith.cmpi ne, %rem3A_637, %ne3A_638 : i32
    %and3A_640 = arith.andi %ne3A_636, %ne3A_639 : i1
    %sub3A_641 = arith.constant 1 : i32
    %sub3A_642 = arith.subi %div3A_621, %sub3A_641 : i32
    %select_n3A_643 = arith.select %and3A_640, %sub3A_642, %div3A_621 : i32
    %mul3A_644 = arith.constant 256 : i32
    %mul3A_645 = arith.muli %select_n3A_643, %mul3A_644 : i32
    %add3A_646 = arith.addi %add3A_555, %mul3A_645 : i32
    %eq3A_647 = arith.constant 7 : i32
    %eq3A_648 = vector.broadcast %eq3A_647 : i32 to vector<32x128xi32>
    %eq3A_649 = arith.cmpi eq, %get3A_1, %eq3A_648 : vector<32x128xi32>
    %eq3A_650 = arith.constant 7 : i32
    %eq3A_651 = vector.broadcast %eq3A_650 : i32 to vector<32x128xi32>
    %eq3A_652 = arith.cmpi eq, %get3A_4, %eq3A_651 : vector<32x128xi32>
    %convert_element_type3A_653 = arith.extui %eq3A_649 : vector<32x128xi1> to vector<32x128xi32>
    %convert_element_type3A_654 = arith.sitofp %convert_element_type3A_653 : vector<32x128xi32> to vector<32x128xf32>
    %convert_element_type3A_655 = arith.extui %eq3A_652 : vector<32x128xi1> to vector<32x128xi32>
    %convert_element_type3A_656 = arith.sitofp %convert_element_type3A_655 : vector<32x128xi32> to vector<32x128xf32>
    %dot_general3A_657 = arith.constant dense<0.000000e+00> : vector<32x128xf32>
    %dot_general3A_658 = tpu.matmul %convert_element_type3A_654, %convert_element_type3A_6, %dot_general3A_657 {dimension_numbers = #tpu.dot_dimension_numbers<[1], [0], [0], [1], [0, 0, 1, 1], [], []>, transpose_lhs_hint = false} : vector<32x128xf32>, vector<128x128xf32>, vector<32x128xf32> -> vector<32x128xf32>
    %dot_general3A_659 = arith.constant dense<0.000000e+00> : vector<32x128xf32>
    %dot_general3A_660 = tpu.matmul %convert_element_type3A_656, %convert_element_type3A_6, %dot_general3A_659 {dimension_numbers = #tpu.dot_dimension_numbers<[1], [0], [0], [1], [0, 0, 1, 1], [], []>, transpose_lhs_hint = false} : vector<32x128xf32>, vector<128x128xf32>, vector<32x128xf32> -> vector<32x128xf32>
    %reduce_sum3A_661 = arith.constant dense<0.000000e+00> : vector<32xf32>
    %reduce_sum3A_662 = vector.multi_reduction <add>, %convert_element_type3A_654, %reduce_sum3A_661 [1] : vector<32x128xf32> to vector<32xf32>
    %broadcast_in_dim3A_663 = vector.shape_cast %reduce_sum3A_662 : vector<32xf32> to vector<32x1xf32>
    %reduce_sum3A_664 = arith.constant dense<0.000000e+00> : vector<32xf32>
    %reduce_sum3A_665 = vector.multi_reduction <add>, %convert_element_type3A_656, %reduce_sum3A_664 [1] : vector<32x128xf32> to vector<32xf32>
    %broadcast_in_dim3A_666 = vector.shape_cast %reduce_sum3A_665 : vector<32xf32> to vector<32x1xf32>
    %broadcast_in_dim3A_667 = vector.shape_cast %broadcast_in_dim3A_663 : vector<32x1xf32> to vector<32x1xf32>
    %broadcast_in_dim3A_668 = vector.broadcast %broadcast_in_dim3A_667 : vector<32x1xf32> to vector<32x128xf32>
    %dot_general3A_669 = arith.constant dense<0.000000e+00> : vector<32x128xf32>
    %dot_general3A_670 = tpu.matmul %convert_element_type3A_10, %broadcast_in_dim3A_668, %dot_general3A_669 {dimension_numbers = #tpu.dot_dimension_numbers<[1], [0], [0], [1], [0, 0, 1, 1], [], []>, transpose_lhs_hint = false} : vector<32x32xf32>, vector<32x128xf32>, vector<32x128xf32> -> vector<32x128xf32>
    %broadcast_in_dim3A_671 = vector.shape_cast %broadcast_in_dim3A_666 : vector<32x1xf32> to vector<32x1xf32>
    %broadcast_in_dim3A_672 = vector.broadcast %broadcast_in_dim3A_671 : vector<32x1xf32> to vector<32x128xf32>
    %dot_general3A_673 = arith.constant dense<0.000000e+00> : vector<32x128xf32>
    %dot_general3A_674 = tpu.matmul %convert_element_type3A_10, %broadcast_in_dim3A_672, %dot_general3A_673 {dimension_numbers = #tpu.dot_dimension_numbers<[1], [0], [0], [1], [0, 0, 1, 1], [], []>, transpose_lhs_hint = false} : vector<32x32xf32>, vector<32x128xf32>, vector<32x128xf32> -> vector<32x128xf32>
    %reduce_sum3A_675 = vector.shape_cast %convert_element_type3A_654 : vector<32x128xf32> to vector<1x32x128xf32>
    %reduce_sum3A_676 = arith.constant dense<0.000000e+00> : vector<1xf32>
    %reduce_sum3A_677 = vector.multi_reduction <add>, %reduce_sum3A_675, %reduce_sum3A_676 [1, 2] : vector<1x32x128xf32> to vector<1xf32>
    %reduce_sum3A_678 = vector.shape_cast %reduce_sum3A_677 : vector<1xf32> to vector<1x1x1xf32>
    %reduce_sum3A_679 = vector.extract %reduce_sum3A_678[0, 0, 0] : f32 from vector<1x1x1xf32>
    %add3A_680 = arith.addf %dot_general3A_670, %dot_general3A_658 : vector<32x128xf32>
    %convert_element_type3A_681 = arith.fptosi %add3A_680 : vector<32x128xf32> to vector<32x128xi32>
    %add3A_682 = vector.broadcast %reduce_sum3A_679 : f32 to vector<32x128xf32>
    %add3A_683 = arith.addf %add3A_682, %dot_general3A_674 : vector<32x128xf32>
    %add3A_684 = arith.addf %add3A_683, %dot_general3A_660 : vector<32x128xf32>
    %convert_element_type3A_685 = arith.fptosi %add3A_684 : vector<32x128xf32> to vector<32x128xi32>
    %add3A_686 = vector.broadcast %add3A_646 : i32 to vector<32x128xi32>
    %add3A_687 = arith.addi %add3A_686, %convert_element_type3A_681 : vector<32x128xi32>
    %select_n3A_688 = arith.select %eq3A_649, %add3A_687, %select_n3A_604 : vector<32x128xi1>, vector<32x128xi32>
    %add3A_689 = vector.broadcast %add3A_646 : i32 to vector<32x128xi32>
    %add3A_690 = arith.addi %add3A_689, %convert_element_type3A_685 : vector<32x128xi32>
    %select_n3A_691 = arith.select %eq3A_652, %add3A_690, %select_n3A_607 : vector<32x128xi1>, vector<32x128xi32>
    %ge3A_692 = vector.broadcast %add3A_646 : i32 to vector<1x128xi32>
    %ge3A_693 = arith.cmpi sge, %mul3A_13, %ge3A_692 : vector<1x128xi32>
    %jit3A_694 = arith.constant 1 : i32
    %jit3A_695 = arith.constant 0 : i32
    %broadcast_in_dim3A_696 = vector.broadcast %jit3A_694 : i32 to vector<1x128xi32>
    %broadcast_in_dim3A_697 = vector.broadcast %jit3A_695 : i32 to vector<1x128xi32>
    %select_n3A_698 = arith.select %ge3A_693, %broadcast_in_dim3A_696, %broadcast_in_dim3A_697 : vector<1x128xi1>, vector<1x128xi32>
    %add3A_699 = arith.addi %add3A_615, %select_n3A_698 : vector<1x128xi32>
    %swap3A = arith.constant 0 : index
    %swap3A_700 = arith.constant 0 : index
    %swap3A_701 = vector.load %arg3[%swap3A, %swap3A_700] : memref<32x128xi32, #tpu.memory_space<vmem>>, vector<32x128xi32>
    tpu.vector_store %arg3[%swap3A, %swap3A_700], %select_n3A_688 {strides = array<i32>} : memref<32x128xi32, #tpu.memory_space<vmem>>, vector<32x128xi32>,
    %swap3A_702 = arith.constant 0 : index
    %swap3A_703 = arith.constant 0 : index
    %swap3A_704 = vector.load %arg4[%swap3A_702, %swap3A_703] : memref<32x128xi32, #tpu.memory_space<vmem>>, vector<32x128xi32>
    tpu.vector_store %arg4[%swap3A_702, %swap3A_703], %select_n3A_691 {strides = array<i32>} : memref<32x128xi32, #tpu.memory_space<vmem>>, vector<32x128xi32>,
    %sub3A_705 = arith.constant 1 : i32
    %sub3A_706 = vector.broadcast %sub3A_705 : i32 to vector<1x128xi32>
    %sub3A_707 = arith.subi %add3A_699, %sub3A_706 : vector<1x128xi32>
    %jit3A_708 = arith.constant 0 : i32
    %jit3A_709 = arith.constant 7 : i32
    %max3A = vector.broadcast %jit3A_708 : i32 to vector<1x128xi32>
    %max3A_710 = arith.maxsi %max3A, %sub3A_707 : vector<1x128xi32>
    %min3A = vector.broadcast %jit3A_709 : i32 to vector<1x128xi32>
    %min3A_711 = arith.minsi %min3A, %max3A_710 : vector<1x128xi32>
    %swap3A_712 = arith.constant 0 : index
    %swap3A_713 = arith.constant 0 : index
    %swap3A_714 = vector.load %arg5[%swap3A_712, %swap3A_713] : memref<1x128xi32, #tpu.memory_space<vmem>>, vector<1x128xi32>
    tpu.vector_store %arg5[%swap3A_712, %swap3A_713], %min3A_711 {strides = array<i32>} : memref<1x128xi32, #tpu.memory_space<vmem>>, vector<1x128xi32>,
    return
  }
  func.func @transform_0(%arg0: i32) -> (i32, i32) {
    %c0_i32 = arith.constant 0 : i32
    %c0_i32_0 = arith.constant 0 : i32
    %c0_i32_1 = arith.constant 0 : i32
    return %c0_i32, %c0_i32_0 : i32, i32
  }
  func.func @transform_1(%arg0: i32) -> (i32, i32) {
    %c0_i32 = arith.constant 0 : i32
    %c0_i32_0 = arith.constant 0 : i32
    %c0_i32_1 = arith.constant 0 : i32
    return %c0_i32, %c0_i32_0 : i32, i32
  }
  func.func @transform_2(%arg0: i32) -> (i32, i32) {
    %c0_i32 = arith.constant 0 : i32
    %c0_i32_0 = arith.constant 0 : i32
    %c0_i32_1 = arith.constant 0 : i32
    return %c0_i32, %c0_i32_0 : i32, i32
  }
  func.func @transform_3(%arg0: i32) -> (i32, i32) {
    %c0_i32 = arith.constant 0 : i32
    %c0_i32_0 = arith.constant 0 : i32
    %c0_i32_1 = arith.constant 0 : i32
    return %c0_i32, %c0_i32_0 : i32, i32
  }
  func.func @transform_4(%arg0: i32) -> (i32, i32) {
    %c0_i32 = arith.constant 0 : i32
    %c0_i32_0 = arith.constant 0 : i32
    %c0_i32_1 = arith.constant 0 : i32
    return %c0_i32, %c0_i32_0 : i32, i32
  }
}

module attributes {stable_mosaic.version = 14 : i64} {
  func.func @_ffn_body(%arg0: i32, %arg1: memref<40xi32, #tpu.memory_space<smem>>, %arg2: memref<256x768xbf16, #tpu.memory_space<vmem>>, %arg3: memref<1x768x3072xbf16, #tpu.memory_space<vmem>>, %arg4: memref<1x1x3072xf32, #tpu.memory_space<vmem>>, %arg5: memref<1x3072x768xbf16, #tpu.memory_space<vmem>>, %arg6: memref<1x1x768xf32, #tpu.memory_space<vmem>>, %arg7: memref<256x1xf32, #tpu.memory_space<vmem>>, %arg8: memref<256x768xbf16, #tpu.memory_space<vmem>>) attributes {dimension_semantics = [#tpu.dimension_semantics<arbitrary>], iteration_bounds = array<i64: 40>, scalar_prefetch = 1 : i64, scratch_operands = 0 : i64, tpu.core_type = #tpu.core_type<tc>, window_params = [{transform_indices = @transform_0, window_bounds = array<i64: 256, 768>}, {transform_indices = @transform_1, window_bounds = array<i64: 1, 768, 3072>}, {transform_indices = @transform_2, window_bounds = array<i64: 1, 1, 3072>}, {transform_indices = @transform_3, window_bounds = array<i64: 1, 3072, 768>}, {transform_indices = @transform_4, window_bounds = array<i64: 1, 1, 768>}, {transform_indices = @transform_5, window_bounds = array<i64: 256, 1>}, {transform_indices = @transform_6, window_bounds = array<i64: 256, 768>}]} {
    %get3A = arith.constant 0 : index
    %get3A_0 = arith.constant 0 : index
    %get3A_1 = vector.load %arg2[%get3A, %get3A_0] : memref<256x768xbf16, #tpu.memory_space<vmem>>, vector<256x768xbf16>
    %get3A_2 = arith.constant 0 : index
    %get3A_3 = arith.constant 0 : index
    %get3A_4 = arith.constant 0 : index
    %get3A_5 = vector.load %arg3[%get3A_2, %get3A_3, %get3A_4] : memref<1x768x3072xbf16, #tpu.memory_space<vmem>>, vector<1x768x3072xbf16>
    %get3A_6 = vector.shape_cast %get3A_5 : vector<1x768x3072xbf16> to vector<768x3072xbf16>
    %dot_general3A = arith.constant dense<0.000000e+00> : vector<256x3072xf32>
    %dot_general3A_7 = tpu.matmul %get3A_1, %get3A_6, %dot_general3A {dimension_numbers = #tpu.dot_dimension_numbers<[1], [0], [0], [1], [0, 0, 1, 1], [], []>, transpose_lhs_hint = false} : vector<256x768xbf16>, vector<768x3072xbf16>, vector<256x3072xf32> -> vector<256x3072xf32>
    %get3A_8 = arith.constant 0 : index
    %get3A_9 = arith.constant 0 : index
    %get3A_10 = arith.constant 0 : index
    %get3A_11 = vector.load %arg4[%get3A_8, %get3A_9, %get3A_10] : memref<1x1x3072xf32, #tpu.memory_space<vmem>>, vector<1x1x3072xf32>
    %get3A_12 = vector.shape_cast %get3A_11 : vector<1x1x3072xf32> to vector<1x3072xf32>
    %add3A = vector.broadcast %get3A_12 : vector<1x3072xf32> to vector<256x3072xf32>
    %add3A_13 = arith.addf %dot_general3A_7, %add3A : vector<256x3072xf32>
    %mul3A = arith.constant 5.000000e-01 : f32
    %mul3A_14 = vector.broadcast %mul3A : f32 to vector<256x3072xf32>
    %mul3A_15 = arith.mulf %mul3A_14, %add3A_13 : vector<256x3072xf32>
    %mul3A_16 = arith.constant 4.471500e-02 : f32
    %mul3A_17 = vector.broadcast %mul3A_16 : f32 to vector<256x3072xf32>
    %mul3A_18 = arith.mulf %mul3A_17, %add3A_13 : vector<256x3072xf32>
    %mul3A_19 = arith.mulf %mul3A_18, %add3A_13 : vector<256x3072xf32>
    %mul3A_20 = arith.mulf %mul3A_19, %add3A_13 : vector<256x3072xf32>
    %add3A_21 = arith.addf %add3A_13, %mul3A_20 : vector<256x3072xf32>
    %mul3A_22 = arith.constant 0.797884583 : f32
    %mul3A_23 = vector.broadcast %mul3A_22 : f32 to vector<256x3072xf32>
    %mul3A_24 = arith.mulf %mul3A_23, %add3A_21 : vector<256x3072xf32>
    %tanh3A = math.tanh %mul3A_24 : vector<256x3072xf32>
    %add3A_25 = arith.constant 1.000000e+00 : f32
    %add3A_26 = vector.broadcast %add3A_25 : f32 to vector<256x3072xf32>
    %add3A_27 = arith.addf %add3A_26, %tanh3A : vector<256x3072xf32>
    %mul3A_28 = arith.mulf %mul3A_15, %add3A_27 : vector<256x3072xf32>
    %convert_element_type3A = arith.truncf %mul3A_28 : vector<256x3072xf32> to vector<256x3072xbf16>
    %get3A_29 = arith.constant 0 : index
    %get3A_30 = arith.constant 0 : index
    %get3A_31 = arith.constant 0 : index
    %get3A_32 = vector.load %arg5[%get3A_29, %get3A_30, %get3A_31] : memref<1x3072x768xbf16, #tpu.memory_space<vmem>>, vector<1x3072x768xbf16>
    %get3A_33 = vector.shape_cast %get3A_32 : vector<1x3072x768xbf16> to vector<3072x768xbf16>
    %dot_general3A_34 = arith.constant dense<0.000000e+00> : vector<256x768xf32>
    %dot_general3A_35 = tpu.matmul %convert_element_type3A, %get3A_33, %dot_general3A_34 {dimension_numbers = #tpu.dot_dimension_numbers<[1], [0], [0], [1], [0, 0, 1, 1], [], []>, transpose_lhs_hint = false} : vector<256x3072xbf16>, vector<3072x768xbf16>, vector<256x768xf32> -> vector<256x768xf32>
    %get3A_36 = arith.constant 0 : index
    %get3A_37 = arith.constant 0 : index
    %get3A_38 = vector.load %arg7[%get3A_36, %get3A_37] : memref<256x1xf32, #tpu.memory_space<vmem>>, vector<256x1xf32>
    %get3A_39 = arith.constant 0 : index
    %get3A_40 = arith.constant 0 : index
    %get3A_41 = arith.constant 0 : index
    %get3A_42 = vector.load %arg6[%get3A_39, %get3A_40, %get3A_41] : memref<1x1x768xf32, #tpu.memory_space<vmem>>, vector<1x1x768xf32>
    %get3A_43 = vector.shape_cast %get3A_42 : vector<1x1x768xf32> to vector<1x768xf32>
    %add3A_44 = vector.broadcast %get3A_43 : vector<1x768xf32> to vector<256x768xf32>
    %add3A_45 = arith.addf %dot_general3A_35, %add3A_44 : vector<256x768xf32>
    %mul3A_46 = vector.broadcast %get3A_38 : vector<256x1xf32> to vector<256x768xf32>
    %mul3A_47 = arith.mulf %mul3A_46, %add3A_45 : vector<256x768xf32>
    %convert_element_type3A_48 = arith.truncf %mul3A_47 : vector<256x768xf32> to vector<256x768xbf16>
    %swap3A = arith.constant 0 : index
    %swap3A_49 = arith.constant 0 : index
    %swap3A_50 = vector.load %arg8[%swap3A, %swap3A_49] : memref<256x768xbf16, #tpu.memory_space<vmem>>, vector<256x768xbf16>
    tpu.vector_store %arg8[%swap3A, %swap3A_49], %convert_element_type3A_48 {strides = array<i32>} : memref<256x768xbf16, #tpu.memory_space<vmem>>, vector<256x768xbf16>,
    return
  }
  func.func @transform_0(%arg0: i32, %arg1: memref<40xi32, #tpu.memory_space<smem>>) -> (i32, i32) {
    %c0_i32 = arith.constant 0 : i32
    %c0_i32_0 = arith.constant 0 : i32
    return %arg0, %c0_i32 : i32, i32
  }
  func.func @transform_1(%arg0: i32, %arg1: memref<40xi32, #tpu.memory_space<smem>>) -> (i32, i32, i32) {
    %get3A = arith.index_cast %arg0 : i32 to index
    %get3A_0 = memref.load %arg1[%get3A] : memref<40xi32, #tpu.memory_space<smem>>
    %c0_i32 = arith.constant 0 : i32
    %c0_i32_1 = arith.constant 0 : i32
    %c0_i32_2 = arith.constant 0 : i32
    return %get3A_0, %c0_i32, %c0_i32_1 : i32, i32, i32
  }
  func.func @transform_2(%arg0: i32, %arg1: memref<40xi32, #tpu.memory_space<smem>>) -> (i32, i32, i32) {
    %get3A = arith.index_cast %arg0 : i32 to index
    %get3A_0 = memref.load %arg1[%get3A] : memref<40xi32, #tpu.memory_space<smem>>
    %c0_i32 = arith.constant 0 : i32
    %c0_i32_1 = arith.constant 0 : i32
    %c0_i32_2 = arith.constant 0 : i32
    return %get3A_0, %c0_i32, %c0_i32_1 : i32, i32, i32
  }
  func.func @transform_3(%arg0: i32, %arg1: memref<40xi32, #tpu.memory_space<smem>>) -> (i32, i32, i32) {
    %get3A = arith.index_cast %arg0 : i32 to index
    %get3A_0 = memref.load %arg1[%get3A] : memref<40xi32, #tpu.memory_space<smem>>
    %c0_i32 = arith.constant 0 : i32
    %c0_i32_1 = arith.constant 0 : i32
    %c0_i32_2 = arith.constant 0 : i32
    return %get3A_0, %c0_i32, %c0_i32_1 : i32, i32, i32
  }
  func.func @transform_4(%arg0: i32, %arg1: memref<40xi32, #tpu.memory_space<smem>>) -> (i32, i32, i32) {
    %get3A = arith.index_cast %arg0 : i32 to index
    %get3A_0 = memref.load %arg1[%get3A] : memref<40xi32, #tpu.memory_space<smem>>
    %c0_i32 = arith.constant 0 : i32
    %c0_i32_1 = arith.constant 0 : i32
    %c0_i32_2 = arith.constant 0 : i32
    return %get3A_0, %c0_i32, %c0_i32_1 : i32, i32, i32
  }
  func.func @transform_5(%arg0: i32, %arg1: memref<40xi32, #tpu.memory_space<smem>>) -> (i32, i32) {
    %c0_i32 = arith.constant 0 : i32
    %c0_i32_0 = arith.constant 0 : i32
    return %arg0, %c0_i32 : i32, i32
  }
  func.func @transform_6(%arg0: i32, %arg1: memref<40xi32, #tpu.memory_space<smem>>) -> (i32, i32) {
    %c0_i32 = arith.constant 0 : i32
    %c0_i32_0 = arith.constant 0 : i32
    return %arg0, %c0_i32 : i32, i32
  }
}

module attributes {stable_mosaic.version = 14 : i64} {
  func.func @_combine_body(%arg0: i32, %arg1: memref<256x768xf32, #tpu.memory_space<vmem>>, %arg2: memref<256x768xbf16, #tpu.memory_space<vmem>>, %arg3: memref<256x768xbf16, #tpu.memory_space<vmem>>, %arg4: memref<256x768xf32, #tpu.memory_space<vmem>>) attributes {dimension_semantics = [#tpu.dimension_semantics<arbitrary>], iteration_bounds = array<i64: 16>, scalar_prefetch = 0 : i64, scratch_operands = 0 : i64, tpu.core_type = #tpu.core_type<tc>, window_params = [{transform_indices = @transform_0, window_bounds = array<i64: 256, 768>}, {transform_indices = @transform_1, window_bounds = array<i64: 256, 768>}, {transform_indices = @transform_2, window_bounds = array<i64: 256, 768>}, {transform_indices = @transform_3, window_bounds = array<i64: 256, 768>}]} {
    %get3A = arith.constant 0 : index
    %get3A_0 = arith.constant 0 : index
    %get3A_1 = vector.load %arg2[%get3A, %get3A_0] : memref<256x768xbf16, #tpu.memory_space<vmem>>, vector<256x768xbf16>
    %convert_element_type3A = arith.extf %get3A_1 : vector<256x768xbf16> to vector<256x768xf32>
    %get3A_2 = arith.constant 0 : index
    %get3A_3 = arith.constant 0 : index
    %get3A_4 = vector.load %arg3[%get3A_2, %get3A_3] : memref<256x768xbf16, #tpu.memory_space<vmem>>, vector<256x768xbf16>
    %convert_element_type3A_5 = arith.extf %get3A_4 : vector<256x768xbf16> to vector<256x768xf32>
    %get3A_6 = arith.constant 0 : index
    %get3A_7 = arith.constant 0 : index
    %get3A_8 = vector.load %arg1[%get3A_6, %get3A_7] : memref<256x768xf32, #tpu.memory_space<vmem>>, vector<256x768xf32>
    %add3A = arith.addf %get3A_8, %convert_element_type3A : vector<256x768xf32>
    %add3A_9 = arith.addf %add3A, %convert_element_type3A_5 : vector<256x768xf32>
    %swap3A = arith.constant 0 : index
    %swap3A_10 = arith.constant 0 : index
    %swap3A_11 = vector.load %arg4[%swap3A, %swap3A_10] : memref<256x768xf32, #tpu.memory_space<vmem>>, vector<256x768xf32>
    tpu.vector_store %arg4[%swap3A, %swap3A_10], %add3A_9 {strides = array<i32>} : memref<256x768xf32, #tpu.memory_space<vmem>>, vector<256x768xf32>,
    return
  }
  func.func @transform_0(%arg0: i32) -> (i32, i32) {
    %c0_i32 = arith.constant 0 : i32
    %c0_i32_0 = arith.constant 0 : i32
    return %arg0, %c0_i32 : i32, i32
  }
  func.func @transform_1(%arg0: i32) -> (i32, i32) {
    %c0_i32 = arith.constant 0 : i32
    %c0_i32_0 = arith.constant 0 : i32
    return %arg0, %c0_i32 : i32, i32
  }
  func.func @transform_2(%arg0: i32) -> (i32, i32) {
    %c0_i32 = arith.constant 0 : i32
    %c0_i32_0 = arith.constant 0 : i32
    return %arg0, %c0_i32 : i32, i32
  }
  func.func @transform_3(%arg0: i32) -> (i32, i32) {
    %c0_i32 = arith.constant 0 : i32
    %c0_i32_0 = arith.constant 0 : i32
    return %arg0, %c0_i32 : i32, i32
  }
}

</mosaic_0001>

<sc_bundles>
// kernel: kernel.12.cloned.1.call-start
scs
__scs_entry_jumppad:
0x0: {  	(pc) =	sbr.rel $0x88, $3  }
0x1: {  	(tag) =	ssettag $0x0;
	lr =	simm.s32 $0x1  }
0x2: {  	[smem:$0x3F93] =	sst lr;
	_ =	strace $0xD0000000  }
0x3: {  	_ = 	snop  }
0x4: {  	_ = 	snop  }
0x5: {  	_ = 	snop  }
0x6: {  	_ = 	snop  }
0x7: {  	_ = 	snop  }
__scs_overlays_trampoline_lowered:
0x8: {  	[smem:$0x3FA2] =	sst s0  }
0x9: {  	[smem:$0x3FA3] =	sst s1  }
0xa: {  	[smem:$0x3FA4] =	sst s2  }
0xb: {  	[smem:$0x3FA5] =	sst s3  }
0xc: {  	[smem:$0x3FA6] =	sst s4  }
0xd: {  	[smem:$0x3FA7] =	sst s5  }
0xe: {  	[smem:$0x3FA8] =	sst s6  }
0xf: {  	[smem:$0x3FA9] =	sst s7  }
0x10: {  	[smem:$0x3FAA] =	sst s8  }
0x11: {  	[smem:$0x3FAB] =	sst s9;
	s0 =	simm.s32 @!p0 $0x0  }
0x12: {  	s1 =	sld [smem:$0x3F91];
	s0 =	simm.s32 @p0 $0x1  }
0x13: {  	[smem:$0x3FAC] =	sst s0;
	s0 =	simm.s32 @!p1 $0x0  }
0x14: {  	s2 =	sld [smem:$0x3F90];
	s0 =	simm.s32 @p1 $0x1  }
0x15: {  	[smem:$0x3FAD] =	sst s0;
	s0 =	simm.s32 @!p2 $0x0  }
0x16: {  	s3 =	sld [smem:$0x3FDB];
	s0 =	simm.s32 @p2 $0x1  }
0x17: {  	s4 =	simm.s32 $0x1BF5;
	[smem:$0x3FAF] =	sst s0  }
0x18: {  	s0 =	sld [smem:$0x3F92];
	_ =	swait.ge [sflag:s4], $0x0  }
0x19: {  	s7 =	sld [smem:$0x3F93]  }
0x1a: {  	s8 =	sadd.s32 $0xFFFFE003, lr  }
0x1b: {  	s9 =	sadd.s32 $0xFFFFFEF7, lr;
	s5 =	simm.s32 $0xFFFFFFFF;
	p2 =	slt.u32 s8, $0xFFFFF086  }
0x1c: {  	p1 =	slt.u32 s9, $0xF7A;
	s5 =	simm.s32 @!p2 $0x0  }
0x1d: {  	s5 =	simm.s32 @p1 $0x1;
	p0 =	seq.s32 s7, s2  }
0x1e: {  	s7 =	smul.u32 @!p0 $0xF7A, s2;
	p2 =	seq.s32 @!p0 s5, $0x0  }
0x1f: {  	s9 =	smul.u32 $0xF7A, s1;
	s8 =	simm.s32 @!p0 $0x1BF5;
	p2 =	por !p2, p0  }
0x20: {  	[sflag:s8] =	ssyncset.s32 @!p0 $0xFFFFF086;
	s6 =	sadd.s32 @!p0 s3, s7;
	s7 =	simm.s32 @!p0 $0x108  }
0x21: {  	s3 =	sadd.s32 s3, s9;
	s6 =	sadd.s32 @!p0 $0x88, s6;
	s7 =	simm.s32 @p2 $0x1082  }
0x22: {  	[simem:s7], [sflag:s8] =	dma.local @!p0 [hbm:s6], $0xF7A  }
0x23: {  	s9 =	sor.u32 $0xD0000000, s2;
	s6 =	simm.s32 $0x108;
	_ =	swait.ge @!p0 [sflag:s8], $0x0  }
0x24: {  	s3 =	sadd.s32 $0x88, s3;
	s6 =	simm.s32 @!p1 $0x1082;
	[sflag:s4] =	ssyncset.s32 $0xFFFFF086  }
0x25: {  	[simem:s6], [sflag:s4] =	dma.local [hbm:s3], $0xF7A  }
0x26: {  	[smem:$0x3F93] =	sst s1;
	(tag) =	ssettag s2;
	_ =	strace s9  }
0x27: {  	s1 =	sld [smem:$0x3FA3]  }
0x28: {  	s2 =	sld [smem:$0x3FA4]  }
0x29: {  	s4 =	sld [smem:$0x3FA6]  }
0x2a: {  	p0 =	seq.s32 s5, $0x0;
	s5 =	sld [smem:$0x3FA7]  }
0x2b: {  	s6 =	sld [smem:$0x3FA8]  }
0x2c: {  	s7 =	sld [smem:$0x3FA9]  }
0x2d: {  	s3 =	simm.s32 $0x108;
	s8 =	sld [smem:$0x3FAA]  }
0x2e: {  	s3 =	simm.s32 @!p0 $0x1082;
	s9 =	sld [smem:$0x3FAB]  }
0x2f: {  	lr =	sadd.s32 s0, s3;
	s0 =	sld [smem:$0x3FA2]  }
0x30: {  	s3 =	sld [smem:$0x3FA5]  }
0x31: {  	[smem:$0x3FAE] =	sst s10  }
0x32: {  	s10 =	sld [smem:$0x3FAC];
	_ =	sdelay $0x3  }
0x33: {  	p0 =	seq.s32 s10, $0x1;
	s10 =	sld [smem:$0x3FAE];
	_ =	sdelay $0x3  }
0x34: {  	[smem:$0x3FAE] =	sst s10  }
0x35: {  	s10 =	sld [smem:$0x3FAD];
	_ =	sdelay $0x3  }
0x36: {  	p1 =	seq.s32 s10, $0x1;
	s10 =	sld [smem:$0x3FAE];
	_ =	sdelay $0x3  }
0x37: {  	[smem:$0x3FAE] =	sst s10  }
0x38: {  	s10 =	sld [smem:$0x3FAF]  }
0x39: {  	_ = 	snop;
	(pc) =	sbr.ind lr, $3  }
0x3a: {  	_ = 	snop  }
0x3b: {  	_ = 	snop  }
0x3c: {  	p2 =	seq.s32 s10, $0x1;
	s10 =	sld [smem:$0x3FAE]  }
0x3d: {  	_ =	shalt  }
0x3e: {  	_ =	shalt  }
0x3f: {  	_ =	shalt  }
0x40: {  	_ =	shalt  }
0x41: {  	_ =	shalt  }
0x42: {  	_ =	shalt  }
0x43: {  	_ =	shalt  }
0x44: {  	_ =	shalt  }
0x45: {  	_ =	shalt  }
0x46: {  	_ =	shalt  }
0x47: {  	_ =	shalt  }
0x48: {  	_ =	shalt  }
0x49: {  	_ =	shalt  }
0x4a: {  	_ =	shalt  }
0x4b: {  	_ =	shalt  }
0x4c: {  	_ =	shalt  }
0x4d: {  	_ =	shalt  }
0x4e: {  	_ =	shalt  }
0x4f: {  	_ =	shalt  }
0x50: {  	_ =	shalt  }
0x51: {  	_ =	shalt  }
0x52: {  	_ =	shalt  }
0x53: {  	_ =	shalt  }
0x54: {  	_ =	shalt  }
0x55: {  	_ =	shalt  }
0x56: {  	_ =	shalt  }
0x57: {  	_ =	shalt  }
0x58: {  	_ =	shalt  }
0x59: {  	_ =	shalt  }
0x5a: {  	_ =	shalt  }
0x5b: {  	_ =	shalt  }
0x5c: {  	_ =	shalt  }
0x5d: {  	_ =	shalt  }
0x5e: {  	_ =	shalt  }
0x5f: {  	_ =	shalt  }
0x60: {  	_ =	shalt  }
0x61: {  	_ =	shalt  }
0x62: {  	_ =	shalt  }
0x63: {  	_ =	shalt  }
0x64: {  	_ =	shalt  }
0x65: {  	_ =	shalt  }
0x66: {  	_ =	shalt  }
0x67: {  	_ =	shalt  }
0x68: {  	_ =	shalt  }
0x69: {  	_ =	shalt  }
0x6a: {  	_ =	shalt  }
0x6b: {  	_ =	shalt  }
0x6c: {  	_ =	shalt  }
0x6d: {  	_ =	shalt  }
0x6e: {  	_ =	shalt  }
0x6f: {  	_ =	shalt  }
0x70: {  	_ =	shalt  }
0x71: {  	_ =	shalt  }
0x72: {  	_ =	shalt  }
0x73: {  	_ =	shalt  }
0x74: {  	_ =	shalt  }
0x75: {  	_ =	shalt  }
0x76: {  	_ =	shalt  }
0x77: {  	_ =	shalt  }
0x78: {  	_ =	shalt  }
0x79: {  	_ =	shalt  }
0x7a: {  	_ =	shalt  }
0x7b: {  	_ =	shalt  }
0x7c: {  	_ =	shalt  }
0x7d: {  	_ =	shalt  }
0x7e: {  	_ =	shalt  }
0x7f: {  	_ =	shalt  }
0x80: {  	_ =	shalt  }
0x81: {  	_ =	shalt  }
0x82: {  	_ =	shalt  }
0x83: {  	_ =	shalt  }
0x84: {  	_ =	shalt  }
0x85: {  	_ =	shalt  }
0x86: {  	_ =	shalt  }
0x87: {  	_ =	shalt  }
.Lfunc_end0:
.L_simem_size_0:
called_computation.1_lowered:
.L_overlay_start_0:
0x88: {  	s2 =	sld [smem:$0x3FD9]  }
0x89: {  	s3 =	sld [smem:$0x3FFE];
	_ =	sdelay $0x1  }
0x8a: {  	s1 =	srdreg.scid  }
0x8b: {  	s0 =	sand.u32 $0x1, s1  }
0x8c: {  	s16 =	sshll.u32 s0, $0xA;
	s2 =	sadd.s32 s3, s2  }
0x8d: {  	s2 =	sadd.s32 s2, s16  }
0x8e: {  	[smem:$0x3FBA] =	sst s2  }
0x8f: {  	_ = 	snop  }
0x90: {  	(tm) =	ssettm $0x1  }
0x91: {  	s17 =	sld [smem:$0x3FFB];
	_ =	sdelay $0x3  }
0x92: {  	_ =	strace s17  }
0x93: {  	s2 =	sld [smem:$0x3FFC];
	_ =	sdelay $0x3  }
0x94: {  	_ =	strace s2  }
0x95: {  	s2 =	sld [smem:$0x3FFD];
	_ =	sdelay $0x3  }
0x96: {  	_ =	strace s2  }
0x97: {  	_ =	strace $0x8FFFFFFF  }
0x98: {  	s18 =	sld [smem:$0x3FDB];
	_ =	sdelay $0x1  }
0x99: {  	s19 =	simm.s32 $_scs_section_size  }
0x9a: {  	s4 =	simm.s32 $_size__tile_overlayer_lowered;
	s5 =	simm.s32 $_tile_overlayer_lowered  }
0x9b: {  	s22 =	simm.s32 $0x1BFF;
	s21 =	sshll.u32 s5, $0x1;
	s2 =	sadd.s32 s19, s18  }
0x9c: {  	s6 =	simm.s32 $0x0;
	s20 =	sshll.u32 s4, $0x1;
	s4 =	sadd.s32 s21, s2  }
0x9d: {  	[timem:s6], [sflag:s22] =	dma.local [hbm:s4], s20  }
0x9e: {  	_ =	swait.ge [sflag:s22], s20  }
0x9f: {  	s3 =	ssub.s32 $0x0, s20;
	[sflag:s22] =	ssyncset.done $0x0  }
0xa0: {  	[sflag:s22] =	ssyncadd.s32 s3;
	_ =	sdelay $0x1  }
0xa1: {  	s23 =	simm.s32 $0x1B8B  }
0xa2: {  	_ =	swait.ge [sflag:s23], $0x1  }
0xa3: {  	[sflag:s23] =	ssyncset.done $0x0  }
0xa4: {  	s25 =	simm.s32 $0x1B8E;
	s24 =	sld [smem:$0x3FFE];
	[sflag:s23] =	ssyncadd.s32 $0xFFFFFFFF  }
0xa5: {  	s26 =	simm.s32 $execute0_lowered;
	[smem:$0x3FD2] =	sst s25  }
0xa6: {  	s4 =	sshll.u32 s26, $0x1;
	_ =	strace $0x80000049;
	[dreg:$0x1] =	wrdreg $0xFFFFFFFF  }
0xa7: {  	s28 =	simm.s32 $_size_execute0_lowered;
	s2 =	sadd.s32 s2, s4;
	[dreg:$0x0] =	wrdreg $0x0  }
0xa8: {  	s4 =	sshll.u32 s28, $0x1;
	[dreg:$0x2] =	wrdreg s2  }
0xa9: {  	[dreg:$0x3] =	wrdreg s4  }
0xaa: {  	[dreg:$0x4] =	wrdreg $0xC0  }
0xab: {  	_ =	task [dreg:s6], $0x5FFFF  }
0xac: {  	[dreg:$0x1] =	wrdreg $0xFFFFFFFF  }
0xad: {  	[dreg:$0x0] =	wrdreg $0x60  }
0xae: {  	[dreg:$0x2] =	wrdreg s24  }
0xaf: {  	[dreg:$0x3] =	wrdreg $0x9  }
0xb0: {  	_ =	task.clear_ibuf [dreg:s6], $0x4FFFF;
	_ =	strace $0x90000049  }
0xb1: {  	s29 =	simm.s32 $0x9;
	_ =	strace $0x8000004B  }
0xb2: {  	_ =	swait.ge [sflag:s29], $0x1  }
0xb3: {  	[sflag:s29] =	ssyncadd.s32 $0xFFFFFFFF  }
0xb4: {  	_ =	strace $0x9000004B  }
0xb5: {  	_ =	sfence  }
0xb6: {  	s30 =	sld [smem:$0x0];
	_ =	sdelay $0x2  }
0xb7: {  	s31 =	sshll.u32 s1, $0xD;
	s1 =	sshrl.u32 s1, $0x2  }
0xb8: {  	s3 =	sand.u32 $0x4000, s31;
	s1 =	sadd.s32 s1, s30  }
0xb9: {  	s0 =	sor.u32 s3, s0;
	s1 =	sshll.u32 s1, $0x11  }
0xba: {  	s0 =	sor.u32 s1, s0  }
0xbb: {  	s0 =	sadd.s32 $0x8F2B, s0  }
0xbc: {  	[sflag:s0] =	ssyncadd.remote.s32 $0x1  }
0xbd: {  	_ =	sfence.sel $0xFFFF  }
0xbe: {  	[dreg:$0x0] =	wrdreg $0xFFFFFFFF;
	(pc) =	sbr.abs _section_cstart, $3  }
0xbf: {  	[dreg:$0x1] =	wrdreg $0xFFFFFFFF  }
0xc0: {  	_ =	task.clear_ibuf [dreg:s6], $0x2FFFF;
	_ =	strace $0x9FFFFFFF  }
0xc1: {  	(tm) =	ssettm $0x7FFFFFFF  }
tec
execute0_lowered:
.L_overlay_start_1:
0x0: {  	(tag) =	ssettag $0x1  }
0x1: {  	s0 =	srdreg.scid  }
0x2: {  	s4 =	sand.u32 $0x1, s0;
	s0 =	stileid.u32  }
0x3: {  	s2 =	sshll.u32 s0, $0x1;
	s3 =	ssub.s32 $0x0, s4  }
0x4: {  	p0 =	sne.s32 s2, s3  }
.Ltmp0:
0x5: {  	_ = 	snop;
	(pc) =	sbr.rel @p0 .LBB2_7-.Ltmp0, $3  }
0x6: {  	_ =	sdelay $0x1  }
0x7: {  	s7 =	rddreg [dreg:$0x0]  }
0x8: {  	s1 =	rddreg [dreg:$0x1];
	_ =	strace $0x8000004A  }
0x9: {  	s2 =	sadd.s32 $0x62C00, s7;
	s3 =	sadd.s32 $0x62E00, s7;
	s8 =	ssub.s32 $0x2, s4  }
0xa: {  	s4 =	sadd.s32 $0x62A00, s7;
	s5 =	sadd.s32 $0x62800, s7;
	s6 =	sadd.s32 $0x63600, s7  }
0xb: {  	s7 =	sadd.s32 $0x63000, s7;
	s10 =	simm.s32 $0x1;
	s11 =	simm.s32 $0x1000  }
0xc: {  	s12 =	simm.s32 $0x2000;
	s13 =	simm.s32 $0x3000;
	s9 =	sshrl.u32 s8, $0x1  }
0xd: {  	s14 =	simm.s32 $0x4000;
	s15 =	simm.s32 $0x6800;
	s8 =	ssub.s32 s8, s9  }
0xe: {  	v0 =	vimm.s32 $0x0;
	v1 =	vimm.f32 $0.0e+00;
	v2 =	vlaneseq.u32;
	s16 =	simm.s32 $0x0;
	s9 =	simm.s32 $0x0;
	s8 =	smax.u32 s8, $0x1  }
.LBB2_2:
0xf: {  	[tilespmem:s9], [sflag:$0x1] =	stream.linear.gather [hbm4b:s2+s9], $0x1000, $0x38;
	[tilespmem:$0x9000] =	vst v63  }
0x10: {  	_ =	swait.ge [sflag:s10], $0x1000  }
0x11: {  	[sflag:s10] =	ssyncset.done $0x0  }
0x12: {  	[sflag:s10] =	ssyncadd.s32 $0xFFFFF000  }
0x13: {  	[tilespmem:s11], [sflag:$0x1] =	stream.linear.gather [hbm4b:s3+s9], $0x1000, $0x38;
	[tilespmem:$0x9000] =	vst v63  }
0x14: {  	_ =	swait.ge [sflag:s10], $0x1000  }
0x15: {  	[sflag:s10] =	ssyncset.done $0x0  }
0x16: {  	[sflag:s10] =	ssyncadd.s32 $0xFFFFF000  }
0x17: {  	[tilespmem:s12], [sflag:$0x1] =	stream.linear.gather [hbm4b:s4+s9], $0x1000, $0x38;
	[tilespmem:$0x9000] =	vst v63  }
0x18: {  	_ =	swait.ge [sflag:s10], $0x1000  }
0x19: {  	[sflag:s10] =	ssyncset.done $0x0  }
0x1a: {  	[sflag:s10] =	ssyncadd.s32 $0xFFFFF000  }
0x1b: {  	[tilespmem:s13], [sflag:$0x1] =	stream.linear.gather [hbm4b:s5+s9], $0x1000, $0x38;
	[tilespmem:$0x9000] =	vst v63  }
0x1c: {  	_ =	swait.ge [sflag:s10], $0x1000  }
0x1d: {  	[sflag:s10] =	ssyncset.done $0x0  }
0x1e: {  	s17 =	simm.s32 $0x0;
	[sflag:s10] =	ssyncadd.s32 $0xFFFFF000  }
.LBB2_3:
0x1f: {  	p0 =	sne.s32 s17, $0x9FC0  }
.Ltmp1:
0x20: {  	_ = 	snop;
	(pc) =	sbr.rel @p0 .LBB2_3-.Ltmp1, $4  }
0x21: {  	_ = 	snop  }
0x22: {  	s18 =	sshra.s32 s17, $0x2  }
0x23: {  	[tilespmem:s18+$0x4000] =	vst v0  }
0x24: {  	s17 =	sadd.s32 $0x40, s17;
	[tilespmem:s18+$0x6800] =	vst v1  }
0x25: {  	s17 =	simm.s32 $0x0;
	s18 =	simm.s32 $0x2000  }
0x26: {  	s19 =	simm.s32 $0x1000;
	s20 =	simm.s32 $0x3000;
	s21 =	simm.s32 $0x0  }
.LBB2_5:
0x27: {  	v3 =	vld [tilespmem:s17+$0x0];
	_ =	sdelay $0x6  }
0x28: {  	v4 =	vor.u32 s21, v2  }
0x29: {  	[tilespmem:v3+s14+$0x0] =	vst.idx.msk $0xffff, v4  }
0x2a: {  	v3 =	vld [tilespmem:s17+$0x0];
	_ =	sdelay $0x2  }
0x2b: {  	v5 =	vld [tilespmem:s18+$0x0];
	_ =	sdelay $0x4  }
0x2c: {  	[tilespmem:v3+s15+$0x0] =	vst.idx.msk $0xffff, v5  }
0x2d: {  	v3 =	vld [tilespmem:s19+$0x0];
	_ =	sdelay $0x7  }
0x2e: {  	[tilespmem:v3+s14+$0x0] =	vst.idx.msk $0xffff, v4  }
0x2f: {  	v3 =	vld [tilespmem:s19+$0x0];
	_ =	sdelay $0x2  }
0x30: {  	p0 =	sne.s32 s21, $0xFF0;
	v4 =	vld [tilespmem:s20+$0x0]  }
.Ltmp2:
0x31: {  	_ = 	snop;
	(pc) =	sbr.rel @p0 .LBB2_5-.Ltmp2, $3  }
0x32: {  	_ =	sdelay $0x1  }
0x33: {  	s21 =	sadd.s32 $0x10, s21;
	s17 =	sadd.s32 $0x10, s17  }
0x34: {  	s18 =	sadd.s32 $0x10, s18;
	s19 =	sadd.s32 $0x10, s19;
	s20 =	sadd.s32 $0x10, s20;
	[tilespmem:v3+s15+$0x0] =	vst.idx.msk $0xffff, v4  }
0x35: {  	[hbm4b:s6+s9] =	stream.linear.scatter [tilespmem:s14], [sflag:$0x1], $0x2800, $0x38;
	[tilespmem:$0x9000] =	vst v63  }
0x36: {  	s16 =	sadd.s32 $0x1, s16;
	_ =	swait.ge [sflag:s10], $0x2800  }
0x37: {  	p0 =	sne.s32 s16, s8;
	[sflag:s10] =	ssyncset.done $0x0  }
.Ltmp3:
0x38: {  	[sflag:s10] =	ssyncadd.s32 $0xFFFFD800;
	(pc) =	sbr.rel @p0 .LBB2_2-.Ltmp3, $4  }
0x39: {  	[hbm4b:s7+s9] =	stream.linear.scatter [tilespmem:s15], [sflag:$0x1], $0x2800, $0x38;
	[tilespmem:$0x9000] =	vst v63  }
0x3a: {  	_ =	swait.ge [sflag:s10], $0x2800  }
0x3b: {  	[sflag:s10] =	ssyncset.done $0x0  }
0x3c: {  	[sflag:s10] =	ssyncadd.s32 $0xFFFFD800  }
.LBB2_7:
0x3d: {  	_ =	sfence.sel $0x180000  }
0x3e: {  	[bflag:$0x0] =	sbarrier.arrive $0xFFFF  }
0x3f: {  	p0 =	sne.s32 s0, $0x0;
	_ =	strace $0x9000004A  }
0x40: {  	s0 =	sadd.s32 @!p0 $0x100000, s1;
	[bflag:$0x2] =	sbarrier.arrive $0xFFFF  }
0x41: {  	[sflag:s0] =	ssyncadd.tile.s32 @!p0 $0x1;
	_ =	shalt  }
.Lfunc_end2:
_tile_overlayer_lowered:
.L_overlay_start_2:
0x42: {  	(tag) =	ssettag $0x2  }
0x43: {  	s0 =	rddreg [dreg:$0x0];
	s2 =	stileid.u32  }
0x44: {  	s1 =	rddreg [dreg:$0x1];
	p0 =	sne.s32 s2, $0x0  }
0x45: {  	s3 =	rddreg [dreg:$0x2];
	[bflag:$0x3] =	sbarrier.arrive $0xFFFF;
	s2 =	simm.s32 @!p0 $0x1C01  }
0x46: {  	[timem:s3], [sflag:s2] =	dma.local @!p0 [hbm:s0], s1  }
0x47: {  	s0 =	simm.s32 @!p0 $0x1  }
0x48: {  	_ =	swait.ge @!p0 [sflag:s0], s1  }
0x49: {  	s1 =	ssub.s32 @!p0 $0x0, s1;
	[sflag:s0] =	ssyncset.done @!p0 $0x0  }
0x4a: {  	[sflag:s0] =	ssyncadd.s32 @!p0 s1  }
0x4b: {  	[bflag:$0x3] =	sbarrier.arrive $0xFFFF  }
0x4c: {  	_ =	shalt  }

// kernel: kernel.15.cloned.1.call-start
scs
__scs_entry_jumppad:
0x0: {  	(pc) =	sbr.rel $0x88, $3  }
0x1: {  	(tag) =	ssettag $0x0;
	lr =	simm.s32 $0x1  }
0x2: {  	[smem:$0x3F93] =	sst lr;
	_ =	strace $0xD0000000  }
0x3: {  	_ = 	snop  }
0x4: {  	_ = 	snop  }
0x5: {  	_ = 	snop  }
0x6: {  	_ = 	snop  }
0x7: {  	_ = 	snop  }
__scs_overlays_trampoline_lowered:
0x8: {  	[smem:$0x3FA2] =	sst s0  }
0x9: {  	[smem:$0x3FA3] =	sst s1  }
0xa: {  	[smem:$0x3FA4] =	sst s2  }
0xb: {  	[smem:$0x3FA5] =	sst s3  }
0xc: {  	[smem:$0x3FA6] =	sst s4  }
0xd: {  	[smem:$0x3FA7] =	sst s5  }
0xe: {  	[smem:$0x3FA8] =	sst s6  }
0xf: {  	[smem:$0x3FA9] =	sst s7  }
0x10: {  	[smem:$0x3FAA] =	sst s8  }
0x11: {  	[smem:$0x3FAB] =	sst s9;
	s0 =	simm.s32 @!p0 $0x0  }
0x12: {  	s1 =	sld [smem:$0x3F91];
	s0 =	simm.s32 @p0 $0x1  }
0x13: {  	[smem:$0x3FAC] =	sst s0;
	s0 =	simm.s32 @!p1 $0x0  }
0x14: {  	s2 =	sld [smem:$0x3F90];
	s0 =	simm.s32 @p1 $0x1  }
0x15: {  	[smem:$0x3FAD] =	sst s0;
	s0 =	simm.s32 @!p2 $0x0  }
0x16: {  	s3 =	sld [smem:$0x3FDB];
	s0 =	simm.s32 @p2 $0x1  }
0x17: {  	s4 =	simm.s32 $0x1BF5;
	[smem:$0x3FAF] =	sst s0  }
0x18: {  	s0 =	sld [smem:$0x3F92];
	_ =	swait.ge [sflag:s4], $0x0  }
0x19: {  	s7 =	sld [smem:$0x3F93]  }
0x1a: {  	s8 =	sadd.s32 $0xFFFFE003, lr  }
0x1b: {  	s9 =	sadd.s32 $0xFFFFFEF7, lr;
	s5 =	simm.s32 $0xFFFFFFFF;
	p2 =	slt.u32 s8, $0xFFFFF086  }
0x1c: {  	p1 =	slt.u32 s9, $0xF7A;
	s5 =	simm.s32 @!p2 $0x0  }
0x1d: {  	s5 =	simm.s32 @p1 $0x1;
	p0 =	seq.s32 s7, s2  }
0x1e: {  	s7 =	smul.u32 @!p0 $0xF7A, s2;
	p2 =	seq.s32 @!p0 s5, $0x0  }
0x1f: {  	s9 =	smul.u32 $0xF7A, s1;
	s8 =	simm.s32 @!p0 $0x1BF5;
	p2 =	por !p2, p0  }
0x20: {  	[sflag:s8] =	ssyncset.s32 @!p0 $0xFFFFF086;
	s6 =	sadd.s32 @!p0 s3, s7;
	s7 =	simm.s32 @!p0 $0x108  }
0x21: {  	s3 =	sadd.s32 s3, s9;
	s6 =	sadd.s32 @!p0 $0x88, s6;
	s7 =	simm.s32 @p2 $0x1082  }
0x22: {  	[simem:s7], [sflag:s8] =	dma.local @!p0 [hbm:s6], $0xF7A  }
0x23: {  	s9 =	sor.u32 $0xD0000000, s2;
	s6 =	simm.s32 $0x108;
	_ =	swait.ge @!p0 [sflag:s8], $0x0  }
0x24: {  	s3 =	sadd.s32 $0x88, s3;
	s6 =	simm.s32 @!p1 $0x1082;
	[sflag:s4] =	ssyncset.s32 $0xFFFFF086  }
0x25: {  	[simem:s6], [sflag:s4] =	dma.local [hbm:s3], $0xF7A  }
0x26: {  	[smem:$0x3F93] =	sst s1;
	(tag) =	ssettag s2;
	_ =	strace s9  }
0x27: {  	s1 =	sld [smem:$0x3FA3]  }
0x28: {  	s2 =	sld [smem:$0x3FA4]  }
0x29: {  	s4 =	sld [smem:$0x3FA6]  }
0x2a: {  	p0 =	seq.s32 s5, $0x0;
	s5 =	sld [smem:$0x3FA7]  }
0x2b: {  	s6 =	sld [smem:$0x3FA8]  }
0x2c: {  	s7 =	sld [smem:$0x3FA9]  }
0x2d: {  	s3 =	simm.s32 $0x108;
	s8 =	sld [smem:$0x3FAA]  }
0x2e: {  	s3 =	simm.s32 @!p0 $0x1082;
	s9 =	sld [smem:$0x3FAB]  }
0x2f: {  	lr =	sadd.s32 s0, s3;
	s0 =	sld [smem:$0x3FA2]  }
0x30: {  	s3 =	sld [smem:$0x3FA5]  }
0x31: {  	[smem:$0x3FAE] =	sst s10  }
0x32: {  	s10 =	sld [smem:$0x3FAC];
	_ =	sdelay $0x3  }
0x33: {  	p0 =	seq.s32 s10, $0x1;
	s10 =	sld [smem:$0x3FAE];
	_ =	sdelay $0x3  }
0x34: {  	[smem:$0x3FAE] =	sst s10  }
0x35: {  	s10 =	sld [smem:$0x3FAD];
	_ =	sdelay $0x3  }
0x36: {  	p1 =	seq.s32 s10, $0x1;
	s10 =	sld [smem:$0x3FAE];
	_ =	sdelay $0x3  }
0x37: {  	[smem:$0x3FAE] =	sst s10  }
0x38: {  	s10 =	sld [smem:$0x3FAF]  }
0x39: {  	_ = 	snop;
	(pc) =	sbr.ind lr, $3  }
0x3a: {  	_ = 	snop  }
0x3b: {  	_ = 	snop  }
0x3c: {  	p2 =	seq.s32 s10, $0x1;
	s10 =	sld [smem:$0x3FAE]  }
0x3d: {  	_ =	shalt  }
0x3e: {  	_ =	shalt  }
0x3f: {  	_ =	shalt  }
0x40: {  	_ =	shalt  }
0x41: {  	_ =	shalt  }
0x42: {  	_ =	shalt  }
0x43: {  	_ =	shalt  }
0x44: {  	_ =	shalt  }
0x45: {  	_ =	shalt  }
0x46: {  	_ =	shalt  }
0x47: {  	_ =	shalt  }
0x48: {  	_ =	shalt  }
0x49: {  	_ =	shalt  }
0x4a: {  	_ =	shalt  }
0x4b: {  	_ =	shalt  }
0x4c: {  	_ =	shalt  }
0x4d: {  	_ =	shalt  }
0x4e: {  	_ =	shalt  }
0x4f: {  	_ =	shalt  }
0x50: {  	_ =	shalt  }
0x51: {  	_ =	shalt  }
0x52: {  	_ =	shalt  }
0x53: {  	_ =	shalt  }
0x54: {  	_ =	shalt  }
0x55: {  	_ =	shalt  }
0x56: {  	_ =	shalt  }
0x57: {  	_ =	shalt  }
0x58: {  	_ =	shalt  }
0x59: {  	_ =	shalt  }
0x5a: {  	_ =	shalt  }
0x5b: {  	_ =	shalt  }
0x5c: {  	_ =	shalt  }
0x5d: {  	_ =	shalt  }
0x5e: {  	_ =	shalt  }
0x5f: {  	_ =	shalt  }
0x60: {  	_ =	shalt  }
0x61: {  	_ =	shalt  }
0x62: {  	_ =	shalt  }
0x63: {  	_ =	shalt  }
0x64: {  	_ =	shalt  }
0x65: {  	_ =	shalt  }
0x66: {  	_ =	shalt  }
0x67: {  	_ =	shalt  }
0x68: {  	_ =	shalt  }
0x69: {  	_ =	shalt  }
0x6a: {  	_ =	shalt  }
0x6b: {  	_ =	shalt  }
0x6c: {  	_ =	shalt  }
0x6d: {  	_ =	shalt  }
0x6e: {  	_ =	shalt  }
0x6f: {  	_ =	shalt  }
0x70: {  	_ =	shalt  }
0x71: {  	_ =	shalt  }
0x72: {  	_ =	shalt  }
0x73: {  	_ =	shalt  }
0x74: {  	_ =	shalt  }
0x75: {  	_ =	shalt  }
0x76: {  	_ =	shalt  }
0x77: {  	_ =	shalt  }
0x78: {  	_ =	shalt  }
0x79: {  	_ =	shalt  }
0x7a: {  	_ =	shalt  }
0x7b: {  	_ =	shalt  }
0x7c: {  	_ =	shalt  }
0x7d: {  	_ =	shalt  }
0x7e: {  	_ =	shalt  }
0x7f: {  	_ =	shalt  }
0x80: {  	_ =	shalt  }
0x81: {  	_ =	shalt  }
0x82: {  	_ =	shalt  }
0x83: {  	_ =	shalt  }
0x84: {  	_ =	shalt  }
0x85: {  	_ =	shalt  }
0x86: {  	_ =	shalt  }
0x87: {  	_ =	shalt  }
.Lfunc_end0:
.L_simem_size_0:
called_computation.2_lowered:
.L_overlay_start_0:
0x88: {  	s2 =	sld [smem:$0x3FD9]  }
0x89: {  	s3 =	sld [smem:$0x3FFE];
	_ =	sdelay $0x1  }
0x8a: {  	s1 =	srdreg.scid  }
0x8b: {  	s0 =	sand.u32 $0x1, s1  }
0x8c: {  	s17 =	sshll.u32 s0, $0xA;
	s2 =	sadd.s32 s3, s2  }
0x8d: {  	s2 =	sadd.s32 s2, s17  }
0x8e: {  	[smem:$0x3FBA] =	sst s2  }
0x8f: {  	_ = 	snop  }
0x90: {  	s2 =	sld [smem:$0x3FD0];
	(tm) =	ssettm $0x1  }
0x91: {  	s18 =	sld [smem:$0x3FFB];
	_ =	sdelay $0x3  }
0x92: {  	_ =	strace s18  }
0x93: {  	s3 =	sld [smem:$0x3FFC];
	_ =	sdelay $0x3  }
0x94: {  	_ =	strace s3  }
0x95: {  	s3 =	sld [smem:$0x3FFD];
	_ =	sdelay $0x3  }
0x96: {  	_ =	strace s3  }
0x97: {  	_ =	strace $0x8FFFFFFF  }
0x98: {  	s19 =	sld [smem:$0x3FDB];
	_ =	sdelay $0x1  }
0x99: {  	s4 =	simm.s32 $_scs_section_size  }
0x9a: {  	s5 =	simm.s32 $_size__tile_overlayer_lowered;
	s6 =	simm.s32 $_tile_overlayer_lowered  }
0x9b: {  	s22 =	simm.s32 $0x1BFF;
	s21 =	sshll.u32 s6, $0x1;
	s3 =	sadd.s32 s4, s19  }
0x9c: {  	s7 =	simm.s32 $0x0;
	s20 =	sshll.u32 s5, $0x1;
	s5 =	sadd.s32 s21, s3  }
0x9d: {  	[timem:s7], [sflag:s22] =	dma.local [hbm:s5], s20  }
0x9e: {  	_ =	swait.ge [sflag:s22], s20  }
0x9f: {  	s4 =	ssub.s32 $0x0, s20;
	[sflag:s22] =	ssyncset.done $0x0  }
0xa0: {  	[sflag:s22] =	ssyncadd.s32 s4;
	_ =	sdelay $0x1  }
0xa1: {  	s23 =	simm.s32 $0x1B8B  }
0xa2: {  	_ =	swait.ge [sflag:s23], $0x1  }
0xa3: {  	[sflag:s23] =	ssyncset.done $0x0  }
0xa4: {  	s25 =	simm.s32 $0x1B8E;
	s24 =	sld [smem:$0x3FFE];
	[sflag:s23] =	ssyncadd.s32 $0xFFFFFFFF  }
0xa5: {  	s26 =	simm.s32 $execute0_lowered;
	[smem:$0x3FD2] =	sst s25  }
0xa6: {  	s5 =	sshll.u32 s26, $0x1;
	_ =	strace $0x8000004C;
	[dreg:$0x1] =	wrdreg $0xFFFFFFFF  }
0xa7: {  	s28 =	simm.s32 $_size_execute0_lowered;
	s3 =	sadd.s32 s3, s5;
	[dreg:$0x0] =	wrdreg $0x0  }
0xa8: {  	s5 =	sshll.u32 s28, $0x1;
	[dreg:$0x2] =	wrdreg s3  }
0xa9: {  	[dreg:$0x3] =	wrdreg s5  }
0xaa: {  	[dreg:$0x4] =	wrdreg $0xC0  }
0xab: {  	_ =	task [dreg:s7], $0x5FFFF  }
0xac: {  	[dreg:$0x1] =	wrdreg $0xFFFFFFFF  }
0xad: {  	[dreg:$0x0] =	wrdreg $0x60  }
0xae: {  	[dreg:$0x2] =	wrdreg s2  }
0xaf: {  	[dreg:$0x3] =	wrdreg s24  }
0xb0: {  	[dreg:$0x4] =	wrdreg $0x9  }
0xb1: {  	_ =	task.clear_ibuf [dreg:s7], $0x5FFFF;
	_ =	strace $0x9000004C  }
0xb2: {  	s29 =	simm.s32 $0x9;
	_ =	strace $0x8000004E  }
0xb3: {  	_ =	swait.ge [sflag:s29], $0x1  }
0xb4: {  	[sflag:s29] =	ssyncadd.s32 $0xFFFFFFFF  }
0xb5: {  	_ =	strace $0x9000004E  }
0xb6: {  	_ =	sfence  }
0xb7: {  	s30 =	sld [smem:$0x0];
	_ =	sdelay $0x2  }
0xb8: {  	s31 =	sshll.u32 s1, $0xD;
	s1 =	sshrl.u32 s1, $0x2  }
0xb9: {  	s3 =	sand.u32 $0x4000, s31;
	s1 =	sadd.s32 s1, s30  }
0xba: {  	s0 =	sor.u32 s3, s0;
	s1 =	sshll.u32 s1, $0x11  }
0xbb: {  	s0 =	sor.u32 s1, s0  }
0xbc: {  	s0 =	sadd.s32 $0x8F2B, s0  }
0xbd: {  	[sflag:s0] =	ssyncadd.remote.s32 $0x1  }
0xbe: {  	_ =	sfence.sel $0xFFFF  }
0xbf: {  	[dreg:$0x0] =	wrdreg $0xFFFFFFFF;
	(pc) =	sbr.abs _section_cstart, $3  }
0xc0: {  	[dreg:$0x1] =	wrdreg $0xFFFFFFFF  }
0xc1: {  	_ =	task.clear_ibuf [dreg:s7], $0x2FFFF;
	_ =	strace $0x9FFFFFFF  }
0xc2: {  	(tm) =	ssettm $0x7FFFFFFF  }
0xc3: {  	_ =	shalt  }
tec
execute0_lowered:
.L_overlay_start_1:
0x0: {  	(tag) =	ssettag $0x1  }
0x1: {  	s0 =	srdreg.scid;
	s2 =	rddreg [dreg:$0x0]  }
0x2: {  	s1 =	stileid.u32;
	s4 =	rddreg [dreg:$0x1];
	s3 =	simm.s32 $0x0  }
0x3: {  	s6 =	simm.s32 $0x1;
	s29 =	simm.s32 $0x980;
	s30 =	simm.s32 $0xD80  }
0x4: {  	s31 =	simm.s32 $0x1580;
	s8 =	simm.s32 $0x2580;
	s9 =	simm.s32 $0x2D80  }
0x5: {  	s10 =	simm.s32 $0x3180;
	s11 =	simm.s32 $0x3980;
	s12 =	simm.s32 $0x3D80  }
0x6: {  	s13 =	simm.s32 $0x4580;
	s0 =	sand.u32 $0x1, s0;
	s1 =	sshll.u32 s1, $0x1  }
0x7: {  	s14 =	simm.s32 $0x4980;
	s15 =	simm.s32 $0x5180;
	s1 =	sor.u32 s0, s1  }
0x8: {  	s16 =	simm.s32 $0x5580;
	s17 =	simm.s32 $0x5D80;
	s1 =	smul.u32 $0x140, s1  }
0x9: {  	s18 =	simm.s32 $0x6180;
	s19 =	simm.s32 $0x6980;
	s20 =	simm.s32 $0x6D80  }
0xa: {  	s21 =	simm.s32 $0x7580;
	s22 =	simm.s32 $0x7980;
	s1 =	sshrl.u32 s1, $0x3  }
0xb: {  	[smem:$0x7FF] =	sst s3;
	s0 =	ssub.s32 $0x2, s0;
	s5 =	smul.u32 $0x180, s1  }
0xc: {  	_ =	strace $0x8000004D;
	s25 =	sshrl.u32 s0, $0x1;
	s1 =	sadd.s32 s1, s4  }
0xd: {  	s0 =	ssub.s32 s0, s25;
	s1 =	sadd.s32 $0x63600, s1;
	s4 =	sadd.s32 s5, s4  }
0xe: {  	s25 =	simm.s32 $0x4;
	[dreg:$0x3] =	wrdreg s1;
	s23 =	sadd.s32 $0x63C00, s4  }
0xf: {  	s5 =	smax.u32 s0, $0x1;
	s24 =	sadd.s32 $0x64B00, s4;
	[dreg:$0x4] =	wrdreg s23  }
0x10: {  	v2 =	vlaneseq.u32;
	s1 =	simm.s32 $0x1980;
	s26 =	sadd.s32 $0x65A00, s4;
	[dreg:$0x5] =	wrdreg s24  }
0x11: {  	vm0 =	vmmov $0xffff;
	vm1 =	vmmov $0xff;
	v1 =	vshrl.u32 v2, $0x3;
	s28 =	sadd.s32 $0x66900, s4;
	s4 =	sadd.s32 $0x100, s2;
	[dreg:$0x6] =	wrdreg s26  }
0x12: {  	v0 =	vand.u32 $0x7, v2;
	v2 =	vor.u32 $0x8, v2;
	v1 =	vmul.u32 $0x8, v1;
	[dreg:$0x7] =	wrdreg s28;
	s23 =	simm.s32 $0x3;
	s24 =	simm.s32 $0x2  }
.LBB2_1:
0x13: {  	s26 =	rddreg [dreg:$0x3];
	s0 =	simm.s32 $0x5  }
0x14: {  	[tilespmem:s3], [sflag:$0x5] =	stream.linear.gather [hbm4b:s26+s3], $0x140, $0x38;
	[tilespmem:$0xF180] =	vst v63  }
0x15: {  	_ =	swait.ge [sflag:s0], $0x140  }
0x16: {  	[sflag:s0] =	ssyncset.done $0x0  }
0x17: {  	[sflag:s0] =	ssyncadd.s32 $0xFFFFFEC0  }
0x18: {  	v3 =	vld [tilespmem:$0x0];
	_ =	sdelay $0x4  }
0x19: {  	v4 =	vshrl.u32 v3, $0x3  }
0x1a: {  	v4 =	vmul.u32 $0x18, v4  }
0x1b: {  	v3 =	vand.u32 $0x7, v3  }
0x1c: {  	v3 =	vor.u32 v3, v4  }
0x1d: {  	v4 =	vperm.xlane v3, v0;
	_ =	sdelay $0x1  }
0x1e: {  	v4 =	vadd.s32 v1, v4;
	_ =	sdelay $0x1  }
0x1f: {  	v3 =	vperm.xlane v3, v2;
	_ =	sdelay $0x1  }
0x20: {  	s26 =	simm.s32 $0x180;
	v3 =	vadd.s32 v1, v3  }
0x21: {  	[tilespmem:s26], [sflag:$0x1] =	stream.indirect_vreg.gather [hbm4b:s2+s3], $0x80, v4, vm0, $0xb8;
	[tilespmem:$0xF180] =	vst v63  }
0x22: {  	_ = 	snop  }
0x23: {  	[tilespmem:s29], [sflag:$0x1] =	stream.indirect_vreg.gather [hbm4b:s4+s3], $0x80, v4, vm1, $0xb8;
	[tilespmem:$0xF180] =	vst v63  }
0x24: {  	_ = 	snop  }
0x25: {  	[tilespmem:s30], [sflag:$0x1] =	stream.indirect_vreg.gather [hbm4b:s2+s3], $0x80, v3, vm0, $0xb8;
	[tilespmem:$0xF180] =	vst v63  }
0x26: {  	_ = 	snop  }
0x27: {  	[tilespmem:s31], [sflag:$0x1] =	stream.indirect_vreg.gather [hbm4b:s4+s3], $0x80, v3, vm1, $0xb8;
	[tilespmem:$0xF180] =	vst v63  }
0x28: {  	v3 =	vld [tilespmem:$0x10];
	_ =	sdelay $0x4  }
0x29: {  	v45 =	vshrl.u32 v3, $0x3  }
0x2a: {  	v4 =	vmul.u32 $0x18, v45  }
0x2b: {  	v3 =	vand.u32 $0x7, v3  }
0x2c: {  	v3 =	vor.u32 v3, v4  }
0x2d: {  	v4 =	vperm.xlane v3, v0;
	_ =	sdelay $0x1  }
0x2e: {  	v4 =	vadd.s32 v1, v4;
	_ =	sdelay $0x1  }
0x2f: {  	v3 =	vperm.xlane v3, v2;
	_ =	sdelay $0x1  }
0x30: {  	v3 =	vadd.s32 v1, v3  }
0x31: {  	[tilespmem:s1], [sflag:$0x1] =	stream.indirect_vreg.gather [hbm4b:s2+s3], $0x80, v4, vm0, $0xb8;
	[tilespmem:$0xF180] =	vst v63  }
0x32: {  	s0 =	simm.s32 $0x2180  }
0x33: {  	[tilespmem:s0], [sflag:$0x1] =	stream.indirect_vreg.gather [hbm4b:s4+s3], $0x80, v4, vm1, $0xb8;
	[tilespmem:$0xF180] =	vst v63  }
0x34: {  	_ = 	snop  }
0x35: {  	[tilespmem:s8], [sflag:$0x1] =	stream.indirect_vreg.gather [hbm4b:s2+s3], $0x80, v3, vm0, $0xb8;
	[tilespmem:$0xF180] =	vst v63  }
0x36: {  	_ = 	snop  }
0x37: {  	[tilespmem:s9], [sflag:$0x1] =	stream.indirect_vreg.gather [hbm4b:s4+s3], $0x80, v3, vm1, $0xb8;
	[tilespmem:$0xF180] =	vst v63  }
0x38: {  	v3 =	vld [tilespmem:$0x20];
	_ =	sdelay $0x4  }
0x39: {  	v46 =	vshrl.u32 v3, $0x3  }
0x3a: {  	v4 =	vmul.u32 $0x18, v46  }
0x3b: {  	v3 =	vand.u32 $0x7, v3  }
0x3c: {  	v3 =	vor.u32 v3, v4  }
0x3d: {  	v4 =	vperm.xlane v3, v0;
	_ =	sdelay $0x1  }
0x3e: {  	v4 =	vadd.s32 v1, v4;
	_ =	sdelay $0x1  }
0x3f: {  	v3 =	vperm.xlane v3, v2;
	_ =	sdelay $0x1  }
0x40: {  	v3 =	vadd.s32 v1, v3  }
0x41: {  	[tilespmem:s10], [sflag:$0x1] =	stream.indirect_vreg.gather [hbm4b:s2+s3], $0x80, v4, vm0, $0xb8;
	[tilespmem:$0xF180] =	vst v63  }
0x42: {  	_ = 	snop  }
0x43: {  	[tilespmem:s11], [sflag:$0x1] =	stream.indirect_vreg.gather [hbm4b:s4+s3], $0x80, v4, vm1, $0xb8;
	[tilespmem:$0xF180] =	vst v63  }
0x44: {  	_ = 	snop  }
0x45: {  	[tilespmem:s12], [sflag:$0x1] =	stream.indirect_vreg.gather [hbm4b:s2+s3], $0x80, v3, vm0, $0xb8;
	[tilespmem:$0xF180] =	vst v63  }
0x46: {  	_ = 	snop  }
0x47: {  	[tilespmem:s13], [sflag:$0x1] =	stream.indirect_vreg.gather [hbm4b:s4+s3], $0x80, v3, vm1, $0xb8;
	[tilespmem:$0xF180] =	vst v63  }
0x48: {  	v3 =	vld [tilespmem:$0x30];
	_ =	sdelay $0x4  }
0x49: {  	v47 =	vshrl.u32 v3, $0x3  }
0x4a: {  	v4 =	vmul.u32 $0x18, v47  }
0x4b: {  	v3 =	vand.u32 $0x7, v3  }
0x4c: {  	v3 =	vor.u32 v3, v4  }
0x4d: {  	v4 =	vperm.xlane v3, v0;
	_ =	sdelay $0x1  }
0x4e: {  	v4 =	vadd.s32 v1, v4;
	_ =	sdelay $0x1  }
0x4f: {  	v3 =	vperm.xlane v3, v2;
	_ =	sdelay $0x1  }
0x50: {  	v3 =	vadd.s32 v1, v3  }
0x51: {  	[tilespmem:s14], [sflag:$0x1] =	stream.indirect_vreg.gather [hbm4b:s2+s3], $0x80, v4, vm0, $0xb8;
	[tilespmem:$0xF180] =	vst v63  }
0x52: {  	_ = 	snop  }
0x53: {  	[tilespmem:s15], [sflag:$0x1] =	stream.indirect_vreg.gather [hbm4b:s4+s3], $0x80, v4, vm1, $0xb8;
	[tilespmem:$0xF180] =	vst v63  }
0x54: {  	_ = 	snop  }
0x55: {  	[tilespmem:s16], [sflag:$0x1] =	stream.indirect_vreg.gather [hbm4b:s2+s3], $0x80, v3, vm0, $0xb8;
	[tilespmem:$0xF180] =	vst v63  }
0x56: {  	_ = 	snop  }
0x57: {  	[tilespmem:s17], [sflag:$0x1] =	stream.indirect_vreg.gather [hbm4b:s4+s3], $0x80, v3, vm1, $0xb8;
	[tilespmem:$0xF180] =	vst v63  }
0x58: {  	v3 =	vld [tilespmem:$0x40];
	_ =	sdelay $0x4  }
0x59: {  	v48 =	vshrl.u32 v3, $0x3  }
0x5a: {  	v4 =	vmul.u32 $0x18, v48  }
0x5b: {  	v3 =	vand.u32 $0x7, v3  }
0x5c: {  	v3 =	vor.u32 v3, v4  }
0x5d: {  	v4 =	vperm.xlane v3, v0;
	_ =	sdelay $0x1  }
0x5e: {  	v4 =	vadd.s32 v1, v4;
	_ =	sdelay $0x1  }
0x5f: {  	v3 =	vperm.xlane v3, v2;
	_ =	sdelay $0x1  }
0x60: {  	v3 =	vadd.s32 v1, v3  }
0x61: {  	[tilespmem:s18], [sflag:$0x1] =	stream.indirect_vreg.gather [hbm4b:s2+s3], $0x80, v4, vm0, $0xb8;
	[tilespmem:$0xF180] =	vst v63  }
0x62: {  	_ = 	snop  }
0x63: {  	[tilespmem:s19], [sflag:$0x1] =	stream.indirect_vreg.gather [hbm4b:s4+s3], $0x80, v4, vm1, $0xb8;
	[tilespmem:$0xF180] =	vst v63  }
0x64: {  	_ = 	snop  }
0x65: {  	[tilespmem:s20], [sflag:$0x1] =	stream.indirect_vreg.gather [hbm4b:s2+s3], $0x80, v3, vm0, $0xb8;
	[tilespmem:$0xF180] =	vst v63  }
0x66: {  	_ = 	snop  }
0x67: {  	[tilespmem:s21], [sflag:$0x1] =	stream.indirect_vreg.gather [hbm4b:s4+s3], $0x80, v3, vm1, $0xb8;
	[tilespmem:$0xF180] =	vst v63  }
0x68: {  	v3 =	vld [tilespmem:$0x50];
	_ =	sdelay $0x4  }
0x69: {  	v49 =	vshrl.u32 v3, $0x3  }
0x6a: {  	v4 =	vmul.u32 $0x18, v49  }
0x6b: {  	v3 =	vand.u32 $0x7, v3  }
0x6c: {  	v3 =	vor.u32 v3, v4  }
0x6d: {  	v4 =	vperm.xlane v3, v0;
	_ =	sdelay $0x1  }
0x6e: {  	v4 =	vadd.s32 v1, v4;
	_ =	sdelay $0x1  }
0x6f: {  	v3 =	vperm.xlane v3, v2;
	_ =	sdelay $0x1  }
0x70: {  	v3 =	vadd.s32 v1, v3  }
0x71: {  	[tilespmem:s22], [sflag:$0x2] =	stream.indirect_vreg.gather [hbm4b:s2+s3], $0x80, v4, vm0, $0xb8;
	[tilespmem:$0xF180] =	vst v63  }
0x72: {  	s7 =	simm.s32 $0x8180  }
0x73: {  	[tilespmem:s7], [sflag:$0x2] =	stream.indirect_vreg.gather [hbm4b:s4+s3], $0x80, v4, vm1, $0xb8;
	[tilespmem:$0xF180] =	vst v63  }
0x74: {  	s7 =	simm.s32 $0x8580  }
0x75: {  	[tilespmem:s7], [sflag:$0x2] =	stream.indirect_vreg.gather [hbm4b:s2+s3], $0x80, v3, vm0, $0xb8;
	[tilespmem:$0xF180] =	vst v63  }
0x76: {  	s28 =	simm.s32 $0x8D80  }
0x77: {  	[tilespmem:s28], [sflag:$0x2] =	stream.indirect_vreg.gather [hbm4b:s4+s3], $0x80, v3, vm1, $0xb8;
	[tilespmem:$0xF180] =	vst v63  }
0x78: {  	v3 =	vld [tilespmem:$0x60];
	_ =	sdelay $0x4  }
0x79: {  	v50 =	vshrl.u32 v3, $0x3  }
0x7a: {  	v4 =	vmul.u32 $0x18, v50  }
0x7b: {  	v3 =	vand.u32 $0x7, v3  }
0x7c: {  	v3 =	vor.u32 v3, v4  }
0x7d: {  	v4 =	vperm.xlane v3, v0;
	_ =	sdelay $0x1  }
0x7e: {  	v4 =	vadd.s32 v1, v4;
	_ =	sdelay $0x1  }
0x7f: {  	v3 =	vperm.xlane v3, v2;
	_ =	sdelay $0x1  }
0x80: {  	s28 =	simm.s32 $0x9180;
	v3 =	vadd.s32 v1, v3  }
0x81: {  	[tilespmem:s28], [sflag:$0x2] =	stream.indirect_vreg.gather [hbm4b:s2+s3], $0x80, v4, vm0, $0xb8;
	[tilespmem:$0xF180] =	vst v63  }
0x82: {  	s28 =	simm.s32 $0x9980  }
0x83: {  	[tilespmem:s28], [sflag:$0x2] =	stream.indirect_vreg.gather [hbm4b:s4+s3], $0x80, v4, vm1, $0xb8;
	[tilespmem:$0xF180] =	vst v63  }
0x84: {  	s28 =	simm.s32 $0x9D80  }
0x85: {  	[tilespmem:s28], [sflag:$0x2] =	stream.indirect_vreg.gather [hbm4b:s2+s3], $0x80, v3, vm0, $0xb8;
	[tilespmem:$0xF180] =	vst v63  }
0x86: {  	s28 =	simm.s32 $0xA580  }
0x87: {  	[tilespmem:s28], [sflag:$0x2] =	stream.indirect_vreg.gather [hbm4b:s4+s3], $0x80, v3, vm1, $0xb8;
	[tilespmem:$0xF180] =	vst v63  }
0x88: {  	v3 =	vld [tilespmem:$0x70];
	_ =	sdelay $0x4  }
0x89: {  	v51 =	vshrl.u32 v3, $0x3  }
0x8a: {  	v4 =	vmul.u32 $0x18, v51  }
0x8b: {  	v3 =	vand.u32 $0x7, v3  }
0x8c: {  	v3 =	vor.u32 v3, v4  }
0x8d: {  	v4 =	vperm.xlane v3, v0;
	_ =	sdelay $0x1  }
0x8e: {  	v4 =	vadd.s32 v1, v4;
	_ =	sdelay $0x1  }
0x8f: {  	v3 =	vperm.xlane v3, v2;
	_ =	sdelay $0x1  }
0x90: {  	s28 =	simm.s32 $0xA980;
	v3 =	vadd.s32 v1, v3  }
0x91: {  	[tilespmem:s28], [sflag:$0x2] =	stream.indirect_vreg.gather [hbm4b:s2+s3], $0x80, v4, vm0, $0xb8;
	[tilespmem:$0xF180] =	vst v63  }
0x92: {  	s28 =	simm.s32 $0xB180  }
0x93: {  	[tilespmem:s28], [sflag:$0x2] =	stream.indirect_vreg.gather [hbm4b:s4+s3], $0x80, v4, vm1, $0xb8;
	[tilespmem:$0xF180] =	vst v63  }
0x94: {  	s28 =	simm.s32 $0xB580  }
0x95: {  	[tilespmem:s28], [sflag:$0x2] =	stream.indirect_vreg.gather [hbm4b:s2+s3], $0x80, v3, vm0, $0xb8;
	[tilespmem:$0xF180] =	vst v63  }
0x96: {  	s28 =	simm.s32 $0xBD80  }
0x97: {  	[tilespmem:s28], [sflag:$0x2] =	stream.indirect_vreg.gather [hbm4b:s4+s3], $0x80, v3, vm1, $0xb8;
	[tilespmem:$0xF180] =	vst v63  }
0x98: {  	v3 =	vld [tilespmem:$0x80];
	_ =	sdelay $0x4  }
0x99: {  	v52 =	vshrl.u32 v3, $0x3  }
0x9a: {  	v4 =	vmul.u32 $0x18, v52  }
0x9b: {  	v3 =	vand.u32 $0x7, v3  }
0x9c: {  	v3 =	vor.u32 v3, v4  }
0x9d: {  	v4 =	vperm.xlane v3, v0;
	_ =	sdelay $0x1  }
0x9e: {  	v4 =	vadd.s32 v1, v4;
	_ =	sdelay $0x1  }
0x9f: {  	v3 =	vperm.xlane v3, v2;
	_ =	sdelay $0x1  }
0xa0: {  	s28 =	simm.s32 $0xC180;
	v3 =	vadd.s32 v1, v3  }
0xa1: {  	[tilespmem:s28], [sflag:$0x2] =	stream.indirect_vreg.gather [hbm4b:s2+s3], $0x80, v4, vm0, $0xb8;
	[tilespmem:$0xF180] =	vst v63  }
0xa2: {  	s28 =	simm.s32 $0xC980  }
0xa3: {  	[tilespmem:s28], [sflag:$0x2] =	stream.indirect_vreg.gather [hbm4b:s4+s3], $0x80, v4, vm1, $0xb8;
	[tilespmem:$0xF180] =	vst v63  }
0xa4: {  	s28 =	simm.s32 $0xCD80  }
0xa5: {  	[tilespmem:s28], [sflag:$0x2] =	stream.indirect_vreg.gather [hbm4b:s2+s3], $0x80, v3, vm0, $0xb8;
	[tilespmem:$0xF180] =	vst v63  }
0xa6: {  	s28 =	simm.s32 $0xD580  }
0xa7: {  	[tilespmem:s28], [sflag:$0x2] =	stream.indirect_vreg.gather [hbm4b:s4+s3], $0x80, v3, vm1, $0xb8;
	[tilespmem:$0xF180] =	vst v63  }
0xa8: {  	v3 =	vld [tilespmem:$0x90];
	_ =	sdelay $0x4  }
0xa9: {  	v53 =	vshrl.u32 v3, $0x3  }
0xaa: {  	v4 =	vmul.u32 $0x18, v53  }
0xab: {  	v3 =	vand.u32 $0x7, v3  }
0xac: {  	v3 =	vor.u32 v3, v4  }
0xad: {  	v4 =	vperm.xlane v3, v0;
	_ =	sdelay $0x1  }
0xae: {  	v4 =	vadd.s32 v1, v4;
	_ =	sdelay $0x1  }
0xaf: {  	v3 =	vperm.xlane v3, v2;
	_ =	sdelay $0x1  }
0xb0: {  	s28 =	simm.s32 $0xD980;
	v3 =	vadd.s32 v1, v3  }
0xb1: {  	[tilespmem:s28], [sflag:$0x2] =	stream.indirect_vreg.gather [hbm4b:s2+s3], $0x80, v4, vm0, $0xb8;
	[tilespmem:$0xF180] =	vst v63  }
0xb2: {  	s28 =	simm.s32 $0xE180  }
0xb3: {  	[tilespmem:s28], [sflag:$0x2] =	stream.indirect_vreg.gather [hbm4b:s4+s3], $0x80, v4, vm1, $0xb8;
	[tilespmem:$0xF180] =	vst v63  }
0xb4: {  	s28 =	simm.s32 $0xE580  }
0xb5: {  	[tilespmem:s28], [sflag:$0x2] =	stream.indirect_vreg.gather [hbm4b:s2+s3], $0x80, v3, vm0, $0xb8;
	[tilespmem:$0xF180] =	vst v63  }
0xb6: {  	s28 =	simm.s32 $0xED80  }
0xb7: {  	[tilespmem:s28], [sflag:$0x2] =	stream.indirect_vreg.gather [hbm4b:s4+s3], $0x80, v3, vm1, $0xb8;
	[tilespmem:$0xF180] =	vst v63  }
0xb8: {  	_ =	swait.ge [sflag:s6], $0x7800  }
0xb9: {  	[sflag:s6] =	ssyncset.done $0x0  }
0xba: {  	s28 =	simm.s32 $0x180;
	s26 =	rddreg [dreg:$0x4];
	[sflag:s6] =	ssyncadd.s32 $0xFFFF8800  }
0xbb: {  	[hbm4b:s26+s3] =	stream.linear.scatter [tilespmem:s28], [sflag:$0x3], $0x7800, $0x38;
	[tilespmem:$0xF180] =	vst v63  }
0xbc: {  	_ =	swait.ge [sflag:s23], $0x7800  }
0xbd: {  	[sflag:s23] =	ssyncset.done $0x0  }
0xbe: {  	[sflag:s23] =	ssyncadd.s32 $0xFFFF8800  }
0xbf: {  	v3 =	vld [tilespmem:$0xA0];
	_ =	sdelay $0x4  }
0xc0: {  	v54 =	vshrl.u32 v3, $0x3  }
0xc1: {  	v4 =	vmul.u32 $0x18, v54  }
0xc2: {  	v3 =	vand.u32 $0x7, v3  }
0xc3: {  	v3 =	vor.u32 v3, v4  }
0xc4: {  	v4 =	vperm.xlane v3, v0;
	_ =	sdelay $0x1  }
0xc5: {  	v4 =	vadd.s32 v1, v4;
	_ =	sdelay $0x1  }
0xc6: {  	v3 =	vperm.xlane v3, v2;
	_ =	sdelay $0x1  }
0xc7: {  	v3 =	vadd.s32 v1, v3  }
0xc8: {  	[tilespmem:s28], [sflag:$0x1] =	stream.indirect_vreg.gather [hbm4b:s2+s3], $0x80, v4, vm0, $0xb8;
	[tilespmem:$0xF180] =	vst v63  }
0xc9: {  	_ = 	snop  }
0xca: {  	[tilespmem:s29], [sflag:$0x1] =	stream.indirect_vreg.gather [hbm4b:s4+s3], $0x80, v4, vm1, $0xb8;
	[tilespmem:$0xF180] =	vst v63  }
0xcb: {  	_ = 	snop  }
0xcc: {  	[tilespmem:s30], [sflag:$0x1] =	stream.indirect_vreg.gather [hbm4b:s2+s3], $0x80, v3, vm0, $0xb8;
	[tilespmem:$0xF180] =	vst v63  }
0xcd: {  	_ = 	snop  }
0xce: {  	[tilespmem:s31], [sflag:$0x1] =	stream.indirect_vreg.gather [hbm4b:s4+s3], $0x80, v3, vm1, $0xb8;
	[tilespmem:$0xF180] =	vst v63  }
0xcf: {  	v3 =	vld [tilespmem:$0xB0];
	_ =	sdelay $0x4  }
0xd0: {  	v55 =	vshrl.u32 v3, $0x3  }
0xd1: {  	v4 =	vmul.u32 $0x18, v55  }
0xd2: {  	v3 =	vand.u32 $0x7, v3  }
0xd3: {  	v3 =	vor.u32 v3, v4  }
0xd4: {  	v4 =	vperm.xlane v3, v0;
	_ =	sdelay $0x1  }
0xd5: {  	v4 =	vadd.s32 v1, v4;
	_ =	sdelay $0x1  }
0xd6: {  	v3 =	vperm.xlane v3, v2;
	_ =	sdelay $0x1  }
0xd7: {  	v3 =	vadd.s32 v1, v3  }
0xd8: {  	[tilespmem:s1], [sflag:$0x1] =	stream.indirect_vreg.gather [hbm4b:s2+s3], $0x80, v4, vm0, $0xb8;
	[tilespmem:$0xF180] =	vst v63  }
0xd9: {  	_ = 	snop  }
0xda: {  	[tilespmem:s0], [sflag:$0x1] =	stream.indirect_vreg.gather [hbm4b:s4+s3], $0x80, v4, vm1, $0xb8;
	[tilespmem:$0xF180] =	vst v63  }
0xdb: {  	_ = 	snop  }
0xdc: {  	[tilespmem:s8], [sflag:$0x1] =	stream.indirect_vreg.gather [hbm4b:s2+s3], $0x80, v3, vm0, $0xb8;
	[tilespmem:$0xF180] =	vst v63  }
0xdd: {  	_ = 	snop  }
0xde: {  	[tilespmem:s9], [sflag:$0x1] =	stream.indirect_vreg.gather [hbm4b:s4+s3], $0x80, v3, vm1, $0xb8;
	[tilespmem:$0xF180] =	vst v63  }
0xdf: {  	v3 =	vld [tilespmem:$0xC0];
	_ =	sdelay $0x4  }
0xe0: {  	v56 =	vshrl.u32 v3, $0x3  }
0xe1: {  	v4 =	vmul.u32 $0x18, v56  }
0xe2: {  	v3 =	vand.u32 $0x7, v3  }
0xe3: {  	v3 =	vor.u32 v3, v4  }
0xe4: {  	v4 =	vperm.xlane v3, v0;
	_ =	sdelay $0x1  }
0xe5: {  	v4 =	vadd.s32 v1, v4;
	_ =	sdelay $0x1  }
0xe6: {  	v3 =	vperm.xlane v3, v2;
	_ =	sdelay $0x1  }
0xe7: {  	v3 =	vadd.s32 v1, v3  }
0xe8: {  	[tilespmem:s10], [sflag:$0x1] =	stream.indirect_vreg.gather [hbm4b:s2+s3], $0x80, v4, vm0, $0xb8;
	[tilespmem:$0xF180] =	vst v63  }
0xe9: {  	_ = 	snop  }
0xea: {  	[tilespmem:s11], [sflag:$0x1] =	stream.indirect_vreg.gather [hbm4b:s4+s3], $0x80, v4, vm1, $0xb8;
	[tilespmem:$0xF180] =	vst v63  }
0xeb: {  	_ = 	snop  }
0xec: {  	[tilespmem:s12], [sflag:$0x1] =	stream.indirect_vreg.gather [hbm4b:s2+s3], $0x80, v3, vm0, $0xb8;
	[tilespmem:$0xF180] =	vst v63  }
0xed: {  	_ = 	snop  }
0xee: {  	[tilespmem:s13], [sflag:$0x1] =	stream.indirect_vreg.gather [hbm4b:s4+s3], $0x80, v3, vm1, $0xb8;
	[tilespmem:$0xF180] =	vst v63  }
0xef: {  	v3 =	vld [tilespmem:$0xD0];
	_ =	sdelay $0x4  }
0xf0: {  	v57 =	vshrl.u32 v3, $0x3  }
0xf1: {  	v4 =	vmul.u32 $0x18, v57  }
0xf2: {  	v3 =	vand.u32 $0x7, v3  }
0xf3: {  	v3 =	vor.u32 v3, v4  }
0xf4: {  	v4 =	vperm.xlane v3, v0;
	_ =	sdelay $0x1  }
0xf5: {  	v4 =	vadd.s32 v1, v4;
	_ =	sdelay $0x1  }
0xf6: {  	v3 =	vperm.xlane v3, v2;
	_ =	sdelay $0x1  }
0xf7: {  	v3 =	vadd.s32 v1, v3  }
0xf8: {  	[tilespmem:s14], [sflag:$0x1] =	stream.indirect_vreg.gather [hbm4b:s2+s3], $0x80, v4, vm0, $0xb8;
	[tilespmem:$0xF180] =	vst v63  }
0xf9: {  	_ = 	snop  }
0xfa: {  	[tilespmem:s15], [sflag:$0x1] =	stream.indirect_vreg.gather [hbm4b:s4+s3], $0x80, v4, vm1, $0xb8;
	[tilespmem:$0xF180] =	vst v63  }
0xfb: {  	_ = 	snop  }
0xfc: {  	[tilespmem:s16], [sflag:$0x1] =	stream.indirect_vreg.gather [hbm4b:s2+s3], $0x80, v3, vm0, $0xb8;
	[tilespmem:$0xF180] =	vst v63  }
0xfd: {  	_ = 	snop  }
0xfe: {  	[tilespmem:s17], [sflag:$0x1] =	stream.indirect_vreg.gather [hbm4b:s4+s3], $0x80, v3, vm1, $0xb8;
	[tilespmem:$0xF180] =	vst v63  }
0xff: {  	v3 =	vld [tilespmem:$0xE0];
	_ =	sdelay $0x4  }
0x100: {  	v58 =	vshrl.u32 v3, $0x3  }
0x101: {  	v4 =	vmul.u32 $0x18, v58  }
0x102: {  	v3 =	vand.u32 $0x7, v3  }
0x103: {  	v3 =	vor.u32 v3, v4  }
0x104: {  	v4 =	vperm.xlane v3, v0;
	_ =	sdelay $0x1  }
0x105: {  	v4 =	vadd.s32 v1, v4;
	_ =	sdelay $0x1  }
0x106: {  	v3 =	vperm.xlane v3, v2;
	_ =	sdelay $0x1  }
0x107: {  	v3 =	vadd.s32 v1, v3  }
0x108: {  	[tilespmem:s18], [sflag:$0x1] =	stream.indirect_vreg.gather [hbm4b:s2+s3], $0x80, v4, vm0, $0xb8;
	[tilespmem:$0xF180] =	vst v63  }
0x109: {  	_ = 	snop  }
0x10a: {  	[tilespmem:s19], [sflag:$0x1] =	stream.indirect_vreg.gather [hbm4b:s4+s3], $0x80, v4, vm1, $0xb8;
	[tilespmem:$0xF180] =	vst v63  }
0x10b: {  	_ = 	snop  }
0x10c: {  	[tilespmem:s20], [sflag:$0x1] =	stream.indirect_vreg.gather [hbm4b:s2+s3], $0x80, v3, vm0, $0xb8;
	[tilespmem:$0xF180] =	vst v63  }
0x10d: {  	_ = 	snop  }
0x10e: {  	[tilespmem:s21], [sflag:$0x1] =	stream.indirect_vreg.gather [hbm4b:s4+s3], $0x80, v3, vm1, $0xb8;
	[tilespmem:$0xF180] =	vst v63  }
0x10f: {  	_ =	swait.ge [sflag:s24], $0x7800  }
0x110: {  	[sflag:s24] =	ssyncset.done $0x0  }
0x111: {  	s0 =	rddreg [dreg:$0x5];
	[sflag:s24] =	ssyncadd.s32 $0xFFFF8800  }
0x112: {  	[hbm4b:s0+s3] =	stream.linear.scatter [tilespmem:s22], [sflag:$0x4], $0x7800, $0x38;
	[tilespmem:$0xF180] =	vst v63  }
0x113: {  	_ =	swait.ge [sflag:s25], $0x7800  }
0x114: {  	[sflag:s25] =	ssyncset.done $0x0  }
0x115: {  	[sflag:s25] =	ssyncadd.s32 $0xFFFF8800  }
0x116: {  	v3 =	vld [tilespmem:$0xF0];
	_ =	sdelay $0x4  }
0x117: {  	v59 =	vshrl.u32 v3, $0x3  }
0x118: {  	v4 =	vmul.u32 $0x18, v59  }
0x119: {  	v3 =	vand.u32 $0x7, v3  }
0x11a: {  	v3 =	vor.u32 v3, v4  }
0x11b: {  	v4 =	vperm.xlane v3, v0;
	_ =	sdelay $0x1  }
0x11c: {  	v4 =	vadd.s32 v1, v4;
	_ =	sdelay $0x1  }
0x11d: {  	v3 =	vperm.xlane v3, v2;
	_ =	sdelay $0x1  }
0x11e: {  	v3 =	vadd.s32 v1, v3  }
0x11f: {  	[tilespmem:s22], [sflag:$0x2] =	stream.indirect_vreg.gather [hbm4b:s2+s3], $0x80, v4, vm0, $0xb8;
	[tilespmem:$0xF180] =	vst v63  }
0x120: {  	s26 =	simm.s32 $0x8180  }
0x121: {  	[tilespmem:s26], [sflag:$0x2] =	stream.indirect_vreg.gather [hbm4b:s4+s3], $0x80, v4, vm1, $0xb8;
	[tilespmem:$0xF180] =	vst v63  }
0x122: {  	_ = 	snop  }
0x123: {  	[tilespmem:s7], [sflag:$0x2] =	stream.indirect_vreg.gather [hbm4b:s2+s3], $0x80, v3, vm0, $0xb8;
	[tilespmem:$0xF180] =	vst v63  }
0x124: {  	s26 =	simm.s32 $0x8D80  }
0x125: {  	[tilespmem:s26], [sflag:$0x2] =	stream.indirect_vreg.gather [hbm4b:s4+s3], $0x80, v3, vm1, $0xb8;
	[tilespmem:$0xF180] =	vst v63  }
0x126: {  	v3 =	vld [tilespmem:$0x100];
	_ =	sdelay $0x4  }
0x127: {  	v60 =	vshrl.u32 v3, $0x3  }
0x128: {  	v4 =	vmul.u32 $0x18, v60  }
0x129: {  	v3 =	vand.u32 $0x7, v3  }
0x12a: {  	v3 =	vor.u32 v3, v4  }
0x12b: {  	v4 =	vperm.xlane v3, v0;
	_ =	sdelay $0x1  }
0x12c: {  	v4 =	vadd.s32 v1, v4;
	_ =	sdelay $0x1  }
0x12d: {  	v3 =	vperm.xlane v3, v2;
	_ =	sdelay $0x1  }
0x12e: {  	s7 =	simm.s32 $0x9180;
	v3 =	vadd.s32 v1, v3  }
0x12f: {  	[tilespmem:s7], [sflag:$0x2] =	stream.indirect_vreg.gather [hbm4b:s2+s3], $0x80, v4, vm0, $0xb8;
	[tilespmem:$0xF180] =	vst v63  }
0x130: {  	s26 =	simm.s32 $0x9980  }
0x131: {  	[tilespmem:s26], [sflag:$0x2] =	stream.indirect_vreg.gather [hbm4b:s4+s3], $0x80, v4, vm1, $0xb8;
	[tilespmem:$0xF180] =	vst v63  }
0x132: {  	s7 =	simm.s32 $0x9D80  }
0x133: {  	[tilespmem:s7], [sflag:$0x2] =	stream.indirect_vreg.gather [hbm4b:s2+s3], $0x80, v3, vm0, $0xb8;
	[tilespmem:$0xF180] =	vst v63  }
0x134: {  	s26 =	simm.s32 $0xA580  }
0x135: {  	[tilespmem:s26], [sflag:$0x2] =	stream.indirect_vreg.gather [hbm4b:s4+s3], $0x80, v3, vm1, $0xb8;
	[tilespmem:$0xF180] =	vst v63  }
0x136: {  	v3 =	vld [tilespmem:$0x110];
	_ =	sdelay $0x4  }
0x137: {  	v61 =	vshrl.u32 v3, $0x3  }
0x138: {  	v4 =	vmul.u32 $0x18, v61  }
0x139: {  	v3 =	vand.u32 $0x7, v3  }
0x13a: {  	v3 =	vor.u32 v3, v4  }
0x13b: {  	v4 =	vperm.xlane v3, v0;
	_ =	sdelay $0x1  }
0x13c: {  	v4 =	vadd.s32 v1, v4;
	_ =	sdelay $0x1  }
0x13d: {  	v3 =	vperm.xlane v3, v2;
	_ =	sdelay $0x1  }
0x13e: {  	s7 =	simm.s32 $0xA980;
	v3 =	vadd.s32 v1, v3  }
0x13f: {  	[tilespmem:s7], [sflag:$0x2] =	stream.indirect_vreg.gather [hbm4b:s2+s3], $0x80, v4, vm0, $0xb8;
	[tilespmem:$0xF180] =	vst v63  }
0x140: {  	s26 =	simm.s32 $0xB180  }
0x141: {  	[tilespmem:s26], [sflag:$0x2] =	stream.indirect_vreg.gather [hbm4b:s4+s3], $0x80, v4, vm1, $0xb8;
	[tilespmem:$0xF180] =	vst v63  }
0x142: {  	s7 =	simm.s32 $0xB580  }
0x143: {  	[tilespmem:s7], [sflag:$0x2] =	stream.indirect_vreg.gather [hbm4b:s2+s3], $0x80, v3, vm0, $0xb8;
	[tilespmem:$0xF180] =	vst v63  }
0x144: {  	s26 =	simm.s32 $0xBD80  }
0x145: {  	[tilespmem:s26], [sflag:$0x2] =	stream.indirect_vreg.gather [hbm4b:s4+s3], $0x80, v3, vm1, $0xb8;
	[tilespmem:$0xF180] =	vst v63  }
0x146: {  	v3 =	vld [tilespmem:$0x120];
	_ =	sdelay $0x4  }
0x147: {  	v62 =	vshrl.u32 v3, $0x3  }
0x148: {  	v4 =	vmul.u32 $0x18, v62  }
0x149: {  	v3 =	vand.u32 $0x7, v3  }
0x14a: {  	v3 =	vor.u32 v3, v4  }
0x14b: {  	v4 =	vperm.xlane v3, v0;
	_ =	sdelay $0x1  }
0x14c: {  	v4 =	vadd.s32 v1, v4;
	_ =	sdelay $0x1  }
0x14d: {  	v3 =	vperm.xlane v3, v2;
	_ =	sdelay $0x1  }
0x14e: {  	s7 =	simm.s32 $0xC180;
	v3 =	vadd.s32 v1, v3  }
0x14f: {  	[tilespmem:s7], [sflag:$0x2] =	stream.indirect_vreg.gather [hbm4b:s2+s3], $0x80, v4, vm0, $0xb8;
	[tilespmem:$0xF180] =	vst v63  }
0x150: {  	s26 =	simm.s32 $0xC980  }
0x151: {  	[tilespmem:s26], [sflag:$0x2] =	stream.indirect_vreg.gather [hbm4b:s4+s3], $0x80, v4, vm1, $0xb8;
	[tilespmem:$0xF180] =	vst v63  }
0x152: {  	s7 =	simm.s32 $0xCD80  }
0x153: {  	[tilespmem:s7], [sflag:$0x2] =	stream.indirect_vreg.gather [hbm4b:s2+s3], $0x80, v3, vm0, $0xb8;
	[tilespmem:$0xF180] =	vst v63  }
0x154: {  	s26 =	simm.s32 $0xD580  }
0x155: {  	[tilespmem:s26], [sflag:$0x2] =	stream.indirect_vreg.gather [hbm4b:s4+s3], $0x80, v3, vm1, $0xb8;
	[tilespmem:$0xF180] =	vst v63  }
0x156: {  	v3 =	vld [tilespmem:$0x130];
	_ =	sdelay $0x4  }
0x157: {  	v63 =	vshrl.u32 v3, $0x3  }
0x158: {  	v4 =	vmul.u32 $0x18, v63  }
0x159: {  	v3 =	vand.u32 $0x7, v3  }
0x15a: {  	v3 =	vor.u32 v3, v4  }
0x15b: {  	v4 =	vperm.xlane v3, v0;
	_ =	sdelay $0x1  }
0x15c: {  	v4 =	vadd.s32 v1, v4;
	_ =	sdelay $0x1  }
0x15d: {  	v3 =	vperm.xlane v3, v2;
	_ =	sdelay $0x1  }
0x15e: {  	s7 =	simm.s32 $0xD980;
	v3 =	vadd.s32 v1, v3  }
0x15f: {  	[tilespmem:s7], [sflag:$0x2] =	stream.indirect_vreg.gather [hbm4b:s2+s3], $0x80, v4, vm0, $0xb8;
	[tilespmem:$0xF180] =	vst v63  }
0x160: {  	s26 =	simm.s32 $0xE180  }
0x161: {  	[tilespmem:s26], [sflag:$0x2] =	stream.indirect_vreg.gather [hbm4b:s4+s3], $0x80, v4, vm1, $0xb8;
	[tilespmem:$0xF180] =	vst v63  }
0x162: {  	s7 =	simm.s32 $0xE580  }
0x163: {  	[tilespmem:s7], [sflag:$0x2] =	stream.indirect_vreg.gather [hbm4b:s2+s3], $0x80, v3, vm0, $0xb8;
	[tilespmem:$0xF180] =	vst v63  }
0x164: {  	s26 =	simm.s32 $0xED80  }
0x165: {  	[tilespmem:s26], [sflag:$0x2] =	stream.indirect_vreg.gather [hbm4b:s4+s3], $0x80, v3, vm1, $0xb8;
	[tilespmem:$0xF180] =	vst v63  }
0x166: {  	_ =	swait.ge [sflag:s6], $0x7800  }
0x167: {  	[sflag:s6] =	ssyncset.done $0x0  }
0x168: {  	s28 =	simm.s32 $0x180;
	s7 =	rddreg [dreg:$0x6];
	[sflag:s6] =	ssyncadd.s32 $0xFFFF8800  }
0x169: {  	[hbm4b:s7+s3] =	stream.linear.scatter [tilespmem:s28], [sflag:$0x3], $0x7800, $0x38;
	[tilespmem:$0xF180] =	vst v63  }
0x16a: {  	_ =	swait.ge [sflag:s24], $0x7800  }
0x16b: {  	[sflag:s24] =	ssyncset.done $0x0  }
0x16c: {  	s28 =	rddreg [dreg:$0x7];
	[sflag:s24] =	ssyncadd.s32 $0xFFFF8800  }
0x16d: {  	[hbm4b:s28+s3] =	stream.linear.scatter [tilespmem:s22], [sflag:$0x4], $0x7800, $0x38;
	[tilespmem:$0xF180] =	vst v63  }
0x16e: {  	p0 =	sne.s32 s5, $0x1;
	_ =	swait.ge [sflag:s23], $0x7800  }
.Ltmp0:
0x16f: {  	[sflag:s23] =	ssyncset.done $0x0;
	(pc) =	sbr.rel @p0 .LBB2_1-.Ltmp0, $4  }
0x170: {  	[sflag:s23] =	ssyncadd.s32 $0xFFFF8800  }
0x171: {  	_ =	swait.ge [sflag:s25], $0x7800  }
0x172: {  	[sflag:s25] =	ssyncset.done $0x0  }
0x173: {  	s5 =	sadd.s32 $0xFFFFFFFF, s5;
	[sflag:s25] =	ssyncadd.s32 $0xFFFF8800  }
0x174: {  	_ =	sfence.sel $0x180000  }
0x175: {  	[bflag:$0x0] =	sbarrier.arrive $0xFFFF  }
0x176: {  	_ =	strace $0x9000004D  }
0x177: {  	s0 =	stileid.u32;
	[bflag:$0x2] =	sbarrier.arrive $0xFFFF  }
0x178: {  	p0 =	sne.s32 s0, $0x0;
	s0 =	rddreg [dreg:$0x2]  }
0x179: {  	s0 =	sadd.s32 @!p0 $0x100000, s0  }
0x17a: {  	[sflag:s0] =	ssyncadd.tile.s32 @!p0 $0x1;
	_ =	shalt  }
.Lfunc_end2:
_tile_overlayer_lowered:
.L_overlay_start_2:
0x17b: {  	(tag) =	ssettag $0x2  }
0x17c: {  	s0 =	rddreg [dreg:$0x0];
	s2 =	stileid.u32  }
0x17d: {  	s1 =	rddreg [dreg:$0x1];
	p0 =	sne.s32 s2, $0x0  }
0x17e: {  	s3 =	rddreg [dreg:$0x2];
	[bflag:$0x3] =	sbarrier.arrive $0xFFFF;
	s2 =	simm.s32 @!p0 $0x1C05  }
0x17f: {  	[timem:s3], [sflag:s2] =	dma.local @!p0 [hbm:s0], s1  }
0x180: {  	s0 =	simm.s32 @!p0 $0x5  }
0x181: {  	_ =	swait.ge @!p0 [sflag:s0], s1  }
0x182: {  	s1 =	ssub.s32 @!p0 $0x0, s1;
	[sflag:s0] =	ssyncset.done @!p0 $0x0  }
0x183: {  	[sflag:s0] =	ssyncadd.s32 @!p0 s1  }
0x184: {  	[bflag:$0x3] =	sbarrier.arrive $0xFFFF  }
0x185: {  	_ =	shalt  }

// kernel: kernel.18.cloned.1.call-start
scs
__scs_entry_jumppad:
0x0: {  	(pc) =	sbr.rel $0x88, $3  }
0x1: {  	(tag) =	ssettag $0x0;
	lr =	simm.s32 $0x1  }
0x2: {  	[smem:$0x3F93] =	sst lr;
	_ =	strace $0xD0000000  }
0x3: {  	_ = 	snop  }
0x4: {  	_ = 	snop  }
0x5: {  	_ = 	snop  }
0x6: {  	_ = 	snop  }
0x7: {  	_ = 	snop  }
__scs_overlays_trampoline_lowered:
0x8: {  	[smem:$0x3FA2] =	sst s0  }
0x9: {  	[smem:$0x3FA3] =	sst s1  }
0xa: {  	[smem:$0x3FA4] =	sst s2  }
0xb: {  	[smem:$0x3FA5] =	sst s3  }
0xc: {  	[smem:$0x3FA6] =	sst s4  }
0xd: {  	[smem:$0x3FA7] =	sst s5  }
0xe: {  	[smem:$0x3FA8] =	sst s6  }
0xf: {  	[smem:$0x3FA9] =	sst s7  }
0x10: {  	[smem:$0x3FAA] =	sst s8  }
0x11: {  	[smem:$0x3FAB] =	sst s9;
	s0 =	simm.s32 @!p0 $0x0  }
0x12: {  	s1 =	sld [smem:$0x3F91];
	s0 =	simm.s32 @p0 $0x1  }
0x13: {  	[smem:$0x3FAC] =	sst s0;
	s0 =	simm.s32 @!p1 $0x0  }
0x14: {  	s2 =	sld [smem:$0x3F90];
	s0 =	simm.s32 @p1 $0x1  }
0x15: {  	[smem:$0x3FAD] =	sst s0;
	s0 =	simm.s32 @!p2 $0x0  }
0x16: {  	s3 =	sld [smem:$0x3FDB];
	s0 =	simm.s32 @p2 $0x1  }
0x17: {  	s4 =	simm.s32 $0x1BF5;
	[smem:$0x3FAF] =	sst s0  }
0x18: {  	s0 =	sld [smem:$0x3F92];
	_ =	swait.ge [sflag:s4], $0x0  }
0x19: {  	s7 =	sld [smem:$0x3F93]  }
0x1a: {  	s8 =	sadd.s32 $0xFFFFE003, lr  }
0x1b: {  	s9 =	sadd.s32 $0xFFFFFEF7, lr;
	s5 =	simm.s32 $0xFFFFFFFF;
	p2 =	slt.u32 s8, $0xFFFFF086  }
0x1c: {  	p1 =	slt.u32 s9, $0xF7A;
	s5 =	simm.s32 @!p2 $0x0  }
0x1d: {  	s5 =	simm.s32 @p1 $0x1;
	p0 =	seq.s32 s7, s2  }
0x1e: {  	s7 =	smul.u32 @!p0 $0xF7A, s2;
	p2 =	seq.s32 @!p0 s5, $0x0  }
0x1f: {  	s9 =	smul.u32 $0xF7A, s1;
	s8 =	simm.s32 @!p0 $0x1BF5;
	p2 =	por !p2, p0  }
0x20: {  	[sflag:s8] =	ssyncset.s32 @!p0 $0xFFFFF086;
	s6 =	sadd.s32 @!p0 s3, s7;
	s7 =	simm.s32 @!p0 $0x108  }
0x21: {  	s3 =	sadd.s32 s3, s9;
	s6 =	sadd.s32 @!p0 $0x88, s6;
	s7 =	simm.s32 @p2 $0x1082  }
0x22: {  	[simem:s7], [sflag:s8] =	dma.local @!p0 [hbm:s6], $0xF7A  }
0x23: {  	s9 =	sor.u32 $0xD0000000, s2;
	s6 =	simm.s32 $0x108;
	_ =	swait.ge @!p0 [sflag:s8], $0x0  }
0x24: {  	s3 =	sadd.s32 $0x88, s3;
	s6 =	simm.s32 @!p1 $0x1082;
	[sflag:s4] =	ssyncset.s32 $0xFFFFF086  }
0x25: {  	[simem:s6], [sflag:s4] =	dma.local [hbm:s3], $0xF7A  }
0x26: {  	[smem:$0x3F93] =	sst s1;
	(tag) =	ssettag s2;
	_ =	strace s9  }
0x27: {  	s1 =	sld [smem:$0x3FA3]  }
0x28: {  	s2 =	sld [smem:$0x3FA4]  }
0x29: {  	s4 =	sld [smem:$0x3FA6]  }
0x2a: {  	p0 =	seq.s32 s5, $0x0;
	s5 =	sld [smem:$0x3FA7]  }
0x2b: {  	s6 =	sld [smem:$0x3FA8]  }
0x2c: {  	s7 =	sld [smem:$0x3FA9]  }
0x2d: {  	s3 =	simm.s32 $0x108;
	s8 =	sld [smem:$0x3FAA]  }
0x2e: {  	s3 =	simm.s32 @!p0 $0x1082;
	s9 =	sld [smem:$0x3FAB]  }
0x2f: {  	lr =	sadd.s32 s0, s3;
	s0 =	sld [smem:$0x3FA2]  }
0x30: {  	s3 =	sld [smem:$0x3FA5]  }
0x31: {  	[smem:$0x3FAE] =	sst s10  }
0x32: {  	s10 =	sld [smem:$0x3FAC];
	_ =	sdelay $0x3  }
0x33: {  	p0 =	seq.s32 s10, $0x1;
	s10 =	sld [smem:$0x3FAE];
	_ =	sdelay $0x3  }
0x34: {  	[smem:$0x3FAE] =	sst s10  }
0x35: {  	s10 =	sld [smem:$0x3FAD];
	_ =	sdelay $0x3  }
0x36: {  	p1 =	seq.s32 s10, $0x1;
	s10 =	sld [smem:$0x3FAE];
	_ =	sdelay $0x3  }
0x37: {  	[smem:$0x3FAE] =	sst s10  }
0x38: {  	s10 =	sld [smem:$0x3FAF]  }
0x39: {  	_ = 	snop;
	(pc) =	sbr.ind lr, $3  }
0x3a: {  	_ = 	snop  }
0x3b: {  	_ = 	snop  }
0x3c: {  	p2 =	seq.s32 s10, $0x1;
	s10 =	sld [smem:$0x3FAE]  }
0x3d: {  	_ =	shalt  }
0x3e: {  	_ =	shalt  }
0x3f: {  	_ =	shalt  }
0x40: {  	_ =	shalt  }
0x41: {  	_ =	shalt  }
0x42: {  	_ =	shalt  }
0x43: {  	_ =	shalt  }
0x44: {  	_ =	shalt  }
0x45: {  	_ =	shalt  }
0x46: {  	_ =	shalt  }
0x47: {  	_ =	shalt  }
0x48: {  	_ =	shalt  }
0x49: {  	_ =	shalt  }
0x4a: {  	_ =	shalt  }
0x4b: {  	_ =	shalt  }
0x4c: {  	_ =	shalt  }
0x4d: {  	_ =	shalt  }
0x4e: {  	_ =	shalt  }
0x4f: {  	_ =	shalt  }
0x50: {  	_ =	shalt  }
0x51: {  	_ =	shalt  }
0x52: {  	_ =	shalt  }
0x53: {  	_ =	shalt  }
0x54: {  	_ =	shalt  }
0x55: {  	_ =	shalt  }
0x56: {  	_ =	shalt  }
0x57: {  	_ =	shalt  }
0x58: {  	_ =	shalt  }
0x59: {  	_ =	shalt  }
0x5a: {  	_ =	shalt  }
0x5b: {  	_ =	shalt  }
0x5c: {  	_ =	shalt  }
0x5d: {  	_ =	shalt  }
0x5e: {  	_ =	shalt  }
0x5f: {  	_ =	shalt  }
0x60: {  	_ =	shalt  }
0x61: {  	_ =	shalt  }
0x62: {  	_ =	shalt  }
0x63: {  	_ =	shalt  }
0x64: {  	_ =	shalt  }
0x65: {  	_ =	shalt  }
0x66: {  	_ =	shalt  }
0x67: {  	_ =	shalt  }
0x68: {  	_ =	shalt  }
0x69: {  	_ =	shalt  }
0x6a: {  	_ =	shalt  }
0x6b: {  	_ =	shalt  }
0x6c: {  	_ =	shalt  }
0x6d: {  	_ =	shalt  }
0x6e: {  	_ =	shalt  }
0x6f: {  	_ =	shalt  }
0x70: {  	_ =	shalt  }
0x71: {  	_ =	shalt  }
0x72: {  	_ =	shalt  }
0x73: {  	_ =	shalt  }
0x74: {  	_ =	shalt  }
0x75: {  	_ =	shalt  }
0x76: {  	_ =	shalt  }
0x77: {  	_ =	shalt  }
0x78: {  	_ =	shalt  }
0x79: {  	_ =	shalt  }
0x7a: {  	_ =	shalt  }
0x7b: {  	_ =	shalt  }
0x7c: {  	_ =	shalt  }
0x7d: {  	_ =	shalt  }
0x7e: {  	_ =	shalt  }
0x7f: {  	_ =	shalt  }
0x80: {  	_ =	shalt  }
0x81: {  	_ =	shalt  }
0x82: {  	_ =	shalt  }
0x83: {  	_ =	shalt  }
0x84: {  	_ =	shalt  }
0x85: {  	_ =	shalt  }
0x86: {  	_ =	shalt  }
0x87: {  	_ =	shalt  }
.Lfunc_end0:
.L_simem_size_0:
called_computation.3_lowered:
.L_overlay_start_0:
0x88: {  	s2 =	sld [smem:$0x3FD9]  }
0x89: {  	s3 =	sld [smem:$0x3FFE];
	_ =	sdelay $0x1  }
0x8a: {  	s1 =	srdreg.scid  }
0x8b: {  	s0 =	sand.u32 $0x1, s1  }
0x8c: {  	s17 =	sshll.u32 s0, $0xA;
	s2 =	sadd.s32 s3, s2  }
0x8d: {  	s2 =	sadd.s32 s2, s17  }
0x8e: {  	[smem:$0x3FBA] =	sst s2  }
0x8f: {  	_ = 	snop  }
0x90: {  	s2 =	sld [smem:$0x3FD0];
	(tm) =	ssettm $0x1  }
0x91: {  	s18 =	sld [smem:$0x3FFB];
	_ =	sdelay $0x3  }
0x92: {  	_ =	strace s18  }
0x93: {  	s3 =	sld [smem:$0x3FFC];
	_ =	sdelay $0x3  }
0x94: {  	_ =	strace s3  }
0x95: {  	s3 =	sld [smem:$0x3FFD];
	_ =	sdelay $0x3  }
0x96: {  	_ =	strace s3  }
0x97: {  	_ =	strace $0x8FFFFFFF  }
0x98: {  	s19 =	sld [smem:$0x3FDB];
	_ =	sdelay $0x1  }
0x99: {  	s4 =	simm.s32 $_scs_section_size  }
0x9a: {  	s5 =	simm.s32 $_size__tile_overlayer_lowered;
	s6 =	simm.s32 $_tile_overlayer_lowered  }
0x9b: {  	s22 =	simm.s32 $0x1BFF;
	s21 =	sshll.u32 s6, $0x1;
	s3 =	sadd.s32 s4, s19  }
0x9c: {  	s7 =	simm.s32 $0x0;
	s20 =	sshll.u32 s5, $0x1;
	s5 =	sadd.s32 s21, s3  }
0x9d: {  	[timem:s7], [sflag:s22] =	dma.local [hbm:s5], s20  }
0x9e: {  	_ =	swait.ge [sflag:s22], s20  }
0x9f: {  	s4 =	ssub.s32 $0x0, s20;
	[sflag:s22] =	ssyncset.done $0x0  }
0xa0: {  	[sflag:s22] =	ssyncadd.s32 s4;
	_ =	sdelay $0x1  }
0xa1: {  	s23 =	simm.s32 $0x1B8B  }
0xa2: {  	_ =	swait.ge [sflag:s23], $0x1  }
0xa3: {  	[sflag:s23] =	ssyncset.done $0x0  }
0xa4: {  	s25 =	simm.s32 $0x1B8E;
	s24 =	sld [smem:$0x3FFE];
	[sflag:s23] =	ssyncadd.s32 $0xFFFFFFFF  }
0xa5: {  	s26 =	simm.s32 $execute0_lowered;
	[smem:$0x3FD2] =	sst s25  }
0xa6: {  	s5 =	sshll.u32 s26, $0x1;
	_ =	strace $0x8000004F;
	[dreg:$0x1] =	wrdreg $0xFFFFFFFF  }
0xa7: {  	s28 =	simm.s32 $_size_execute0_lowered;
	s3 =	sadd.s32 s3, s5;
	[dreg:$0x0] =	wrdreg $0x0  }
0xa8: {  	s5 =	sshll.u32 s28, $0x1;
	[dreg:$0x2] =	wrdreg s3  }
0xa9: {  	[dreg:$0x3] =	wrdreg s5  }
0xaa: {  	[dreg:$0x4] =	wrdreg $0xC0  }
0xab: {  	_ =	task [dreg:s7], $0x5FFFF  }
0xac: {  	[dreg:$0x1] =	wrdreg $0xFFFFFFFF  }
0xad: {  	[dreg:$0x0] =	wrdreg $0x60  }
0xae: {  	[dreg:$0x2] =	wrdreg s24  }
0xaf: {  	[dreg:$0x3] =	wrdreg s2  }
0xb0: {  	[dreg:$0x4] =	wrdreg $0x9  }
0xb1: {  	_ =	task.clear_ibuf [dreg:s7], $0x5FFFF;
	_ =	strace $0x9000004F  }
0xb2: {  	s29 =	simm.s32 $0x9;
	_ =	strace $0x80000051  }
0xb3: {  	_ =	swait.ge [sflag:s29], $0x1  }
0xb4: {  	[sflag:s29] =	ssyncadd.s32 $0xFFFFFFFF  }
0xb5: {  	_ =	strace $0x90000051  }
0xb6: {  	_ =	sfence  }
0xb7: {  	s30 =	sld [smem:$0x0];
	_ =	sdelay $0x2  }
0xb8: {  	s31 =	sshll.u32 s1, $0xD;
	s1 =	sshrl.u32 s1, $0x2  }
0xb9: {  	s3 =	sand.u32 $0x4000, s31;
	s1 =	sadd.s32 s1, s30  }
0xba: {  	s0 =	sor.u32 s3, s0;
	s1 =	sshll.u32 s1, $0x11  }
0xbb: {  	s0 =	sor.u32 s1, s0  }
0xbc: {  	s0 =	sadd.s32 $0x8F2B, s0  }
0xbd: {  	[sflag:s0] =	ssyncadd.remote.s32 $0x1  }
0xbe: {  	_ =	sfence.sel $0xFFFF  }
0xbf: {  	[dreg:$0x0] =	wrdreg $0xFFFFFFFF;
	(pc) =	sbr.abs _section_cstart, $3  }
0xc0: {  	[dreg:$0x1] =	wrdreg $0xFFFFFFFF  }
0xc1: {  	_ =	task.clear_ibuf [dreg:s7], $0x2FFFF;
	_ =	strace $0x9FFFFFFF  }
0xc2: {  	(tm) =	ssettm $0x7FFFFFFF  }
0xc3: {  	_ =	shalt  }
tec
execute0_lowered:
.L_overlay_start_1:
0x0: {  	(tag) =	ssettag $0x1  }
0x1: {  	s2 =	srdreg.scid;
	s1 =	rddreg [dreg:$0x0]  }
0x2: {  	s3 =	rddreg [dreg:$0x1];
	s4 =	sand.u32 $0x1, s2;
	s2 =	simm.s32 $0x0  }
0x3: {  	s8 =	simm.s32 $0x1500;
	[smem:$0x7FF] =	sst s2  }
0x4: {  	s9 =	simm.s32 $0x1900;
	_ =	strace $0x80000050;
	[dreg:$0xa] =	wrdreg s8  }
0x5: {  	s10 =	simm.s32 $0x2100;
	[dreg:$0xb] =	wrdreg s9  }
0x6: {  	s11 =	simm.s32 $0x2500;
	[dreg:$0xc] =	wrdreg s10  }
0x7: {  	s12 =	simm.s32 $0x2D00;
	[dreg:$0xd] =	wrdreg s11  }
0x8: {  	s13 =	simm.s32 $0x3100;
	[dreg:$0xe] =	wrdreg s12  }
0x9: {  	s14 =	simm.s32 $0x3900;
	[dreg:$0xf] =	wrdreg s13  }
0xa: {  	s15 =	simm.s32 $0x3D00;
	[dreg:$0x10] =	wrdreg s14  }
0xb: {  	s16 =	simm.s32 $0x4500;
	[dreg:$0x11] =	wrdreg s15  }
0xc: {  	s17 =	simm.s32 $0x4900;
	[dreg:$0x12] =	wrdreg s16  }
0xd: {  	s18 =	simm.s32 $0x5100;
	[dreg:$0x13] =	wrdreg s17  }
0xe: {  	s19 =	simm.s32 $0x5500;
	[dreg:$0x14] =	wrdreg s18  }
0xf: {  	s20 =	simm.s32 $0x5D00;
	[dreg:$0x15] =	wrdreg s19  }
0x10: {  	s21 =	simm.s32 $0x6100;
	[dreg:$0x16] =	wrdreg s20  }
0x11: {  	s22 =	simm.s32 $0x6900;
	[dreg:$0x17] =	wrdreg s21  }
0x12: {  	s23 =	simm.s32 $0x6D00;
	[dreg:$0x18] =	wrdreg s22  }
0x13: {  	s24 =	simm.s32 $0x7500;
	[dreg:$0x19] =	wrdreg s23  }
0x14: {  	s25 =	simm.s32 $0x7900;
	[dreg:$0x1a] =	wrdreg s24  }
0x15: {  	[dreg:$0x1b] =	wrdreg s25;
	s8 =	simm.s32 $0x9D00  }
0x16: {  	s9 =	simm.s32 $0xA500;
	[smem:$0x7EC] =	sst s8  }
0x17: {  	s10 =	simm.s32 $0xA900;
	[smem:$0x7ED] =	sst s9  }
0x18: {  	s11 =	simm.s32 $0xB100;
	[smem:$0x7EE] =	sst s10  }
0x19: {  	s12 =	simm.s32 $0xB500;
	[smem:$0x7EF] =	sst s11  }
0x1a: {  	s13 =	simm.s32 $0xBD00;
	[smem:$0x7F0] =	sst s12  }
0x1b: {  	s0 =	stileid.u32;
	s14 =	simm.s32 $0xC900;
	[smem:$0x7F1] =	sst s13  }
0x1c: {  	s28 =	simm.s32 $0x17D00;
	s15 =	simm.s32 $0xCD00;
	[smem:$0x7F2] =	sst s14  }
0x1d: {  	s29 =	simm.s32 $0x1;
	s16 =	simm.s32 $0xD500;
	[smem:$0x7F3] =	sst s15  }
0x1e: {  	s30 =	simm.s32 $0x2;
	s17 =	simm.s32 $0xD900;
	[smem:$0x7F4] =	sst s16  }
0x1f: {  	s31 =	simm.s32 $0x3;
	s18 =	simm.s32 $0xE100;
	[smem:$0x7F5] =	sst s17  }
0x20: {  	s5 =	sshll.u32 s0, $0x5;
	s20 =	simm.s32 $0xE500;
	[smem:$0x7F6] =	sst s18  }
0x21: {  	s6 =	sshll.u32 s4, $0x4;
	s21 =	simm.s32 $0xED00;
	[smem:$0x7F7] =	sst s20  }
0x22: {  	s4 =	ssub.s32 $0x2, s4;
	s22 =	simm.s32 $0xF100;
	[smem:$0x7F8] =	sst s21  }
0x23: {  	s5 =	sor.u32 s6, s5;
	s23 =	simm.s32 $0xF900;
	[smem:$0x7F9] =	sst s22  }
0x24: {  	s19 =	sshrl.u32 s4, $0x1;
	s24 =	simm.s32 $0xFD00;
	[smem:$0x7FA] =	sst s23  }
0x25: {  	s25 =	simm.s32 $0x10500;
	s6 =	sadd.s32 s5, s1;
	[smem:$0x7FB] =	sst s24  }
0x26: {  	s5 =	smul.u32 $0x180, s5;
	s8 =	simm.s32 $0xC100;
	[smem:$0x7FC] =	sst s25  }
0x27: {  	s10 =	simm.s32 $0x11500;
	s11 =	simm.s32 $0x11D00;
	s12 =	simm.s32 $0x12100  }
0x28: {  	s13 =	simm.s32 $0x12900;
	s14 =	simm.s32 $0x12D00;
	s15 =	simm.s32 $0x13500  }
0x29: {  	s16 =	simm.s32 $0x13900;
	s17 =	simm.s32 $0x14100;
	s7 =	sadd.s32 $0x62C00, s6  }
0x2a: {  	s18 =	simm.s32 $0x14500;
	s6 =	sadd.s32 $0x62E00, s6;
	[dreg:$0x3] =	wrdreg s7  }
0x2b: {  	s20 =	simm.s32 $0x15100;
	[dreg:$0x4] =	wrdreg s6;
	s3 =	sadd.s32 s3, s5  }
0x2c: {  	s26 =	sadd.s32 s5, s1;
	s5 =	simm.s32 $0x80;
	[dreg:$0x5] =	wrdreg s3  }
0x2d: {  	s21 =	simm.s32 $0x15900;
	s6 =	simm.s32 $0x900;
	[dreg:$0x7] =	wrdreg s5  }
0x2e: {  	s22 =	simm.s32 $0x15D00;
	s7 =	simm.s32 $0xD00;
	[dreg:$0x8] =	wrdreg s6  }
0x2f: {  	s23 =	simm.s32 $0x16500;
	s0 =	sadd.s32 $0xDB000, s26;
	[dreg:$0x9] =	wrdreg s7  }
0x30: {  	s24 =	simm.s32 $0x16900;
	s26 =	simm.s32 $0x8100;
	[dreg:$0x6] =	wrdreg s0  }
0x31: {  	s25 =	simm.s32 $0x17100;
	s5 =	simm.s32 $0x8D00;
	[dreg:$0x1c] =	wrdreg s26  }
0x32: {  	s6 =	simm.s32 $0x9100;
	s7 =	simm.s32 $0x9900;
	[dreg:$0x1e] =	wrdreg s5  }
0x33: {  	s3 =	sadd.s32 $0x63000, s1;
	s0 =	simm.s32 $0x8500;
	[dreg:$0x1f] =	wrdreg s6  }
0x34: {  	[smem:$0x7EB] =	sst s7;
	s6 =	ssub.s32 s4, s19;
	s4 =	sadd.s32 $0x63100, s1  }
0x35: {  	v2 =	vlaneseq.u32;
	s7 =	simm.s32 $0x100;
	s26 =	simm.s32 $0x10900;
	s19 =	simm.s32 $0x14D00  }
0x36: {  	vm0 =	vmmov $0xffff;
	vm1 =	vmmov $0xff;
	v1 =	vshrl.u32 v2, $0x3;
	s1 =	simm.s32 $0x4;
	[dreg:$0x1d] =	wrdreg s0;
	s5 =	smax.u32 s6, $0x1  }
0x37: {  	v0 =	vand.u32 $0x7, v2;
	v2 =	vor.u32 $0x8, v2;
	v1 =	vmul.u32 $0x8, v1;
	s6 =	simm.s32 $0x5;
	[smem:$0x7FD] =	sst s26;
	s26 =	simm.s32 $0x17500  }
.LBB2_1:
0x38: {  	s0 =	rddreg [dreg:$0x3]  }
0x39: {  	[tilespmem:s2], [sflag:$0x5] =	stream.linear.gather [hbm4b:s0+s2], $0x80, $0x38;
	[tilespmem:$0x18100] =	vst v63  }
0x3a: {  	_ =	swait.ge [sflag:s6], $0x80  }
0x3b: {  	s0 =	rddreg [dreg:$0x4];
	[sflag:s6] =	ssyncset.done $0x0  }
0x3c: {  	s9 =	rddreg [dreg:$0x7];
	[sflag:s6] =	ssyncadd.s32 $0xFFFFFF80  }
0x3d: {  	[tilespmem:s9], [sflag:$0x5] =	stream.linear.gather [hbm4b:s0+s2], $0x80, $0x38;
	[tilespmem:$0x18100] =	vst v63  }
0x3e: {  	_ =	swait.ge [sflag:s6], $0x80  }
0x3f: {  	[sflag:s6] =	ssyncset.done $0x0  }
0x40: {  	[sflag:s6] =	ssyncadd.s32 $0xFFFFFF80  }
0x41: {  	v3 =	vld [tilespmem:$0x0];
	_ =	sdelay $0x4  }
0x42: {  	v4 =	vshrl.u32 v3, $0x3  }
0x43: {  	v4 =	vmul.u32 $0x18, v4  }
0x44: {  	v3 =	vand.u32 $0x7, v3  }
0x45: {  	v3 =	vor.u32 v3, v4  }
0x46: {  	v4 =	vperm.xlane v3, v0;
	_ =	sdelay $0x1  }
0x47: {  	v4 =	vadd.s32 v1, v4;
	_ =	sdelay $0x1  }
0x48: {  	v3 =	vperm.xlane v3, v2;
	_ =	sdelay $0x1  }
0x49: {  	v3 =	vadd.s32 v1, v3  }
0x4a: {  	[tilespmem:s7], [sflag:$0x1] =	stream.indirect_vreg.gather [hbm4b:s3+s2], $0x80, v4, vm0, $0xb8;
	[tilespmem:$0x18100] =	vst v63  }
0x4b: {  	s0 =	rddreg [dreg:$0x8]  }
0x4c: {  	[tilespmem:s0], [sflag:$0x1] =	stream.indirect_vreg.gather [hbm4b:s4+s2], $0x80, v4, vm1, $0xb8;
	[tilespmem:$0x18100] =	vst v63  }
0x4d: {  	s9 =	rddreg [dreg:$0x9]  }
0x4e: {  	[tilespmem:s9], [sflag:$0x1] =	stream.indirect_vreg.gather [hbm4b:s3+s2], $0x80, v3, vm0, $0xb8;
	[tilespmem:$0x18100] =	vst v63  }
0x4f: {  	s0 =	rddreg [dreg:$0xa]  }
0x50: {  	[tilespmem:s0], [sflag:$0x1] =	stream.indirect_vreg.gather [hbm4b:s4+s2], $0x80, v3, vm1, $0xb8;
	[tilespmem:$0x18100] =	vst v63  }
0x51: {  	v3 =	vld [tilespmem:$0x10];
	_ =	sdelay $0x4  }
0x52: {  	v49 =	vshrl.u32 v3, $0x3  }
0x53: {  	v4 =	vmul.u32 $0x18, v49  }
0x54: {  	v3 =	vand.u32 $0x7, v3  }
0x55: {  	v3 =	vor.u32 v3, v4  }
0x56: {  	v4 =	vperm.xlane v3, v0;
	_ =	sdelay $0x1  }
0x57: {  	v4 =	vadd.s32 v1, v4;
	_ =	sdelay $0x1  }
0x58: {  	v3 =	vperm.xlane v3, v2;
	_ =	sdelay $0x1  }
0x59: {  	s0 =	rddreg [dreg:$0xb];
	v3 =	vadd.s32 v1, v3  }
0x5a: {  	[tilespmem:s0], [sflag:$0x1] =	stream.indirect_vreg.gather [hbm4b:s3+s2], $0x80, v4, vm0, $0xb8;
	[tilespmem:$0x18100] =	vst v63  }
0x5b: {  	s9 =	rddreg [dreg:$0xc]  }
0x5c: {  	[tilespmem:s9], [sflag:$0x1] =	stream.indirect_vreg.gather [hbm4b:s4+s2], $0x80, v4, vm1, $0xb8;
	[tilespmem:$0x18100] =	vst v63  }
0x5d: {  	s0 =	rddreg [dreg:$0xd]  }
0x5e: {  	[tilespmem:s0], [sflag:$0x1] =	stream.indirect_vreg.gather [hbm4b:s3+s2], $0x80, v3, vm0, $0xb8;
	[tilespmem:$0x18100] =	vst v63  }
0x5f: {  	s9 =	rddreg [dreg:$0xe]  }
0x60: {  	[tilespmem:s9], [sflag:$0x1] =	stream.indirect_vreg.gather [hbm4b:s4+s2], $0x80, v3, vm1, $0xb8;
	[tilespmem:$0x18100] =	vst v63  }
0x61: {  	v3 =	vld [tilespmem:$0x20];
	_ =	sdelay $0x4  }
0x62: {  	v50 =	vshrl.u32 v3, $0x3  }
0x63: {  	v4 =	vmul.u32 $0x18, v50  }
0x64: {  	v3 =	vand.u32 $0x7, v3  }
0x65: {  	v3 =	vor.u32 v3, v4  }
0x66: {  	v4 =	vperm.xlane v3, v0;
	_ =	sdelay $0x1  }
0x67: {  	v4 =	vadd.s32 v1, v4;
	_ =	sdelay $0x1  }
0x68: {  	v3 =	vperm.xlane v3, v2;
	_ =	sdelay $0x1  }
0x69: {  	s0 =	rddreg [dreg:$0xf];
	v3 =	vadd.s32 v1, v3  }
0x6a: {  	[tilespmem:s0], [sflag:$0x1] =	stream.indirect_vreg.gather [hbm4b:s3+s2], $0x80, v4, vm0, $0xb8;
	[tilespmem:$0x18100] =	vst v63  }
0x6b: {  	s9 =	rddreg [dreg:$0x10]  }
0x6c: {  	[tilespmem:s9], [sflag:$0x1] =	stream.indirect_vreg.gather [hbm4b:s4+s2], $0x80, v4, vm1, $0xb8;
	[tilespmem:$0x18100] =	vst v63  }
0x6d: {  	s0 =	rddreg [dreg:$0x11]  }
0x6e: {  	[tilespmem:s0], [sflag:$0x1] =	stream.indirect_vreg.gather [hbm4b:s3+s2], $0x80, v3, vm0, $0xb8;
	[tilespmem:$0x18100] =	vst v63  }
0x6f: {  	s9 =	rddreg [dreg:$0x12]  }
0x70: {  	[tilespmem:s9], [sflag:$0x1] =	stream.indirect_vreg.gather [hbm4b:s4+s2], $0x80, v3, vm1, $0xb8;
	[tilespmem:$0x18100] =	vst v63  }
0x71: {  	v3 =	vld [tilespmem:$0x30];
	_ =	sdelay $0x4  }
0x72: {  	v51 =	vshrl.u32 v3, $0x3  }
0x73: {  	v4 =	vmul.u32 $0x18, v51  }
0x74: {  	v3 =	vand.u32 $0x7, v3  }
0x75: {  	v3 =	vor.u32 v3, v4  }
0x76: {  	v4 =	vperm.xlane v3, v0;
	_ =	sdelay $0x1  }
0x77: {  	v4 =	vadd.s32 v1, v4;
	_ =	sdelay $0x1  }
0x78: {  	v3 =	vperm.xlane v3, v2;
	_ =	sdelay $0x1  }
0x79: {  	s0 =	rddreg [dreg:$0x13];
	v3 =	vadd.s32 v1, v3  }
0x7a: {  	[tilespmem:s0], [sflag:$0x1] =	stream.indirect_vreg.gather [hbm4b:s3+s2], $0x80, v4, vm0, $0xb8;
	[tilespmem:$0x18100] =	vst v63  }
0x7b: {  	s9 =	rddreg [dreg:$0x14]  }
0x7c: {  	[tilespmem:s9], [sflag:$0x1] =	stream.indirect_vreg.gather [hbm4b:s4+s2], $0x80, v4, vm1, $0xb8;
	[tilespmem:$0x18100] =	vst v63  }
0x7d: {  	s0 =	rddreg [dreg:$0x15]  }
0x7e: {  	[tilespmem:s0], [sflag:$0x1] =	stream.indirect_vreg.gather [hbm4b:s3+s2], $0x80, v3, vm0, $0xb8;
	[tilespmem:$0x18100] =	vst v63  }
0x7f: {  	s9 =	rddreg [dreg:$0x16]  }
0x80: {  	[tilespmem:s9], [sflag:$0x1] =	stream.indirect_vreg.gather [hbm4b:s4+s2], $0x80, v3, vm1, $0xb8;
	[tilespmem:$0x18100] =	vst v63  }
0x81: {  	v3 =	vld [tilespmem:$0x40];
	_ =	sdelay $0x4  }
0x82: {  	v52 =	vshrl.u32 v3, $0x3  }
0x83: {  	v4 =	vmul.u32 $0x18, v52  }
0x84: {  	v3 =	vand.u32 $0x7, v3  }
0x85: {  	v3 =	vor.u32 v3, v4  }
0x86: {  	v4 =	vperm.xlane v3, v0;
	_ =	sdelay $0x1  }
0x87: {  	v4 =	vadd.s32 v1, v4;
	_ =	sdelay $0x1  }
0x88: {  	v3 =	vperm.xlane v3, v2;
	_ =	sdelay $0x1  }
0x89: {  	s0 =	rddreg [dreg:$0x17];
	v3 =	vadd.s32 v1, v3  }
0x8a: {  	[tilespmem:s0], [sflag:$0x1] =	stream.indirect_vreg.gather [hbm4b:s3+s2], $0x80, v4, vm0, $0xb8;
	[tilespmem:$0x18100] =	vst v63  }
0x8b: {  	s9 =	rddreg [dreg:$0x18]  }
0x8c: {  	[tilespmem:s9], [sflag:$0x1] =	stream.indirect_vreg.gather [hbm4b:s4+s2], $0x80, v4, vm1, $0xb8;
	[tilespmem:$0x18100] =	vst v63  }
0x8d: {  	s0 =	rddreg [dreg:$0x19]  }
0x8e: {  	[tilespmem:s0], [sflag:$0x1] =	stream.indirect_vreg.gather [hbm4b:s3+s2], $0x80, v3, vm0, $0xb8;
	[tilespmem:$0x18100] =	vst v63  }
0x8f: {  	s9 =	rddreg [dreg:$0x1a]  }
0x90: {  	[tilespmem:s9], [sflag:$0x1] =	stream.indirect_vreg.gather [hbm4b:s4+s2], $0x80, v3, vm1, $0xb8;
	[tilespmem:$0x18100] =	vst v63  }
0x91: {  	v3 =	vld [tilespmem:$0x50];
	_ =	sdelay $0x4  }
0x92: {  	v53 =	vshrl.u32 v3, $0x3  }
0x93: {  	v4 =	vmul.u32 $0x18, v53  }
0x94: {  	v3 =	vand.u32 $0x7, v3  }
0x95: {  	v3 =	vor.u32 v3, v4  }
0x96: {  	v4 =	vperm.xlane v3, v0;
	_ =	sdelay $0x1  }
0x97: {  	v4 =	vadd.s32 v1, v4;
	_ =	sdelay $0x1  }
0x98: {  	v3 =	vperm.xlane v3, v2;
	_ =	sdelay $0x1  }
0x99: {  	s0 =	rddreg [dreg:$0x1b];
	v3 =	vadd.s32 v1, v3  }
0x9a: {  	[tilespmem:s0], [sflag:$0x1] =	stream.indirect_vreg.gather [hbm4b:s3+s2], $0x80, v4, vm0, $0xb8;
	[tilespmem:$0x18100] =	vst v63  }
0x9b: {  	s9 =	rddreg [dreg:$0x1c]  }
0x9c: {  	[tilespmem:s9], [sflag:$0x1] =	stream.indirect_vreg.gather [hbm4b:s4+s2], $0x80, v4, vm1, $0xb8;
	[tilespmem:$0x18100] =	vst v63  }
0x9d: {  	s0 =	rddreg [dreg:$0x1d]  }
0x9e: {  	[tilespmem:s0], [sflag:$0x1] =	stream.indirect_vreg.gather [hbm4b:s3+s2], $0x80, v3, vm0, $0xb8;
	[tilespmem:$0x18100] =	vst v63  }
0x9f: {  	s9 =	rddreg [dreg:$0x1e]  }
0xa0: {  	[tilespmem:s9], [sflag:$0x1] =	stream.indirect_vreg.gather [hbm4b:s4+s2], $0x80, v3, vm1, $0xb8;
	[tilespmem:$0x18100] =	vst v63  }
0xa1: {  	v3 =	vld [tilespmem:$0x60];
	_ =	sdelay $0x4  }
0xa2: {  	v54 =	vshrl.u32 v3, $0x3  }
0xa3: {  	v4 =	vmul.u32 $0x18, v54  }
0xa4: {  	v3 =	vand.u32 $0x7, v3  }
0xa5: {  	v3 =	vor.u32 v3, v4  }
0xa6: {  	v4 =	vperm.xlane v3, v0;
	_ =	sdelay $0x1  }
0xa7: {  	v4 =	vadd.s32 v1, v4;
	_ =	sdelay $0x1  }
0xa8: {  	v3 =	vperm.xlane v3, v2  }
0xa9: {  	s0 =	rddreg [dreg:$0x1f]  }
0xaa: {  	s9 =	sld [smem:$0x7EB];
	v3 =	vadd.s32 v1, v3  }
0xab: {  	[tilespmem:s0], [sflag:$0x1] =	stream.indirect_vreg.gather [hbm4b:s3+s2], $0x80, v4, vm0, $0xb8;
	[tilespmem:$0x18100] =	vst v63  }
0xac: {  	s0 =	sld [smem:$0x7EC]  }
0xad: {  	[tilespmem:s9], [sflag:$0x1] =	stream.indirect_vreg.gather [hbm4b:s4+s2], $0x80, v4, vm1, $0xb8;
	[tilespmem:$0x18100] =	vst v63  }
0xae: {  	s9 =	sld [smem:$0x7ED]  }
0xaf: {  	[tilespmem:s0], [sflag:$0x1] =	stream.indirect_vreg.gather [hbm4b:s3+s2], $0x80, v3, vm0, $0xb8;
	[tilespmem:$0x18100] =	vst v63  }
0xb0: {  	_ = 	snop  }
0xb1: {  	[tilespmem:s9], [sflag:$0x1] =	stream.indirect_vreg.gather [hbm4b:s4+s2], $0x80, v3, vm1, $0xb8;
	[tilespmem:$0x18100] =	vst v63  }
0xb2: {  	v3 =	vld [tilespmem:$0x70];
	_ =	sdelay $0x4  }
0xb3: {  	v55 =	vshrl.u32 v3, $0x3  }
0xb4: {  	v4 =	vmul.u32 $0x18, v55  }
0xb5: {  	v3 =	vand.u32 $0x7, v3  }
0xb6: {  	v3 =	vor.u32 v3, v4  }
0xb7: {  	v4 =	vperm.xlane v3, v0;
	_ =	sdelay $0x1  }
0xb8: {  	v4 =	vadd.s32 v1, v4;
	_ =	sdelay $0x1  }
0xb9: {  	s0 =	sld [smem:$0x7EE];
	v3 =	vperm.xlane v3, v2;
	_ =	sdelay $0x1  }
0xba: {  	s9 =	sld [smem:$0x7EF];
	v3 =	vadd.s32 v1, v3  }
0xbb: {  	[tilespmem:s0], [sflag:$0x1] =	stream.indirect_vreg.gather [hbm4b:s3+s2], $0x80, v4, vm0, $0xb8;
	[tilespmem:$0x18100] =	vst v63  }
0xbc: {  	s0 =	sld [smem:$0x7F0]  }
0xbd: {  	[tilespmem:s9], [sflag:$0x1] =	stream.indirect_vreg.gather [hbm4b:s4+s2], $0x80, v4, vm1, $0xb8;
	[tilespmem:$0x18100] =	vst v63  }
0xbe: {  	s9 =	sld [smem:$0x7F1]  }
0xbf: {  	[tilespmem:s0], [sflag:$0x1] =	stream.indirect_vreg.gather [hbm4b:s3+s2], $0x80, v3, vm0, $0xb8;
	[tilespmem:$0x18100] =	vst v63  }
0xc0: {  	_ = 	snop  }
0xc1: {  	[tilespmem:s9], [sflag:$0x1] =	stream.indirect_vreg.gather [hbm4b:s4+s2], $0x80, v3, vm1, $0xb8;
	[tilespmem:$0x18100] =	vst v63  }
0xc2: {  	v3 =	vld [tilespmem:$0x80];
	_ =	sdelay $0x4  }
0xc3: {  	v56 =	vshrl.u32 v3, $0x3  }
0xc4: {  	v4 =	vmul.u32 $0x18, v56  }
0xc5: {  	v3 =	vand.u32 $0x7, v3  }
0xc6: {  	v3 =	vor.u32 v3, v4  }
0xc7: {  	v4 =	vperm.xlane v3, v0;
	_ =	sdelay $0x1  }
0xc8: {  	v4 =	vadd.s32 v1, v4;
	_ =	sdelay $0x1  }
0xc9: {  	v3 =	vperm.xlane v3, v2;
	_ =	sdelay $0x1  }
0xca: {  	s0 =	sld [smem:$0x7F2];
	v3 =	vadd.s32 v1, v3  }
0xcb: {  	[tilespmem:s8], [sflag:$0x2] =	stream.indirect_vreg.gather [hbm4b:s3+s2], $0x80, v4, vm0, $0xb8;
	[tilespmem:$0x18100] =	vst v63  }
0xcc: {  	s9 =	sld [smem:$0x7F3]  }
0xcd: {  	[tilespmem:s0], [sflag:$0x2] =	stream.indirect_vreg.gather [hbm4b:s4+s2], $0x80, v4, vm1, $0xb8;
	[tilespmem:$0x18100] =	vst v63  }
0xce: {  	s0 =	sld [smem:$0x7F4]  }
0xcf: {  	[tilespmem:s9], [sflag:$0x2] =	stream.indirect_vreg.gather [hbm4b:s3+s2], $0x80, v3, vm0, $0xb8;
	[tilespmem:$0x18100] =	vst v63  }
0xd0: {  	_ = 	snop  }
0xd1: {  	[tilespmem:s0], [sflag:$0x2] =	stream.indirect_vreg.gather [hbm4b:s4+s2], $0x80, v3, vm1, $0xb8;
	[tilespmem:$0x18100] =	vst v63  }
0xd2: {  	v3 =	vld [tilespmem:$0x90];
	_ =	sdelay $0x4  }
0xd3: {  	v57 =	vshrl.u32 v3, $0x3  }
0xd4: {  	v4 =	vmul.u32 $0x18, v57  }
0xd5: {  	v3 =	vand.u32 $0x7, v3  }
0xd6: {  	v3 =	vor.u32 v3, v4  }
0xd7: {  	v4 =	vperm.xlane v3, v0;
	_ =	sdelay $0x1  }
0xd8: {  	v4 =	vadd.s32 v1, v4;
	_ =	sdelay $0x1  }
0xd9: {  	s0 =	sld [smem:$0x7F5];
	v3 =	vperm.xlane v3, v2;
	_ =	sdelay $0x1  }
0xda: {  	s9 =	sld [smem:$0x7F6];
	v3 =	vadd.s32 v1, v3  }
0xdb: {  	[tilespmem:s0], [sflag:$0x2] =	stream.indirect_vreg.gather [hbm4b:s3+s2], $0x80, v4, vm0, $0xb8;
	[tilespmem:$0x18100] =	vst v63  }
0xdc: {  	s0 =	sld [smem:$0x7F7]  }
0xdd: {  	[tilespmem:s9], [sflag:$0x2] =	stream.indirect_vreg.gather [hbm4b:s4+s2], $0x80, v4, vm1, $0xb8;
	[tilespmem:$0x18100] =	vst v63  }
0xde: {  	s9 =	sld [smem:$0x7F8]  }
0xdf: {  	[tilespmem:s0], [sflag:$0x2] =	stream.indirect_vreg.gather [hbm4b:s3+s2], $0x80, v3, vm0, $0xb8;
	[tilespmem:$0x18100] =	vst v63  }
0xe0: {  	_ = 	snop  }
0xe1: {  	[tilespmem:s9], [sflag:$0x2] =	stream.indirect_vreg.gather [hbm4b:s4+s2], $0x80, v3, vm1, $0xb8;
	[tilespmem:$0x18100] =	vst v63  }
0xe2: {  	v3 =	vld [tilespmem:$0xA0];
	_ =	sdelay $0x4  }
0xe3: {  	v58 =	vshrl.u32 v3, $0x3  }
0xe4: {  	v4 =	vmul.u32 $0x18, v58  }
0xe5: {  	v3 =	vand.u32 $0x7, v3  }
0xe6: {  	v3 =	vor.u32 v3, v4  }
0xe7: {  	v4 =	vperm.xlane v3, v0;
	_ =	sdelay $0x1  }
0xe8: {  	v4 =	vadd.s32 v1, v4;
	_ =	sdelay $0x1  }
0xe9: {  	s0 =	sld [smem:$0x7F9];
	v3 =	vperm.xlane v3, v2;
	_ =	sdelay $0x1  }
0xea: {  	s9 =	sld [smem:$0x7FA];
	v3 =	vadd.s32 v1, v3  }
0xeb: {  	[tilespmem:s0], [sflag:$0x2] =	stream.indirect_vreg.gather [hbm4b:s3+s2], $0x80, v4, vm0, $0xb8;
	[tilespmem:$0x18100] =	vst v63  }
0xec: {  	s0 =	sld [smem:$0x7FB]  }
0xed: {  	[tilespmem:s9], [sflag:$0x2] =	stream.indirect_vreg.gather [hbm4b:s4+s2], $0x80, v4, vm1, $0xb8;
	[tilespmem:$0x18100] =	vst v63  }
0xee: {  	s9 =	sld [smem:$0x7FC]  }
0xef: {  	[tilespmem:s0], [sflag:$0x2] =	stream.indirect_vreg.gather [hbm4b:s3+s2], $0x80, v3, vm0, $0xb8;
	[tilespmem:$0x18100] =	vst v63  }
0xf0: {  	_ = 	snop  }
0xf1: {  	[tilespmem:s9], [sflag:$0x2] =	stream.indirect_vreg.gather [hbm4b:s4+s2], $0x80, v3, vm1, $0xb8;
	[tilespmem:$0x18100] =	vst v63  }
0xf2: {  	v3 =	vld [tilespmem:$0xB0];
	_ =	sdelay $0x4  }
0xf3: {  	v59 =	vshrl.u32 v3, $0x3  }
0xf4: {  	v4 =	vmul.u32 $0x18, v59  }
0xf5: {  	v3 =	vand.u32 $0x7, v3  }
0xf6: {  	v3 =	vor.u32 v3, v4  }
0xf7: {  	v4 =	vperm.xlane v3, v0;
	_ =	sdelay $0x1  }
0xf8: {  	v4 =	vadd.s32 v1, v4;
	_ =	sdelay $0x1  }
0xf9: {  	s9 =	sld [smem:$0x7FD];
	v3 =	vperm.xlane v3, v2;
	_ =	sdelay $0x1  }
0xfa: {  	v3 =	vadd.s32 v1, v3  }
0xfb: {  	[tilespmem:s9], [sflag:$0x2] =	stream.indirect_vreg.gather [hbm4b:s3+s2], $0x80, v4, vm0, $0xb8;
	[tilespmem:$0x18100] =	vst v63  }
0xfc: {  	s9 =	simm.s32 $0x11100  }
0xfd: {  	[tilespmem:s9], [sflag:$0x2] =	stream.indirect_vreg.gather [hbm4b:s4+s2], $0x80, v4, vm1, $0xb8;
	[tilespmem:$0x18100] =	vst v63  }
0xfe: {  	_ = 	snop  }
0xff: {  	[tilespmem:s10], [sflag:$0x2] =	stream.indirect_vreg.gather [hbm4b:s3+s2], $0x80, v3, vm0, $0xb8;
	[tilespmem:$0x18100] =	vst v63  }
0x100: {  	_ = 	snop  }
0x101: {  	[tilespmem:s11], [sflag:$0x2] =	stream.indirect_vreg.gather [hbm4b:s4+s2], $0x80, v3, vm1, $0xb8;
	[tilespmem:$0x18100] =	vst v63  }
0x102: {  	v3 =	vld [tilespmem:$0xC0];
	_ =	sdelay $0x4  }
0x103: {  	v60 =	vshrl.u32 v3, $0x3  }
0x104: {  	v4 =	vmul.u32 $0x18, v60  }
0x105: {  	v3 =	vand.u32 $0x7, v3  }
0x106: {  	v3 =	vor.u32 v3, v4  }
0x107: {  	v4 =	vperm.xlane v3, v0;
	_ =	sdelay $0x1  }
0x108: {  	v4 =	vadd.s32 v1, v4;
	_ =	sdelay $0x1  }
0x109: {  	v3 =	vperm.xlane v3, v2;
	_ =	sdelay $0x1  }
0x10a: {  	v3 =	vadd.s32 v1, v3  }
0x10b: {  	[tilespmem:s12], [sflag:$0x2] =	stream.indirect_vreg.gather [hbm4b:s3+s2], $0x80, v4, vm0, $0xb8;
	[tilespmem:$0x18100] =	vst v63  }
0x10c: {  	_ = 	snop  }
0x10d: {  	[tilespmem:s13], [sflag:$0x2] =	stream.indirect_vreg.gather [hbm4b:s4+s2], $0x80, v4, vm1, $0xb8;
	[tilespmem:$0x18100] =	vst v63  }
0x10e: {  	_ = 	snop  }
0x10f: {  	[tilespmem:s14], [sflag:$0x2] =	stream.indirect_vreg.gather [hbm4b:s3+s2], $0x80, v3, vm0, $0xb8;
	[tilespmem:$0x18100] =	vst v63  }
0x110: {  	_ = 	snop  }
0x111: {  	[tilespmem:s15], [sflag:$0x2] =	stream.indirect_vreg.gather [hbm4b:s4+s2], $0x80, v3, vm1, $0xb8;
	[tilespmem:$0x18100] =	vst v63  }
0x112: {  	v3 =	vld [tilespmem:$0xD0];
	_ =	sdelay $0x4  }
0x113: {  	v61 =	vshrl.u32 v3, $0x3  }
0x114: {  	v4 =	vmul.u32 $0x18, v61  }
0x115: {  	v3 =	vand.u32 $0x7, v3  }
0x116: {  	v3 =	vor.u32 v3, v4  }
0x117: {  	v4 =	vperm.xlane v3, v0;
	_ =	sdelay $0x1  }
0x118: {  	v4 =	vadd.s32 v1, v4;
	_ =	sdelay $0x1  }
0x119: {  	v3 =	vperm.xlane v3, v2;
	_ =	sdelay $0x1  }
0x11a: {  	v3 =	vadd.s32 v1, v3  }
0x11b: {  	[tilespmem:s16], [sflag:$0x2] =	stream.indirect_vreg.gather [hbm4b:s3+s2], $0x80, v4, vm0, $0xb8;
	[tilespmem:$0x18100] =	vst v63  }
0x11c: {  	_ = 	snop  }
0x11d: {  	[tilespmem:s17], [sflag:$0x2] =	stream.indirect_vreg.gather [hbm4b:s4+s2], $0x80, v4, vm1, $0xb8;
	[tilespmem:$0x18100] =	vst v63  }
0x11e: {  	_ = 	snop  }
0x11f: {  	[tilespmem:s18], [sflag:$0x2] =	stream.indirect_vreg.gather [hbm4b:s3+s2], $0x80, v3, vm0, $0xb8;
	[tilespmem:$0x18100] =	vst v63  }
0x120: {  	_ = 	snop  }
0x121: {  	[tilespmem:s19], [sflag:$0x2] =	stream.indirect_vreg.gather [hbm4b:s4+s2], $0x80, v3, vm1, $0xb8;
	[tilespmem:$0x18100] =	vst v63  }
0x122: {  	v3 =	vld [tilespmem:$0xE0];
	_ =	sdelay $0x4  }
0x123: {  	v62 =	vshrl.u32 v3, $0x3  }
0x124: {  	v4 =	vmul.u32 $0x18, v62  }
0x125: {  	v3 =	vand.u32 $0x7, v3  }
0x126: {  	v3 =	vor.u32 v3, v4  }
0x127: {  	v4 =	vperm.xlane v3, v0;
	_ =	sdelay $0x1  }
0x128: {  	v4 =	vadd.s32 v1, v4;
	_ =	sdelay $0x1  }
0x129: {  	v3 =	vperm.xlane v3, v2;
	_ =	sdelay $0x1  }
0x12a: {  	v3 =	vadd.s32 v1, v3  }
0x12b: {  	[tilespmem:s20], [sflag:$0x2] =	stream.indirect_vreg.gather [hbm4b:s3+s2], $0x80, v4, vm0, $0xb8;
	[tilespmem:$0x18100] =	vst v63  }
0x12c: {  	_ = 	snop  }
0x12d: {  	[tilespmem:s21], [sflag:$0x2] =	stream.indirect_vreg.gather [hbm4b:s4+s2], $0x80, v4, vm1, $0xb8;
	[tilespmem:$0x18100] =	vst v63  }
0x12e: {  	_ = 	snop  }
0x12f: {  	[tilespmem:s22], [sflag:$0x2] =	stream.indirect_vreg.gather [hbm4b:s3+s2], $0x80, v3, vm0, $0xb8;
	[tilespmem:$0x18100] =	vst v63  }
0x130: {  	_ = 	snop  }
0x131: {  	[tilespmem:s23], [sflag:$0x2] =	stream.indirect_vreg.gather [hbm4b:s4+s2], $0x80, v3, vm1, $0xb8;
	[tilespmem:$0x18100] =	vst v63  }
0x132: {  	v3 =	vld [tilespmem:$0xF0];
	_ =	sdelay $0x4  }
0x133: {  	v63 =	vshrl.u32 v3, $0x3  }
0x134: {  	v4 =	vmul.u32 $0x18, v63  }
0x135: {  	v3 =	vand.u32 $0x7, v3  }
0x136: {  	v3 =	vor.u32 v3, v4  }
0x137: {  	v4 =	vperm.xlane v3, v0;
	_ =	sdelay $0x1  }
0x138: {  	v4 =	vadd.s32 v1, v4;
	_ =	sdelay $0x1  }
0x139: {  	v3 =	vperm.xlane v3, v2;
	_ =	sdelay $0x1  }
0x13a: {  	v3 =	vadd.s32 v1, v3  }
0x13b: {  	[tilespmem:s24], [sflag:$0x2] =	stream.indirect_vreg.gather [hbm4b:s3+s2], $0x80, v4, vm0, $0xb8;
	[tilespmem:$0x18100] =	vst v63  }
0x13c: {  	_ = 	snop  }
0x13d: {  	[tilespmem:s25], [sflag:$0x2] =	stream.indirect_vreg.gather [hbm4b:s4+s2], $0x80, v4, vm1, $0xb8;
	[tilespmem:$0x18100] =	vst v63  }
0x13e: {  	_ = 	snop  }
0x13f: {  	[tilespmem:s26], [sflag:$0x2] =	stream.indirect_vreg.gather [hbm4b:s3+s2], $0x80, v3, vm0, $0xb8;
	[tilespmem:$0x18100] =	vst v63  }
0x140: {  	_ = 	snop  }
0x141: {  	[tilespmem:s28], [sflag:$0x2] =	stream.indirect_vreg.gather [hbm4b:s4+s2], $0x80, v3, vm1, $0xb8;
	[tilespmem:$0x18100] =	vst v63  }
0x142: {  	_ =	swait.ge [sflag:s29], $0xC000  }
0x143: {  	[sflag:s29] =	ssyncset.done $0x0  }
0x144: {  	s9 =	rddreg [dreg:$0x5];
	[sflag:s29] =	ssyncadd.s32 $0xFFFF4000  }
0x145: {  	[hbm4b:s9+s2] =	stream.linear.scatter [tilespmem:s7], [sflag:$0x3], $0xC000, $0x38;
	[tilespmem:$0x18100] =	vst v63  }
0x146: {  	_ =	swait.ge [sflag:s30], $0xC000  }
0x147: {  	[sflag:s30] =	ssyncset.done $0x0  }
0x148: {  	s9 =	rddreg [dreg:$0x6];
	[sflag:s30] =	ssyncadd.s32 $0xFFFF4000  }
0x149: {  	[hbm4b:s9+s2] =	stream.linear.scatter [tilespmem:s8], [sflag:$0x4], $0xC000, $0x38;
	[tilespmem:$0x18100] =	vst v63  }
0x14a: {  	p0 =	sne.s32 s5, $0x1;
	_ =	swait.ge [sflag:s31], $0xC000  }
.Ltmp0:
0x14b: {  	[sflag:s31] =	ssyncset.done $0x0;
	(pc) =	sbr.rel @p0 .LBB2_1-.Ltmp0, $4  }
0x14c: {  	[sflag:s31] =	ssyncadd.s32 $0xFFFF4000  }
0x14d: {  	_ =	swait.ge [sflag:s1], $0xC000  }
0x14e: {  	[sflag:s1] =	ssyncset.done $0x0  }
0x14f: {  	s5 =	sadd.s32 $0xFFFFFFFF, s5;
	[sflag:s1] =	ssyncadd.s32 $0xFFFF4000  }
0x150: {  	_ =	sfence.sel $0x180000  }
0x151: {  	[bflag:$0x0] =	sbarrier.arrive $0xFFFF  }
0x152: {  	_ =	strace $0x90000050  }
0x153: {  	s0 =	stileid.u32;
	[bflag:$0x2] =	sbarrier.arrive $0xFFFF  }
0x154: {  	p0 =	sne.s32 s0, $0x0;
	s0 =	rddreg [dreg:$0x2]  }
0x155: {  	s0 =	sadd.s32 @!p0 $0x100000, s0  }
0x156: {  	[sflag:s0] =	ssyncadd.tile.s32 @!p0 $0x1;
	_ =	shalt  }
.Lfunc_end2:
_tile_overlayer_lowered:
.L_overlay_start_2:
0x157: {  	(tag) =	ssettag $0x2  }
0x158: {  	s0 =	rddreg [dreg:$0x0];
	s2 =	stileid.u32  }
0x159: {  	s1 =	rddreg [dreg:$0x1];
	p0 =	sne.s32 s2, $0x0  }
0x15a: {  	s3 =	rddreg [dreg:$0x2];
	[bflag:$0x3] =	sbarrier.arrive $0xFFFF;
	s2 =	simm.s32 @!p0 $0x1C05  }
0x15b: {  	[timem:s3], [sflag:s2] =	dma.local @!p0 [hbm:s0], s1  }
0x15c: {  	s0 =	simm.s32 @!p0 $0x5  }
0x15d: {  	_ =	swait.ge @!p0 [sflag:s0], s1  }
0x15e: {  	s1 =	ssub.s32 @!p0 $0x0, s1;
	[sflag:s0] =	ssyncset.done @!p0 $0x0  }
0x15f: {  	[sflag:s0] =	ssyncadd.s32 @!p0 s1  }
0x160: {  	[bflag:$0x3] =	sbarrier.arrive $0xFFFF  }
0x161: {  	_ =	shalt  }

// kernel: sparse-core-data-format-call.cloned.1.call-start
scs
called_computation_lowered:
.L_overlay_start_0:
0x0: {  	s1 =	sld [smem:$0x3FD9]  }
0x1: {  	s2 =	sld [smem:$0x3FFE];
	_ =	sdelay $0x1  }
0x2: {  	s3 =	srdreg.scid  }
0x3: {  	s0 =	sand.u32 $0x1, s3  }
0x4: {  	s17 =	sshll.u32 s0, $0xA;
	s1 =	sadd.s32 s2, s1  }
0x5: {  	s1 =	sadd.s32 s1, s17  }
0x6: {  	[smem:$0x3FBA] =	sst s1  }
0x7: {  	_ = 	snop  }
0x8: {  	(tm) =	ssettm $0x1  }
0x9: {  	s18 =	sld [smem:$0x3FFB];
	_ =	sdelay $0x3  }
0xa: {  	_ =	strace s18  }
0xb: {  	s1 =	sld [smem:$0x3FFC];
	_ =	sdelay $0x3  }
0xc: {  	_ =	strace s1  }
0xd: {  	s1 =	sld [smem:$0x3FFD];
	_ =	sdelay $0x3  }
0xe: {  	_ =	strace s1  }
0xf: {  	_ =	strace $0x8FFFFFFF  }
0x10: {  	s19 =	sld [smem:$0x3FDB];
	_ =	sdelay $0x1  }
0x11: {  	s20 =	simm.s32 $_scs_section_size  }
0x12: {  	s4 =	simm.s32 $_size__tile_overlayer_lowered;
	s5 =	simm.s32 $_tile_overlayer_lowered  }
0x13: {  	s23 =	simm.s32 $0x1BFF;
	s22 =	sshll.u32 s5, $0x1;
	s1 =	sadd.s32 s20, s19  }
0x14: {  	s6 =	simm.s32 $0x0;
	s21 =	sshll.u32 s4, $0x1;
	s4 =	sadd.s32 s22, s1  }
0x15: {  	[timem:s6], [sflag:s23] =	dma.local [hbm:s4], s21  }
0x16: {  	_ =	swait.ge [sflag:s23], s21  }
0x17: {  	s2 =	ssub.s32 $0x0, s21;
	[sflag:s23] =	ssyncset.done $0x0  }
0x18: {  	[sflag:s23] =	ssyncadd.s32 s2;
	_ =	sdelay $0x1  }
0x19: {  	s24 =	simm.s32 $0x1B8B  }
0x1a: {  	_ =	swait.ge [sflag:s24], $0x1  }
0x1b: {  	[sflag:s24] =	ssyncset.done $0x0  }
0x1c: {  	s26 =	simm.s32 $0x1B8E;
	s25 =	sld [smem:$0x3FFE];
	[sflag:s24] =	ssyncadd.s32 $0xFFFFFFFF  }
0x1d: {  	s27 =	simm.s32 $execute0_lowered;
	[smem:$0x3FD2] =	sst s26  }
0x1e: {  	s4 =	sshll.u32 s27, $0x1;
	_ =	strace $0x80000046;
	[dreg:$0x1] =	wrdreg $0xFFFFFFFF  }
0x1f: {  	s28 =	simm.s32 $_size_execute0_lowered;
	s1 =	sadd.s32 s1, s4;
	[dreg:$0x0] =	wrdreg $0x0  }
0x20: {  	s4 =	sshll.u32 s28, $0x1;
	[dreg:$0x2] =	wrdreg s1  }
0x21: {  	[dreg:$0x3] =	wrdreg s4  }
0x22: {  	[dreg:$0x4] =	wrdreg $0xC0  }
0x23: {  	_ =	task [dreg:s6], $0x5FFFF  }
0x24: {  	[dreg:$0x1] =	wrdreg $0xFFFFFFFF  }
0x25: {  	[dreg:$0x0] =	wrdreg $0x60  }
0x26: {  	[dreg:$0x2] =	wrdreg s25  }
0x27: {  	[dreg:$0x3] =	wrdreg $0x9  }
0x28: {  	_ =	task.clear_ibuf [dreg:s6], $0x4FFFF;
	_ =	strace $0x90000046  }
0x29: {  	s29 =	simm.s32 $0x9;
	_ =	strace $0x80000048  }
0x2a: {  	_ =	swait.ge [sflag:s29], $0x1  }
0x2b: {  	[sflag:s29] =	ssyncadd.s32 $0xFFFFFFFF  }
0x2c: {  	_ =	strace $0x90000048  }
0x2d: {  	_ =	sfence  }
0x2e: {  	s30 =	sld [smem:$0x0];
	_ =	sdelay $0x2  }
0x2f: {  	s31 =	sshll.u32 s3, $0xD;
	s3 =	sshrl.u32 s3, $0x2  }
0x30: {  	s2 =	sand.u32 $0x4000, s31;
	s1 =	sadd.s32 s3, s30  }
0x31: {  	s0 =	sor.u32 s2, s0;
	s1 =	sshll.u32 s1, $0x11  }
0x32: {  	s0 =	sor.u32 s1, s0  }
0x33: {  	s0 =	sadd.s32 $0x8F2B, s0  }
0x34: {  	[sflag:s0] =	ssyncadd.remote.s32 $0x1  }
0x35: {  	_ =	sfence.sel $0xFFFF  }
0x36: {  	[dreg:$0x0] =	wrdreg $0xFFFFFFFF;
	(pc) =	sbr.abs _section_cstart, $3  }
0x37: {  	[dreg:$0x1] =	wrdreg $0xFFFFFFFF  }
0x38: {  	_ =	task.clear_ibuf [dreg:s6], $0x2FFFF;
	_ =	strace $0x9FFFFFFF  }
0x39: {  	(tm) =	ssettm $0x7FFFFFFF  }
tec
execute0_lowered:
.L_overlay_start_1:
0x0: {  	(tag) =	ssettag $0x1  }
0x1: {  	s0 =	stileid.u32;
	s1 =	srdreg.scid  }
0x2: {  	s6 =	rddreg [dreg:$0x0];
	s31 =	simm.s32 $0x2;
	s13 =	simm.s32 $0x0  }
0x3: {  	s9 =	simm.s32 $0x40;
	s2 =	sshll.u32 s0, $0x7;
	s1 =	sshll.u32 s1, $0xB  }
0x4: {  	s10 =	simm.s32 $0x80;
	s14 =	simm.s32 $0x0;
	s1 =	sor.u32 s2, s1  }
0x5: {  	s12 =	simm.s32 $0x0;
	s3 =	sand.u32 $0x1, s0;
	s2 =	sand.u32 $0xF00, s1  }
0x6: {  	s5 =	ssub.s32 $0x24, s3;
	s11 =	smov.u32 s3;
	s4 =	ssub.s32 $0x1000, s2  }
0x7: {  	s1 =	rddreg [dreg:$0x1];
	s8 =	sshrl.u32 s5, $0x1;
	s7 =	sand.u32 $0xF00, s4  }
0x8: {  	s5 =	sand.u32 $0x1, s5;
	p0 =	sne.s32 s7, $0x0;
	s7 =	simm.s32 $0x1  }
.Ltmp0:
0x9: {  	s4 =	sshrl.u32 s4, $0xC;
	s7 =	simm.s32 @!p0 $0x0;
	(pc) =	sbr.rel .LBB1_1-.Ltmp0, $4  }
0xa: {  	_ =	strace $0x80000047;
	s5 =	sadd.s32 s5, s8;
	s7 =	sadd.s32 s7, s4  }
0xb: {  	s30 =	sadd.s32 s2, s6;
	s4 =	simm.s32 $0x1;
	s5 =	smul.u32 s5, s7  }
0xc: {  	s6 =	sadd.s32 $0x242800, s6;
	p0 =	por $0x0, $0x0;
	[sflag:s4] =	ssyncpa.u1 $0x0  }
0xd: {  	s7 =	sadd.s32 $0x122800, s30;
	[sflag:s31] =	ssyncpa.u1 $0x0;
	s8 =	sadd.s32 $0x1, s5  }
.LBB1_4:
0xe: {  	_ = 	snop  }
0xf: {  	[tilespmem:s19+$0x1860 ss:$0x41] =	vst.msk $0xffff, v8  }
0x10: {  	[tilespmem:s19+$0x1C70 ss:$0x41] =	vst.msk $0xffff, v7  }
0x11: {  	[tilespmem:s19+$0x2490 ss:$0x41] =	vst.msk $0xffff, v1  }
0x12: {  	s22 =	sor.u32 s25, s24;
	v47 =	vld.idx.msk [tilespmem:v0+s17+$0x470 ss:$0x1], $0xffff;
	[tilespmem:s19+$0x28A0 ss:$0x41] =	vst.msk $0xffff, v2  }
0x13: {  	[tilespmem:s19+$0x2CB0 ss:$0x41] =	vst.msk $0xffff, v3;
	v57 =	vld.idx.msk [tilespmem:v0+s22+$0x410 ss:$0x1], $0xffff  }
0x14: {  	[tilespmem:s19+$0x30C0 ss:$0x41] =	vst.msk $0xffff, v4;
	v58 =	vld.idx.msk [tilespmem:v0+s22+$0x420 ss:$0x1], $0xffff  }
0x15: {  	[tilespmem:s19+$0x34D0 ss:$0x41] =	vst.msk $0xffff, v5;
	v59 =	vld.idx.msk [tilespmem:v0+s22+$0x430 ss:$0x1], $0xffff  }
0x16: {  	s31 =	sshra.s32 s20, $0x2;
	[tilespmem:s19+$0x38E0 ss:$0x41] =	vst.msk $0xffff, v6;
	v60 =	vld.idx.msk [tilespmem:v0+s22+$0x440 ss:$0x1], $0xffff  }
0x17: {  	s23 =	sand.u32 $0x3B00, s22;
	s17 =	sadd.s32 s31, s18;
	v61 =	vld.idx.msk [tilespmem:v0+s22+$0x450 ss:$0x1], $0xffff;
	[tilespmem:s19+$0x3CF0 ss:$0x41] =	vst.msk $0xffff, v47  }
0x18: {  	s21 =	sand.u32 $0x80, s21;
	v62 =	vld.idx.msk [tilespmem:v0+s22+$0x460 ss:$0x1], $0xffff;
	s16 =	sadd.s32 s23, s16;
	[tilespmem:s17+$0x2490 ss:$0x41] =	vst.msk $0xffff, v57  }
0x19: {  	v63 =	vld.idx.msk [tilespmem:v0+s22+$0x470 ss:$0x1], $0xffff;
	s16 =	sadd.s32 s21, s16;
	[tilespmem:s17+$0x28A0 ss:$0x41] =	vst.msk $0xffff, v58  }
0x1a: {  	v48 =	vld [tilespmem:s16+$0x400];
	[tilespmem:s17+$0x2CB0 ss:$0x41] =	vst.msk $0xffff, v59  }
0x1b: {  	v49 =	vld [tilespmem:s16+$0x0];
	[tilespmem:s17+$0x30C0 ss:$0x41] =	vst.msk $0xffff, v60  }
0x1c: {  	v50 =	vld [tilespmem:s16+$0x10];
	[tilespmem:s17+$0x34D0 ss:$0x41] =	vst.msk $0xffff, v61  }
0x1d: {  	v51 =	vld [tilespmem:s16+$0x20];
	[tilespmem:s17+$0x38E0 ss:$0x41] =	vst.msk $0xffff, v62  }
0x1e: {  	v52 =	vld [tilespmem:s16+$0x30];
	[tilespmem:s17+$0x3CF0 ss:$0x41] =	vst.msk $0xffff, v63  }
0x1f: {  	v53 =	vld [tilespmem:s16+$0x40];
	[tilespmem:s17+$0x2080 ss:$0x41] =	vst.msk $0xffff, v48  }
0x20: {  	v54 =	vld [tilespmem:s16+$0x50];
	[tilespmem:s17+$0x0 ss:$0x41] =	vst.msk $0xffff, v49  }
0x21: {  	v55 =	vld [tilespmem:s16+$0x60];
	[tilespmem:s17+$0x410 ss:$0x41] =	vst.msk $0xffff, v50  }
0x22: {  	v56 =	vld [tilespmem:s16+$0x70];
	[tilespmem:s17+$0x820 ss:$0x41] =	vst.msk $0xffff, v51  }
0x23: {  	[tilespmem:s17+$0xC30 ss:$0x41] =	vst.msk $0xffff, v52  }
0x24: {  	[tilespmem:s17+$0x1040 ss:$0x41] =	vst.msk $0xffff, v53  }
0x25: {  	s14 =	sshll.u32 s14, $0x10;
	[tilespmem:s17+$0x1450 ss:$0x41] =	vst.msk $0xffff, v54  }
0x26: {  	s13 =	sshll.u32 s13, $0x4;
	s14 =	sadd.s32 s6, s14;
	[tilespmem:s17+$0x1860 ss:$0x41] =	vst.msk $0xffff, v55  }
0x27: {  	s13 =	sadd.s32 s13, s14;
	[tilespmem:s17+$0x1C70 ss:$0x41] =	vst.msk $0xffff, v56  }
0x28: {  	[hbm4b:s13+s9] =	stream.strided.scatter [tilespmem:s15], [sflag:$0x2], $0x4000, s10, s9, $0x18;
	[tilespmem:$0x10200] =	vst v63  }
.LBB1_5:
0x29: {  	s15 =	sadd.s32 $0x2, s11  }
0x2a: {  	p2 =	sgt.s32 s15, $0x23  }
0x2b: {  	s15 =	smov.u32 @p2 s3;
	p2 =	sne.s32 s12, s8  }
.Ltmp1:
0x2c: {  	p1 =	slt.u32 s12, $0x2;
	(pc) =	sbr.rel @!p2 .LBB1_6-.Ltmp1, $4  }
0x2d: {  	s13 =	simm.s32 @!p1 $0x2  }
0x2e: {  	s16 =	sadd.s32 $0x1, s12;
	s14 =	smov.u32 s11;
	_ =	swait.ge @!p1 [sflag:s13], $0x4000  }
0x2f: {  	p0 =	por !p0, !p0;
	s12 =	smov.u32 s16;
	[sflag:s13] =	ssyncset.done @!p1 $0x0  }
0x30: {  	s11 =	smov.u32 s15;
	[sflag:s13] =	ssyncadd.s32 @!p1 $0xFFFFC000;
	s13 =	smov.u32 s2  }
.LBB1_1:
0x31: {  	p1 =	sge.u32 s12, s5  }
0x32: {  	s31 =	sadd.s32 $0xFFFFFFFF, s12;
	s15 =	sxor.u32 @!p1 $0xFFFFFFFF, s12  }
0x33: {  	s16 =	sshll.u32 @!p1 s11, $0xF;
	s17 =	simm.s32 @!p1 $0x800;
	s15 =	sshll.u32 @!p1 s15, $0xE  }
0x34: {  	s18 =	simm.s32 @!p1 $0x8000;
	s16 =	sadd.s32 @!p1 s16, s7;
	s15 =	sand.u32 @!p1 $0x4000, s15  }
0x35: {  	[tilespmem:s15], [sflag:$0x1] =	stream.strided.gather @!p1 [hbm4b:s16+s17], $0x4000, s18, s17, $0x38;
	[tilespmem:$0x10200] =	vst v63  }
0x36: {  	p1 =	sge.u32 s31, s5  }
.Ltmp2:
0x37: {  	_ = 	snop;
	(pc) =	sbr.rel @p1 .LBB1_5-.Ltmp2, $1  }
0x38: {  	_ =	sdelay $0x3  }
0x39: {  	s18 =	simm.s32 $0x0  }
0x3a: {  	s17 =	sand.u32 $0x3800, s18;
	s19 =	sand.u32 $0x380, s18  }
0x3b: {  	s15 =	sand.u32 $0x1, s12;
	s17 =	sor.u32 s19, s17  }
0x3c: {  	_ =	swait.ge [sflag:s4], $0x4000;
	s16 =	sshll.u32 s15, $0xE;
	s19 =	sand.u32 $0x3B00, s17  }
0x3d: {  	[sflag:s4] =	ssyncset.done $0x0;
	s18 =	sand.u32 $0x80, s18;
	s19 =	sadd.s32 s19, s16  }
0x3e: {  	[sflag:s4] =	ssyncadd.s32 $0xFFFFC000;
	s21 =	sadd.s32 s18, s19  }
0x3f: {  	v4 =	vld [tilespmem:s21+$0x400]  }
0x40: {  	s20 =	simm.s32 $0x1;
	v5 =	vld [tilespmem:s21+$0x0]  }
0x41: {  	s20 =	simm.s32 @!p0 $0x0;
	v6 =	vld [tilespmem:s21+$0x10]  }
0x42: {  	v0 =	vmov s16;
	s31 =	smul.u32 $0x10400, s20;
	v7 =	vld [tilespmem:s21+$0x20]  }
0x43: {  	v9 =	vld [tilespmem:s21+$0x30]  }
0x44: {  	s18 =	sshrl.u32 s31, $0x2;
	v10 =	vld [tilespmem:s21+$0x40]  }
0x45: {  	s18 =	sor.u32 $0x8000, s18;
	v11 =	vld [tilespmem:s21+$0x50]  }
0x46: {  	v8 =	vld [tilespmem:s21+$0x60];
	s19 =	sadd.s32 $0x0, s18  }
0x47: {  	v1 =	vld.idx.msk [tilespmem:v0+s17+$0x410 ss:$0x1], $0xffff;
	[tilespmem:s19+$0x2080 ss:$0x41] =	vst.msk $0xffff, v4  }
0x48: {  	v2 =	vld.idx.msk [tilespmem:v0+s17+$0x420 ss:$0x1], $0xffff;
	[tilespmem:s19+$0x0 ss:$0x41] =	vst.msk $0xffff, v5  }
0x49: {  	v3 =	vld.idx.msk [tilespmem:v0+s17+$0x430 ss:$0x1], $0xffff;
	[tilespmem:s19+$0x410 ss:$0x41] =	vst.msk $0xffff, v6  }
0x4a: {  	s15 =	smul.u32 $0x10400, s15;
	[tilespmem:s19+$0x820 ss:$0x41] =	vst.msk $0xffff, v7;
	v7 =	vld [tilespmem:s21+$0x70]  }
0x4b: {  	s22 =	simm.s32 $0x100;
	s23 =	simm.s32 $0x8;
	[tilespmem:s19+$0xC30 ss:$0x41] =	vst.msk $0xffff, v9;
	v4 =	vld.idx.msk [tilespmem:v0+s17+$0x440 ss:$0x1], $0xffff  }
0x4c: {  	s24 =	sand.u32 $0x3800, s22;
	s15 =	sshrl.u32 s15, $0x2;
	[tilespmem:s19+$0x1040 ss:$0x41] =	vst.msk $0xffff, v10;
	v5 =	vld.idx.msk [tilespmem:v0+s17+$0x450 ss:$0x1], $0xffff;
	s21 =	simm.s32 $0x80  }
0x4d: {  	s20 =	simm.s32 $0x4;
	s15 =	sor.u32 $0x8000, s15;
	[tilespmem:s19+$0x1450 ss:$0x41] =	vst.msk $0xffff, v11;
	v6 =	vld.idx.msk [tilespmem:v0+s17+$0x460 ss:$0x1], $0xffff;
	s25 =	sand.u32 $0x380, s21  }
.LBB1_3:
0x4e: {  	p1 =	sne.s32 s23, $0xFC;
	[tilespmem:s19+$0x1860 ss:$0x41] =	vst.msk $0xffff, v8;
	v8 =	vld.idx.msk [tilespmem:v0+s17+$0x470 ss:$0x1], $0xffff;
	s17 =	sor.u32 s25, s24  }
0x4f: {  	s24 =	sand.u32 $0x3B00, s17;
	v9 =	vld.idx.msk [tilespmem:v0+s17+$0x410 ss:$0x1], $0xffff;
	[tilespmem:s19+$0x1C70 ss:$0x41] =	vst.msk $0xffff, v7  }
0x50: {  	s25 =	sand.u32 $0x80, s21;
	s24 =	sadd.s32 s24, s16;
	v7 =	vld.idx.msk [tilespmem:v0+s17+$0x420 ss:$0x1], $0xffff;
	[tilespmem:s19+$0x2490 ss:$0x41] =	vst.msk $0xffff, v1  }
0x51: {  	s24 =	sadd.s32 s25, s24;
	v10 =	vld.idx.msk [tilespmem:v0+s17+$0x430 ss:$0x1], $0xffff;
	[tilespmem:s19+$0x28A0 ss:$0x41] =	vst.msk $0xffff, v2  }
0x52: {  	v11 =	vld [tilespmem:s24+$0x400];
	[tilespmem:s19+$0x2CB0 ss:$0x41] =	vst.msk $0xffff, v3  }
0x53: {  	v12 =	vld [tilespmem:s24+$0x0];
	[tilespmem:s19+$0x30C0 ss:$0x41] =	vst.msk $0xffff, v4  }
0x54: {  	v4 =	vld [tilespmem:s24+$0x10];
	[tilespmem:s19+$0x34D0 ss:$0x41] =	vst.msk $0xffff, v5  }
0x55: {  	s25 =	sshra.s32 s20, $0x2;
	s20 =	smov.u32 s23;
	v1 =	vmov v9;
	v5 =	vld [tilespmem:s24+$0x20];
	[tilespmem:s19+$0x38E0 ss:$0x41] =	vst.msk $0xffff, v6  }
0x56: {  	v2 =	vmov v7;
	v6 =	vld [tilespmem:s24+$0x30];
	[tilespmem:s19+$0x3CF0 ss:$0x41] =	vst.msk $0xffff, v8;
	s19 =	sadd.s32 s25, s18  }
0x57: {  	v3 =	vmov v10;
	v9 =	vld [tilespmem:s24+$0x40];
	[tilespmem:s19+$0x2080 ss:$0x41] =	vst.msk $0xffff, v11  }
0x58: {  	[tilespmem:s19+$0x0 ss:$0x41] =	vst.msk $0xffff, v12;
	v10 =	vld [tilespmem:s24+$0x50]  }
.Ltmp3:
0x59: {  	[tilespmem:s19+$0x410 ss:$0x41] =	vst.msk $0xffff, v4;
	v8 =	vld [tilespmem:s24+$0x60];
	(pc) =	sbr.rel @p1 .LBB1_3-.Ltmp3, $4  }
0x5a: {  	[tilespmem:s19+$0x820 ss:$0x41] =	vst.msk $0xffff, v5;
	v7 =	vld [tilespmem:s24+$0x70]  }
0x5b: {  	[tilespmem:s19+$0xC30 ss:$0x41] =	vst.msk $0xffff, v6;
	v4 =	vld.idx.msk [tilespmem:v0+s17+$0x440 ss:$0x1], $0xffff  }
0x5c: {  	s21 =	sadd.s32 $0x80, s21;
	s22 =	sadd.s32 $0x100, s22;
	[tilespmem:s19+$0x1040 ss:$0x41] =	vst.msk $0xffff, v9;
	v5 =	vld.idx.msk [tilespmem:v0+s17+$0x450 ss:$0x1], $0xffff  }
0x5d: {  	s23 =	sadd.s32 $0x4, s23;
	s25 =	sand.u32 $0x380, s21;
	s24 =	sand.u32 $0x3800, s22;
	[tilespmem:s19+$0x1450 ss:$0x41] =	vst.msk $0xffff, v10;
	v6 =	vld.idx.msk [tilespmem:v0+s17+$0x460 ss:$0x1], $0xffff  }
.Ltmp4:
0x5e: {  	_ = 	snop;
	(pc) =	sbr.rel .LBB1_4-.Ltmp4, $1  }
0x5f: {  	_ =	sdelay $0x3  }
.LBB1_6:
0x60: {  	_ =	sfence.sel $0x180000  }
0x61: {  	s2 =	simm.s32 $0x1;
	[bflag:$0x0] =	sbarrier.arrive $0xFFFF  }
0x62: {  	s31 =	simm.s32 $0x2;
	[sflag:s2] =	ssyncpa.u1 $0x1  }
0x63: {  	[sflag:s31] =	ssyncpa.u1 $0x1  }
0x64: {  	p0 =	sne.s32 s0, $0x0;
	_ =	strace $0x90000047  }
0x65: {  	s0 =	sadd.s32 @!p0 $0x100000, s1;
	[bflag:$0x2] =	sbarrier.arrive $0xFFFF  }
0x66: {  	[sflag:s0] =	ssyncadd.tile.s32 @!p0 $0x1;
	_ =	shalt  }
.Lfunc_end1:
_tile_overlayer_lowered:
.L_overlay_start_2:
0x67: {  	(tag) =	ssettag $0x2  }
0x68: {  	s0 =	rddreg [dreg:$0x0];
	s2 =	stileid.u32  }
0x69: {  	s1 =	rddreg [dreg:$0x1];
	p0 =	sne.s32 s2, $0x0  }
0x6a: {  	s3 =	rddreg [dreg:$0x2];
	[bflag:$0x3] =	sbarrier.arrive $0xFFFF;
	s2 =	simm.s32 @!p0 $0x1C01  }
0x6b: {  	[timem:s3], [sflag:s2] =	dma.local @!p0 [hbm:s0], s1  }
0x6c: {  	s0 =	simm.s32 @!p0 $0x1  }
0x6d: {  	_ =	swait.ge @!p0 [sflag:s0], s1  }
0x6e: {  	s1 =	ssub.s32 @!p0 $0x0, s1;
	[sflag:s0] =	ssyncset.done @!p0 $0x0  }
0x6f: {  	[sflag:s0] =	ssyncadd.s32 @!p0 s1  }
0x70: {  	[bflag:$0x3] =	sbarrier.arrive $0xFFFF  }
0x71: {  	_ =	shalt  }

</sc_bundles>
